<compile_context>
chip_gen: v7x
topology: tpu7x:2x2x1
jax: 0.10.2.dev20260603
libtpu: 0.0.44.dev20260713+nightly
codegen_flags: <defaults>
</compile_context>

<pallas_src>
import jax
import jax.numpy as jnp
from jax import lax
from jax.experimental import pallas as pl
from jax.experimental.pallas import tpu as pltpu
from jax.experimental.pallas import tpu_sc as plsc

_B, _S, _D = 16384, 200, 64
_N = _B * _S
_W = 128
_NR = _N // _W

_INFO = plsc.get_sparse_core_info()
_NC, _NS = _INFO.num_cores, _INFO.num_subcores
_NW = _NC * _NS
_RCH = 8
_T = _RCH * _W
_H = _T // 2
_ROWS_W = _NR // _NW
_PER_W = _ROWS_W * _W
_CHUNKS = _ROWS_W // _RCH


def _sc_body(idx_hbm, tab_hbm, out_hbm,
             tab_v, idx_v0, idx_v1, out_v0, out_v1,
             wsem0, wsem1, isem0, isem1):
    wid = lax.axis_index("s") * _NC + lax.axis_index("c")
    row_base = wid * _ROWS_W
    tok_base = wid * _PER_W
    idx_v = (idx_v0, idx_v1)
    out_v = (out_v0, out_v1)
    wsem = (wsem0, wsem1)
    isem = (isem0, isem1)

    def fire_idx(i, b):
        pltpu.async_copy(idx_hbm.at[pl.ds(row_base + i * _RCH, _RCH), :],
                         idx_v[b], isem[b])

    pltpu.sync_copy(tab_hbm, tab_v)
    iota = jnp.arange(16, dtype=jnp.int32)
    cols = [iota + 16 * k for k in range(_D // 16)]
    lanes = [jnp.full((16,), l, jnp.int32) for l in range(16)]
    dnums = lax.GatherDimensionNumbers(
        offset_dims=(), collapsed_slice_dims=(0,), start_index_map=(0,))

    def half(ib, ibuf, tvec0, tok0):
        def group(gi, tvec):
            obase = pl.multiple_of(gi * (16 * _D), 8)
            idxg = plsc.load_gather(idx_v[ibuf], [tvec >> 7, tvec & (_W - 1)])
            for l in range(16):
                splat = lax.gather(
                    idxg, lanes[l][:, None], dnums, (1,),
                    mode=lax.GatherScatterMode.PROMISE_IN_BOUNDS)
                for k in range(_D // 16):
                    val = plsc.load_gather(tab_v, [splat, cols[k]])
                    out_v[ib][pl.ds(obase + l * _D + 16 * k, 16)] = val
            return tvec + 16

        lax.fori_loop(0, _H // 16, group, tvec0)
        pltpu.async_copy(out_v[ib], out_hbm.at[pl.ds(tok0 * _D, _H * _D)],
                         wsem[ib])

    fire_idx(0, 0)

    def pair(g, _):
        for b in range(2):
            i = 2 * g + b
            tok0 = tok_base + i * _T
            pltpu.make_async_copy(
                idx_hbm.at[pl.ds(row_base + i * _RCH, _RCH), :],
                idx_v[b], isem[b]).wait()

            @pl.when(i + 1 < _CHUNKS)
            def _():
                fire_idx(i + 1, 1 - b)

            for hb in range(2):
                @pl.when(i >= 1)
                def _():
                    pltpu.make_async_copy(
                        out_v[hb], out_hbm.at[pl.ds(tok0 * _D, _H * _D)],
                        wsem[hb]).wait()
                half(hb, b, iota + hb * _H, tok0 + hb * _H)
        return ()

    lax.fori_loop(0, _CHUNKS // 2, pair, ())
    for b in range(2):
        pltpu.make_async_copy(out_v[b],
                              out_hbm.at[pl.ds(tok_base * _D, _H * _D)],
                              wsem[b]).wait()


def kernel(inputs, table):
    idx = inputs.astype(jnp.int32).reshape(_NR, _W)
    out = pl.kernel(
        _sc_body,
        out_type=jax.ShapeDtypeStruct((_N * _D,), jnp.float32),
        mesh=plsc.VectorSubcoreMesh(core_axis_name="c", subcore_axis_name="s"),
        compiler_params=pltpu.CompilerParams(needs_layout_passes=False),
        scratch_types=[
            pltpu.VMEM((7, _D), jnp.float32),
            pltpu.VMEM((_RCH, _W), jnp.int32),
            pltpu.VMEM((_RCH, _W), jnp.int32),
            pltpu.VMEM((_H * _D,), jnp.float32),
            pltpu.VMEM((_H * _D,), jnp.float32),
            pltpu.SemaphoreType.DMA,
            pltpu.SemaphoreType.DMA,
            pltpu.SemaphoreType.DMA,
            pltpu.SemaphoreType.DMA,
        ],
    )(idx, table)
    return out.reshape(_B, _S, _D)

# --- scband reference (transcript-rebuilt; emitter-appended) ---
"""Pipeline reference for scband-cigar-embedding-layer-51049981280689 (READ-ONLY COPY).

The authoritative reference and input builder live on the scoring server;
editing this copy changes nothing except your own understanding.
"""

import jax, jax.numpy as jnp
import numpy as np

NUM_CIGAR_OPS = 5
PADDING_IDX = NUM_CIGAR_OPS  # 5
NUM_EMBEDDINGS = NUM_CIGAR_OPS + 2  # 7
EMBEDDING_DIM = 64


def setup_inputs(seed: int = 0) -> dict:
    key = jax.random.key(seed)
    k_idx, k_tab = jax.random.split(key)
    inputs = jax.random.randint(k_idx, (16384, 200), 0, 7, dtype=jnp.int64 if jax.config.jax_enable_x64 else jnp.int32)
    table = jax.random.normal(k_tab, (NUM_EMBEDDINGS, EMBEDDING_DIM), dtype=jnp.float32)
    # nn.Embedding zero-initializes the padding row
    table = table.at[PADDING_IDX].set(0.0)
    return {"inputs": inputs, "table": table}


def reference(inputs, table):
    # embeddings = self.embedding(inputs)  -> gather rows of the table
    embeddings = jnp.take(table, inputs, axis=0)
    return embeddings

if __name__ == "__main__":
    import jax
    _d = setup_inputs()
    print(jax.jit(kernel)(*tuple(_d.values())))

</pallas_src>

<mosaic_0001>
#map = affine_map<(d0, d1) -> (0, 0)>
#map1 = affine_map<(d0, d1) -> (0)>
module attributes {stable_mosaic.version = 14 : i64} {
  func.func @_sc_body(%arg0: i32, %arg1: i32, %arg2: memref<25600x128xi32, #tpu.memory_space<hbm>>, %arg3: memref<7x64xf32, #tpu.memory_space<hbm>>, %arg4: memref<209715200xf32, #tpu.memory_space<hbm>>, %arg5: memref<7x64xf32, #tpu.memory_space<vmem>>, %arg6: memref<8x128xi32, #tpu.memory_space<vmem>>, %arg7: memref<8x128xi32, #tpu.memory_space<vmem>>, %arg8: memref<32768xf32, #tpu.memory_space<vmem>>, %arg9: memref<32768xf32, #tpu.memory_space<vmem>>, %arg10: memref<!tpu.dma_semaphore, #tpu.memory_space<semaphore_mem>>, %arg11: memref<!tpu.dma_semaphore, #tpu.memory_space<semaphore_mem>>, %arg12: memref<!tpu.dma_semaphore, #tpu.memory_space<semaphore_mem>>, %arg13: memref<!tpu.dma_semaphore, #tpu.memory_space<semaphore_mem>>) attributes {dimension_semantics = [#tpu.dimension_semantics<core_parallel>, #tpu.dimension_semantics<subcore_parallel>], iteration_bounds = array<i64: 2, 16>, scalar_prefetch = 0 : i64, scratch_operands = 9 : i64, tpu.core_type = #tpu.core_type<sc_vector_subcore>, window_params = [{transform_indices = #map}, {transform_indices = #map}, {transform_indices = #map1}]} {
    %mul3A = arith.constant 2 : i32
    %mul3A_0 = arith.muli %arg1, %mul3A : i32
    %add3A = arith.addi %mul3A_0, %arg0 : i32
    %mul3A_1 = arith.constant 800 : i32
    %mul3A_2 = arith.muli %add3A, %mul3A_1 : i32
    %mul3A_3 = arith.constant 102400 : i32
    %mul3A_4 = arith.muli %add3A, %mul3A_3 : i32
    "tpu.region"() ({
      %run_scoped3A = tpu.sem_alloc : memref<!tpu.dma_semaphore, #tpu.memory_space<semaphore_mem>>
      tpu.enqueue_dma source(%arg3 : memref<7x64xf32, #tpu.memory_space<hbm>>) target(%arg5 : memref<7x64xf32, #tpu.memory_space<vmem>>) target_semaphore(%run_scoped3A : memref<!tpu.dma_semaphore, #tpu.memory_space<semaphore_mem>>)
      tpu.wait_dma2 semaphore(%run_scoped3A : memref<!tpu.dma_semaphore, #tpu.memory_space<semaphore_mem>>) src(%arg3 : memref<7x64xf32, #tpu.memory_space<hbm>>) dst(%arg5 : memref<7x64xf32, #tpu.memory_space<vmem>>)
      tpu.yield
    }) : () -> ()
    %iota3A = tpu.iota {dimensions = array<i32: 0>} : vector<16xi32>
    %add3A_5 = arith.constant 0 : i32
    %add3A_6 = vector.broadcast %add3A_5 : i32 to vector<16xi32>
    %add3A_7 = arith.addi %iota3A, %add3A_6 : vector<16xi32>
    %add3A_8 = arith.constant 16 : i32
    %add3A_9 = vector.broadcast %add3A_8 : i32 to vector<16xi32>
    %add3A_10 = arith.addi %iota3A, %add3A_9 : vector<16xi32>
    %add3A_11 = arith.constant 32 : i32
    %add3A_12 = vector.broadcast %add3A_11 : i32 to vector<16xi32>
    %add3A_13 = arith.addi %iota3A, %add3A_12 : vector<16xi32>
    %add3A_14 = arith.constant 48 : i32
    %add3A_15 = vector.broadcast %add3A_14 : i32 to vector<16xi32>
    %add3A_16 = arith.addi %iota3A, %add3A_15 : vector<16xi32>
    %broadcast_in_dim3A = arith.constant 0 : i32
    %broadcast_in_dim3A_17 = vector.broadcast %broadcast_in_dim3A : i32 to vector<16xi32>
    %broadcast_in_dim3A_18 = arith.constant 1 : i32
    %broadcast_in_dim3A_19 = vector.broadcast %broadcast_in_dim3A_18 : i32 to vector<16xi32>
    %broadcast_in_dim3A_20 = arith.constant 2 : i32
    %broadcast_in_dim3A_21 = vector.broadcast %broadcast_in_dim3A_20 : i32 to vector<16xi32>
    %broadcast_in_dim3A_22 = arith.constant 3 : i32
    %broadcast_in_dim3A_23 = vector.broadcast %broadcast_in_dim3A_22 : i32 to vector<16xi32>
    %broadcast_in_dim3A_24 = arith.constant 4 : i32
    %broadcast_in_dim3A_25 = vector.broadcast %broadcast_in_dim3A_24 : i32 to vector<16xi32>
    %broadcast_in_dim3A_26 = arith.constant 5 : i32
    %broadcast_in_dim3A_27 = vector.broadcast %broadcast_in_dim3A_26 : i32 to vector<16xi32>
    %broadcast_in_dim3A_28 = arith.constant 6 : i32
    %broadcast_in_dim3A_29 = vector.broadcast %broadcast_in_dim3A_28 : i32 to vector<16xi32>
    %broadcast_in_dim3A_30 = arith.constant 7 : i32
    %broadcast_in_dim3A_31 = vector.broadcast %broadcast_in_dim3A_30 : i32 to vector<16xi32>
    %broadcast_in_dim3A_32 = arith.constant 8 : i32
    %broadcast_in_dim3A_33 = vector.broadcast %broadcast_in_dim3A_32 : i32 to vector<16xi32>
    %broadcast_in_dim3A_34 = arith.constant 9 : i32
    %broadcast_in_dim3A_35 = vector.broadcast %broadcast_in_dim3A_34 : i32 to vector<16xi32>
    %broadcast_in_dim3A_36 = arith.constant 10 : i32
    %broadcast_in_dim3A_37 = vector.broadcast %broadcast_in_dim3A_36 : i32 to vector<16xi32>
    %broadcast_in_dim3A_38 = arith.constant 11 : i32
    %broadcast_in_dim3A_39 = vector.broadcast %broadcast_in_dim3A_38 : i32 to vector<16xi32>
    %broadcast_in_dim3A_40 = arith.constant 12 : i32
    %broadcast_in_dim3A_41 = vector.broadcast %broadcast_in_dim3A_40 : i32 to vector<16xi32>
    %broadcast_in_dim3A_42 = arith.constant 13 : i32
    %broadcast_in_dim3A_43 = vector.broadcast %broadcast_in_dim3A_42 : i32 to vector<16xi32>
    %broadcast_in_dim3A_44 = arith.constant 14 : i32
    %broadcast_in_dim3A_45 = vector.broadcast %broadcast_in_dim3A_44 : i32 to vector<16xi32>
    %broadcast_in_dim3A_46 = arith.constant 15 : i32
    %broadcast_in_dim3A_47 = vector.broadcast %broadcast_in_dim3A_46 : i32 to vector<16xi32>
    %add3A_48 = arith.constant 0 : i32
    %add3A_49 = arith.addi %mul3A_2, %add3A_48 : i32
    %dma_start3A = arith.constant 0 : i32
    %dma_start3A_50 = tpu.memref_slice %arg2[%add3A_49, %dma_start3A] : memref<25600x128xi32, #tpu.memory_space<hbm>> -> memref<8x128xi32, #tpu.memory_space<hbm>>
    %dma_start3A_51 = arith.constant 0 : i32
    %dma_start3A_52 = tpu.memref_slice %arg2[%add3A_49, %dma_start3A_51] : memref<25600x128xi32, #tpu.memory_space<hbm>> -> memref<8x128xi32, #tpu.memory_space<hbm>>
    tpu.enqueue_dma source(%dma_start3A_52 : memref<8x128xi32, #tpu.memory_space<hbm>>) target(%arg6 : memref<8x128xi32, #tpu.memory_space<vmem>>) target_semaphore(%arg12 : memref<!tpu.dma_semaphore, #tpu.memory_space<semaphore_mem>>)
    %scan3A = arith.constant 0 : i32
    %scan3A_53 = arith.constant 50 : i32
    %scan3A_54 = arith.addi %scan3A, %scan3A_53 : i32
    %scan3A_55 = arith.constant 1 : i32
    scf.for %scan3A_64 = %scan3A to %scan3A_54 step %scan3A_55  : i32 {
      %mul3A_65 = arith.constant 2 : i32
      %mul3A_66 = arith.muli %mul3A_65, %scan3A_64 : i32
      %add3A_67 = arith.constant 0 : i32
      %add3A_68 = arith.addi %mul3A_66, %add3A_67 : i32
      %mul3A_69 = arith.constant 1024 : i32
      %mul3A_70 = arith.muli %add3A_68, %mul3A_69 : i32
      %add3A_71 = arith.addi %mul3A_4, %mul3A_70 : i32
      %mul3A_72 = arith.constant 8 : i32
      %mul3A_73 = arith.muli %add3A_68, %mul3A_72 : i32
      %add3A_74 = arith.addi %mul3A_2, %mul3A_73 : i32
      %dma_wait3A_75 = arith.constant 0 : i32
      %dma_wait3A_76 = tpu.memref_slice %arg2[%add3A_74, %dma_wait3A_75] : memref<25600x128xi32, #tpu.memory_space<hbm>> -> memref<8x128xi32, #tpu.memory_space<hbm>>
      %dma_wait3A_77 = arith.constant 0 : i32
      %dma_wait3A_78 = tpu.memref_slice %arg2[%add3A_74, %dma_wait3A_77] : memref<25600x128xi32, #tpu.memory_space<hbm>> -> memref<8x128xi32, #tpu.memory_space<hbm>>
      tpu.wait_dma2 semaphore(%arg12 : memref<!tpu.dma_semaphore, #tpu.memory_space<semaphore_mem>>) src(%dma_wait3A_78 : memref<8x128xi32, #tpu.memory_space<hbm>>) dst(%arg6 : memref<8x128xi32, #tpu.memory_space<vmem>>)
      %add3A_79 = arith.constant 1 : i32
      %add3A_80 = arith.addi %add3A_68, %add3A_79 : i32
      %lt3A = arith.constant 100 : i32
      %lt3A_81 = arith.cmpi slt, %add3A_80, %lt3A : i32
      %convert_element_type3A = arith.extui %lt3A_81 : i1 to i32
      %cond3A = arith.constant 0 : i32
      %cond3A_82 = arith.cmpi ne, %convert_element_type3A, %cond3A : i32
      scf.if %cond3A_82 {
        %add3A_183 = arith.constant 1 : i32
        %add3A_184 = arith.addi %add3A_68, %add3A_183 : i32
        %mul3A_185 = arith.constant 8 : i32
        %mul3A_186 = arith.muli %add3A_184, %mul3A_185 : i32
        %add3A_187 = arith.addi %mul3A_2, %mul3A_186 : i32
        %dma_start3A_188 = arith.constant 0 : i32
        %dma_start3A_189 = tpu.memref_slice %arg2[%add3A_187, %dma_start3A_188] : memref<25600x128xi32, #tpu.memory_space<hbm>> -> memref<8x128xi32, #tpu.memory_space<hbm>>
        %dma_start3A_190 = arith.constant 0 : i32
        %dma_start3A_191 = tpu.memref_slice %arg2[%add3A_187, %dma_start3A_190] : memref<25600x128xi32, #tpu.memory_space<hbm>> -> memref<8x128xi32, #tpu.memory_space<hbm>>
        tpu.enqueue_dma source(%dma_start3A_191 : memref<8x128xi32, #tpu.memory_space<hbm>>) target(%arg7 : memref<8x128xi32, #tpu.memory_space<vmem>>) target_semaphore(%arg13 : memref<!tpu.dma_semaphore, #tpu.memory_space<semaphore_mem>>)
      } else {
      }
      %ge3A = arith.constant 1 : i32
      %ge3A_83 = arith.cmpi sge, %add3A_68, %ge3A : i32
      %convert_element_type3A_84 = arith.extui %ge3A_83 : i1 to i32
      %cond3A_85 = arith.constant 0 : i32
      %cond3A_86 = arith.cmpi ne, %convert_element_type3A_84, %cond3A_85 : i32
      scf.if %cond3A_86 {
        %mul3A_183 = arith.constant 64 : i32
        %mul3A_184 = arith.muli %add3A_71, %mul3A_183 : i32
        %dma_wait3A_185 = tpu.memref_slice %arg4[%mul3A_184] : memref<209715200xf32, #tpu.memory_space<hbm>> -> memref<32768xf32, #tpu.memory_space<hbm>>
        %dma_wait3A_186 = tpu.memref_slice %arg4[%mul3A_184] : memref<209715200xf32, #tpu.memory_space<hbm>> -> memref<32768xf32, #tpu.memory_space<hbm>>
        tpu.wait_dma2 semaphore(%arg10 : memref<!tpu.dma_semaphore, #tpu.memory_space<semaphore_mem>>) src(%arg8 : memref<32768xf32, #tpu.memory_space<vmem>>) dst(%dma_wait3A_186 : memref<32768xf32, #tpu.memory_space<hbm>>)
      } else {
      }
      %add3A_87 = arith.constant 0 : i32
      %add3A_88 = vector.broadcast %add3A_87 : i32 to vector<16xi32>
      %add3A_89 = arith.addi %iota3A, %add3A_88 : vector<16xi32>
      %add3A_90 = arith.constant 0 : i32
      %add3A_91 = arith.addi %add3A_71, %add3A_90 : i32
      %scan3A_92 = arith.constant 0 : i32
      %scan3A_93 = arith.constant 32 : i32
      %scan3A_94 = arith.addi %scan3A_92, %scan3A_93 : i32
      %scan3A_95 = arith.constant 1 : i32
      %scan3A_96 = scf.for %scan3A_183 = %scan3A_92 to %scan3A_94 step %scan3A_95 iter_args(%scan3A_184 = %add3A_89) -> (vector<16xi32>)  : i32 {
        %mul3A_185 = arith.constant 1024 : i32
        %mul3A_186 = arith.muli %scan3A_183, %mul3A_185 : i32
        %multiple_of3A = tpu.assume_multiple %mul3A_186, 8 : i32
        %shift_right_arithmetic3A = arith.constant 7 : i32
        %shift_right_arithmetic3A_187 = vector.broadcast %shift_right_arithmetic3A : i32 to vector<16xi32>
        %shift_right_arithmetic3A_188 = arith.shrsi %scan3A_184, %shift_right_arithmetic3A_187 : vector<16xi32>
        %and3A = arith.constant 127 : i32
        %and3A_189 = vector.broadcast %and3A : i32 to vector<16xi32>
        %and3A_190 = arith.andi %scan3A_184, %and3A_189 : vector<16xi32>
        %gather3A = tpu.vector_load_idx %arg6[%shift_right_arithmetic3A_188, %and3A_190] : memref<8x128xi32, #tpu.memory_space<vmem>>[vector<16xi32>, vector<16xi32>], vector<16xi32>,
        %broadcast_in_dim3A_191 = vector.shape_cast %broadcast_in_dim3A_17 : vector<16xi32> to vector<16x1xi32>
        %gather3A_192 = vector.shape_cast %broadcast_in_dim3A_191 : vector<16x1xi32> to vector<16xi32>
        %gather3A_193 = tpu.dynamic_gather %gather3A[%gather3A_192] in [0] : vector<16xi32>, vector<16xi32> -> vector<16xi32>
        %gather3A_194 = tpu.vector_load_idx %arg5[%gather3A_193, %add3A_7] : memref<7x64xf32, #tpu.memory_space<vmem>>[vector<16xi32>, vector<16xi32>], vector<16xf32>,
        %add3A_195 = arith.constant 0 : i32
        %add3A_196 = arith.addi %multiple_of3A, %add3A_195 : i32
        %add3A_197 = arith.constant 0 : i32
        %add3A_198 = arith.addi %add3A_196, %add3A_197 : i32
        %swap3A = arith.index_cast %add3A_198 : i32 to index
        %swap3A_199 = tpu.vector_load %arg8[%swap3A] {strides = array<i32>} : memref<32768xf32, #tpu.memory_space<vmem>>, vector<16xf32>,
        tpu.vector_store %arg8[%swap3A], %gather3A_194 {strides = array<i32>} : memref<32768xf32, #tpu.memory_space<vmem>>, vector<16xf32>,
        %gather3A_200 = tpu.vector_load_idx %arg5[%gather3A_193, %add3A_10] : memref<7x64xf32, #tpu.memory_space<vmem>>[vector<16xi32>, vector<16xi32>], vector<16xf32>,
        %add3A_201 = arith.constant 0 : i32
        %add3A_202 = arith.addi %multiple_of3A, %add3A_201 : i32
        %add3A_203 = arith.constant 16 : i32
        %add3A_204 = arith.addi %add3A_202, %add3A_203 : i32
        %swap3A_205 = arith.index_cast %add3A_204 : i32 to index
        %swap3A_206 = tpu.vector_load %arg8[%swap3A_205] {strides = array<i32>} : memref<32768xf32, #tpu.memory_space<vmem>>, vector<16xf32>,
        tpu.vector_store %arg8[%swap3A_205], %gather3A_200 {strides = array<i32>} : memref<32768xf32, #tpu.memory_space<vmem>>, vector<16xf32>,
        %gather3A_207 = tpu.vector_load_idx %arg5[%gather3A_193, %add3A_13] : memref<7x64xf32, #tpu.memory_space<vmem>>[vector<16xi32>, vector<16xi32>], vector<16xf32>,
        %add3A_208 = arith.constant 0 : i32
        %add3A_209 = arith.addi %multiple_of3A, %add3A_208 : i32
        %add3A_210 = arith.constant 32 : i32
        %add3A_211 = arith.addi %add3A_209, %add3A_210 : i32
        %swap3A_212 = arith.index_cast %add3A_211 : i32 to index
        %swap3A_213 = tpu.vector_load %arg8[%swap3A_212] {strides = array<i32>} : memref<32768xf32, #tpu.memory_space<vmem>>, vector<16xf32>,
        tpu.vector_store %arg8[%swap3A_212], %gather3A_207 {strides = array<i32>} : memref<32768xf32, #tpu.memory_space<vmem>>, vector<16xf32>,
        %gather3A_214 = tpu.vector_load_idx %arg5[%gather3A_193, %add3A_16] : memref<7x64xf32, #tpu.memory_space<vmem>>[vector<16xi32>, vector<16xi32>], vector<16xf32>,
        %add3A_215 = arith.constant 0 : i32
        %add3A_216 = arith.addi %multiple_of3A, %add3A_215 : i32
        %add3A_217 = arith.constant 48 : i32
        %add3A_218 = arith.addi %add3A_216, %add3A_217 : i32
        %swap3A_219 = arith.index_cast %add3A_218 : i32 to index
        %swap3A_220 = tpu.vector_load %arg8[%swap3A_219] {strides = array<i32>} : memref<32768xf32, #tpu.memory_space<vmem>>, vector<16xf32>,
        tpu.vector_store %arg8[%swap3A_219], %gather3A_214 {strides = array<i32>} : memref<32768xf32, #tpu.memory_space<vmem>>, vector<16xf32>,
        %broadcast_in_dim3A_221 = vector.shape_cast %broadcast_in_dim3A_19 : vector<16xi32> to vector<16x1xi32>
        %gather3A_222 = vector.shape_cast %broadcast_in_dim3A_221 : vector<16x1xi32> to vector<16xi32>
        %gather3A_223 = tpu.dynamic_gather %gather3A[%gather3A_222] in [0] : vector<16xi32>, vector<16xi32> -> vector<16xi32>
        %gather3A_224 = tpu.vector_load_idx %arg5[%gather3A_223, %add3A_7] : memref<7x64xf32, #tpu.memory_space<vmem>>[vector<16xi32>, vector<16xi32>], vector<16xf32>,
        %add3A_225 = arith.constant 64 : i32
        %add3A_226 = arith.addi %multiple_of3A, %add3A_225 : i32
        %add3A_227 = arith.constant 0 : i32
        %add3A_228 = arith.addi %add3A_226, %add3A_227 : i32
        %swap3A_229 = arith.index_cast %add3A_228 : i32 to index
        %swap3A_230 = tpu.vector_load %arg8[%swap3A_229] {strides = array<i32>} : memref<32768xf32, #tpu.memory_space<vmem>>, vector<16xf32>,
        tpu.vector_store %arg8[%swap3A_229], %gather3A_224 {strides = array<i32>} : memref<32768xf32, #tpu.memory_space<vmem>>, vector<16xf32>,
        %gather3A_231 = tpu.vector_load_idx %arg5[%gather3A_223, %add3A_10] : memref<7x64xf32, #tpu.memory_space<vmem>>[vector<16xi32>, vector<16xi32>], vector<16xf32>,
        %add3A_232 = arith.constant 64 : i32
        %add3A_233 = arith.addi %multiple_of3A, %add3A_232 : i32
        %add3A_234 = arith.constant 16 : i32
        %add3A_235 = arith.addi %add3A_233, %add3A_234 : i32
        %swap3A_236 = arith.index_cast %add3A_235 : i32 to index
        %swap3A_237 = tpu.vector_load %arg8[%swap3A_236] {strides = array<i32>} : memref<32768xf32, #tpu.memory_space<vmem>>, vector<16xf32>,
        tpu.vector_store %arg8[%swap3A_236], %gather3A_231 {strides = array<i32>} : memref<32768xf32, #tpu.memory_space<vmem>>, vector<16xf32>,
        %gather3A_238 = tpu.vector_load_idx %arg5[%gather3A_223, %add3A_13] : memref<7x64xf32, #tpu.memory_space<vmem>>[vector<16xi32>, vector<16xi32>], vector<16xf32>,
        %add3A_239 = arith.constant 64 : i32
        %add3A_240 = arith.addi %multiple_of3A, %add3A_239 : i32
        %add3A_241 = arith.constant 32 : i32
        %add3A_242 = arith.addi %add3A_240, %add3A_241 : i32
        %swap3A_243 = arith.index_cast %add3A_242 : i32 to index
        %swap3A_244 = tpu.vector_load %arg8[%swap3A_243] {strides = array<i32>} : memref<32768xf32, #tpu.memory_space<vmem>>, vector<16xf32>,
        tpu.vector_store %arg8[%swap3A_243], %gather3A_238 {strides = array<i32>} : memref<32768xf32, #tpu.memory_space<vmem>>, vector<16xf32>,
        %gather3A_245 = tpu.vector_load_idx %arg5[%gather3A_223, %add3A_16] : memref<7x64xf32, #tpu.memory_space<vmem>>[vector<16xi32>, vector<16xi32>], vector<16xf32>,
        %add3A_246 = arith.constant 64 : i32
        %add3A_247 = arith.addi %multiple_of3A, %add3A_246 : i32
        %add3A_248 = arith.constant 48 : i32
        %add3A_249 = arith.addi %add3A_247, %add3A_248 : i32
        %swap3A_250 = arith.index_cast %add3A_249 : i32 to index
        %swap3A_251 = tpu.vector_load %arg8[%swap3A_250] {strides = array<i32>} : memref<32768xf32, #tpu.memory_space<vmem>>, vector<16xf32>,
        tpu.vector_store %arg8[%swap3A_250], %gather3A_245 {strides = array<i32>} : memref<32768xf32, #tpu.memory_space<vmem>>, vector<16xf32>,
        %broadcast_in_dim3A_252 = vector.shape_cast %broadcast_in_dim3A_21 : vector<16xi32> to vector<16x1xi32>
        %gather3A_253 = vector.shape_cast %broadcast_in_dim3A_252 : vector<16x1xi32> to vector<16xi32>
        %gather3A_254 = tpu.dynamic_gather %gather3A[%gather3A_253] in [0] : vector<16xi32>, vector<16xi32> -> vector<16xi32>
        %gather3A_255 = tpu.vector_load_idx %arg5[%gather3A_254, %add3A_7] : memref<7x64xf32, #tpu.memory_space<vmem>>[vector<16xi32>, vector<16xi32>], vector<16xf32>,
        %add3A_256 = arith.constant 128 : i32
        %add3A_257 = arith.addi %multiple_of3A, %add3A_256 : i32
        %add3A_258 = arith.constant 0 : i32
        %add3A_259 = arith.addi %add3A_257, %add3A_258 : i32
        %swap3A_260 = arith.index_cast %add3A_259 : i32 to index
        %swap3A_261 = tpu.vector_load %arg8[%swap3A_260] {strides = array<i32>} : memref<32768xf32, #tpu.memory_space<vmem>>, vector<16xf32>,
        tpu.vector_store %arg8[%swap3A_260], %gather3A_255 {strides = array<i32>} : memref<32768xf32, #tpu.memory_space<vmem>>, vector<16xf32>,
        %gather3A_262 = tpu.vector_load_idx %arg5[%gather3A_254, %add3A_10] : memref<7x64xf32, #tpu.memory_space<vmem>>[vector<16xi32>, vector<16xi32>], vector<16xf32>,
        %add3A_263 = arith.constant 128 : i32
        %add3A_264 = arith.addi %multiple_of3A, %add3A_263 : i32
        %add3A_265 = arith.constant 16 : i32
        %add3A_266 = arith.addi %add3A_264, %add3A_265 : i32
        %swap3A_267 = arith.index_cast %add3A_266 : i32 to index
        %swap3A_268 = tpu.vector_load %arg8[%swap3A_267] {strides = array<i32>} : memref<32768xf32, #tpu.memory_space<vmem>>, vector<16xf32>,
        tpu.vector_store %arg8[%swap3A_267], %gather3A_262 {strides = array<i32>} : memref<32768xf32, #tpu.memory_space<vmem>>, vector<16xf32>,
        %gather3A_269 = tpu.vector_load_idx %arg5[%gather3A_254, %add3A_13] : memref<7x64xf32, #tpu.memory_space<vmem>>[vector<16xi32>, vector<16xi32>], vector<16xf32>,
        %add3A_270 = arith.constant 128 : i32
        %add3A_271 = arith.addi %multiple_of3A, %add3A_270 : i32
        %add3A_272 = arith.constant 32 : i32
        %add3A_273 = arith.addi %add3A_271, %add3A_272 : i32
        %swap3A_274 = arith.index_cast %add3A_273 : i32 to index
        %swap3A_275 = tpu.vector_load %arg8[%swap3A_274] {strides = array<i32>} : memref<32768xf32, #tpu.memory_space<vmem>>, vector<16xf32>,
        tpu.vector_store %arg8[%swap3A_274], %gather3A_269 {strides = array<i32>} : memref<32768xf32, #tpu.memory_space<vmem>>, vector<16xf32>,
        %gather3A_276 = tpu.vector_load_idx %arg5[%gather3A_254, %add3A_16] : memref<7x64xf32, #tpu.memory_space<vmem>>[vector<16xi32>, vector<16xi32>], vector<16xf32>,
        %add3A_277 = arith.constant 128 : i32
        %add3A_278 = arith.addi %multiple_of3A, %add3A_277 : i32
        %add3A_279 = arith.constant 48 : i32
        %add3A_280 = arith.addi %add3A_278, %add3A_279 : i32
        %swap3A_281 = arith.index_cast %add3A_280 : i32 to index
        %swap3A_282 = tpu.vector_load %arg8[%swap3A_281] {strides = array<i32>} : memref<32768xf32, #tpu.memory_space<vmem>>, vector<16xf32>,
        tpu.vector_store %arg8[%swap3A_281], %gather3A_276 {strides = array<i32>} : memref<32768xf32, #tpu.memory_space<vmem>>, vector<16xf32>,
        %broadcast_in_dim3A_283 = vector.shape_cast %broadcast_in_dim3A_23 : vector<16xi32> to vector<16x1xi32>
        %gather3A_284 = vector.shape_cast %broadcast_in_dim3A_283 : vector<16x1xi32> to vector<16xi32>
        %gather3A_285 = tpu.dynamic_gather %gather3A[%gather3A_284] in [0] : vector<16xi32>, vector<16xi32> -> vector<16xi32>
        %gather3A_286 = tpu.vector_load_idx %arg5[%gather3A_285, %add3A_7] : memref<7x64xf32, #tpu.memory_space<vmem>>[vector<16xi32>, vector<16xi32>], vector<16xf32>,
        %add3A_287 = arith.constant 192 : i32
        %add3A_288 = arith.addi %multiple_of3A, %add3A_287 : i32
        %add3A_289 = arith.constant 0 : i32
        %add3A_290 = arith.addi %add3A_288, %add3A_289 : i32
        %swap3A_291 = arith.index_cast %add3A_290 : i32 to index
        %swap3A_292 = tpu.vector_load %arg8[%swap3A_291] {strides = array<i32>} : memref<32768xf32, #tpu.memory_space<vmem>>, vector<16xf32>,
        tpu.vector_store %arg8[%swap3A_291], %gather3A_286 {strides = array<i32>} : memref<32768xf32, #tpu.memory_space<vmem>>, vector<16xf32>,
        %gather3A_293 = tpu.vector_load_idx %arg5[%gather3A_285, %add3A_10] : memref<7x64xf32, #tpu.memory_space<vmem>>[vector<16xi32>, vector<16xi32>], vector<16xf32>,
        %add3A_294 = arith.constant 192 : i32
        %add3A_295 = arith.addi %multiple_of3A, %add3A_294 : i32
        %add3A_296 = arith.constant 16 : i32
        %add3A_297 = arith.addi %add3A_295, %add3A_296 : i32
        %swap3A_298 = arith.index_cast %add3A_297 : i32 to index
        %swap3A_299 = tpu.vector_load %arg8[%swap3A_298] {strides = array<i32>} : memref<32768xf32, #tpu.memory_space<vmem>>, vector<16xf32>,
        tpu.vector_store %arg8[%swap3A_298], %gather3A_293 {strides = array<i32>} : memref<32768xf32, #tpu.memory_space<vmem>>, vector<16xf32>,
        %gather3A_300 = tpu.vector_load_idx %arg5[%gather3A_285, %add3A_13] : memref<7x64xf32, #tpu.memory_space<vmem>>[vector<16xi32>, vector<16xi32>], vector<16xf32>,
        %add3A_301 = arith.constant 192 : i32
        %add3A_302 = arith.addi %multiple_of3A, %add3A_301 : i32
        %add3A_303 = arith.constant 32 : i32
        %add3A_304 = arith.addi %add3A_302, %add3A_303 : i32
        %swap3A_305 = arith.index_cast %add3A_304 : i32 to index
        %swap3A_306 = tpu.vector_load %arg8[%swap3A_305] {strides = array<i32>} : memref<32768xf32, #tpu.memory_space<vmem>>, vector<16xf32>,
        tpu.vector_store %arg8[%swap3A_305], %gather3A_300 {strides = array<i32>} : memref<32768xf32, #tpu.memory_space<vmem>>, vector<16xf32>,
        %gather3A_307 = tpu.vector_load_idx %arg5[%gather3A_285, %add3A_16] : memref<7x64xf32, #tpu.memory_space<vmem>>[vector<16xi32>, vector<16xi32>], vector<16xf32>,
        %add3A_308 = arith.constant 192 : i32
        %add3A_309 = arith.addi %multiple_of3A, %add3A_308 : i32
        %add3A_310 = arith.constant 48 : i32
        %add3A_311 = arith.addi %add3A_309, %add3A_310 : i32
        %swap3A_312 = arith.index_cast %add3A_311 : i32 to index
        %swap3A_313 = tpu.vector_load %arg8[%swap3A_312] {strides = array<i32>} : memref<32768xf32, #tpu.memory_space<vmem>>, vector<16xf32>,
        tpu.vector_store %arg8[%swap3A_312], %gather3A_307 {strides = array<i32>} : memref<32768xf32, #tpu.memory_space<vmem>>, vector<16xf32>,
        %broadcast_in_dim3A_314 = vector.shape_cast %broadcast_in_dim3A_25 : vector<16xi32> to vector<16x1xi32>
        %gather3A_315 = vector.shape_cast %broadcast_in_dim3A_314 : vector<16x1xi32> to vector<16xi32>
        %gather3A_316 = tpu.dynamic_gather %gather3A[%gather3A_315] in [0] : vector<16xi32>, vector<16xi32> -> vector<16xi32>
        %gather3A_317 = tpu.vector_load_idx %arg5[%gather3A_316, %add3A_7] : memref<7x64xf32, #tpu.memory_space<vmem>>[vector<16xi32>, vector<16xi32>], vector<16xf32>,
        %add3A_318 = arith.constant 256 : i32
        %add3A_319 = arith.addi %multiple_of3A, %add3A_318 : i32
        %add3A_320 = arith.constant 0 : i32
        %add3A_321 = arith.addi %add3A_319, %add3A_320 : i32
        %swap3A_322 = arith.index_cast %add3A_321 : i32 to index
        %swap3A_323 = tpu.vector_load %arg8[%swap3A_322] {strides = array<i32>} : memref<32768xf32, #tpu.memory_space<vmem>>, vector<16xf32>,
        tpu.vector_store %arg8[%swap3A_322], %gather3A_317 {strides = array<i32>} : memref<32768xf32, #tpu.memory_space<vmem>>, vector<16xf32>,
        %gather3A_324 = tpu.vector_load_idx %arg5[%gather3A_316, %add3A_10] : memref<7x64xf32, #tpu.memory_space<vmem>>[vector<16xi32>, vector<16xi32>], vector<16xf32>,
        %add3A_325 = arith.constant 256 : i32
        %add3A_326 = arith.addi %multiple_of3A, %add3A_325 : i32
        %add3A_327 = arith.constant 16 : i32
        %add3A_328 = arith.addi %add3A_326, %add3A_327 : i32
        %swap3A_329 = arith.index_cast %add3A_328 : i32 to index
        %swap3A_330 = tpu.vector_load %arg8[%swap3A_329] {strides = array<i32>} : memref<32768xf32, #tpu.memory_space<vmem>>, vector<16xf32>,
        tpu.vector_store %arg8[%swap3A_329], %gather3A_324 {strides = array<i32>} : memref<32768xf32, #tpu.memory_space<vmem>>, vector<16xf32>,
        %gather3A_331 = tpu.vector_load_idx %arg5[%gather3A_316, %add3A_13] : memref<7x64xf32, #tpu.memory_space<vmem>>[vector<16xi32>, vector<16xi32>], vector<16xf32>,
        %add3A_332 = arith.constant 256 : i32
        %add3A_333 = arith.addi %multiple_of3A, %add3A_332 : i32
        %add3A_334 = arith.constant 32 : i32
        %add3A_335 = arith.addi %add3A_333, %add3A_334 : i32
        %swap3A_336 = arith.index_cast %add3A_335 : i32 to index
        %swap3A_337 = tpu.vector_load %arg8[%swap3A_336] {strides = array<i32>} : memref<32768xf32, #tpu.memory_space<vmem>>, vector<16xf32>,
        tpu.vector_store %arg8[%swap3A_336], %gather3A_331 {strides = array<i32>} : memref<32768xf32, #tpu.memory_space<vmem>>, vector<16xf32>,
        %gather3A_338 = tpu.vector_load_idx %arg5[%gather3A_316, %add3A_16] : memref<7x64xf32, #tpu.memory_space<vmem>>[vector<16xi32>, vector<16xi32>], vector<16xf32>,
        %add3A_339 = arith.constant 256 : i32
        %add3A_340 = arith.addi %multiple_of3A, %add3A_339 : i32
        %add3A_341 = arith.constant 48 : i32
        %add3A_342 = arith.addi %add3A_340, %add3A_341 : i32
        %swap3A_343 = arith.index_cast %add3A_342 : i32 to index
        %swap3A_344 = tpu.vector_load %arg8[%swap3A_343] {strides = array<i32>} : memref<32768xf32, #tpu.memory_space<vmem>>, vector<16xf32>,
        tpu.vector_store %arg8[%swap3A_343], %gather3A_338 {strides = array<i32>} : memref<32768xf32, #tpu.memory_space<vmem>>, vector<16xf32>,
        %broadcast_in_dim3A_345 = vector.shape_cast %broadcast_in_dim3A_27 : vector<16xi32> to vector<16x1xi32>
        %gather3A_346 = vector.shape_cast %broadcast_in_dim3A_345 : vector<16x1xi32> to vector<16xi32>
        %gather3A_347 = tpu.dynamic_gather %gather3A[%gather3A_346] in [0] : vector<16xi32>, vector<16xi32> -> vector<16xi32>
        %gather3A_348 = tpu.vector_load_idx %arg5[%gather3A_347, %add3A_7] : memref<7x64xf32, #tpu.memory_space<vmem>>[vector<16xi32>, vector<16xi32>], vector<16xf32>,
        %add3A_349 = arith.constant 320 : i32
        %add3A_350 = arith.addi %multiple_of3A, %add3A_349 : i32
        %add3A_351 = arith.constant 0 : i32
        %add3A_352 = arith.addi %add3A_350, %add3A_351 : i32
        %swap3A_353 = arith.index_cast %add3A_352 : i32 to index
        %swap3A_354 = tpu.vector_load %arg8[%swap3A_353] {strides = array<i32>} : memref<32768xf32, #tpu.memory_space<vmem>>, vector<16xf32>,
        tpu.vector_store %arg8[%swap3A_353], %gather3A_348 {strides = array<i32>} : memref<32768xf32, #tpu.memory_space<vmem>>, vector<16xf32>,
        %gather3A_355 = tpu.vector_load_idx %arg5[%gather3A_347, %add3A_10] : memref<7x64xf32, #tpu.memory_space<vmem>>[vector<16xi32>, vector<16xi32>], vector<16xf32>,
        %add3A_356 = arith.constant 320 : i32
        %add3A_357 = arith.addi %multiple_of3A, %add3A_356 : i32
        %add3A_358 = arith.constant 16 : i32
        %add3A_359 = arith.addi %add3A_357, %add3A_358 : i32
        %swap3A_360 = arith.index_cast %add3A_359 : i32 to index
        %swap3A_361 = tpu.vector_load %arg8[%swap3A_360] {strides = array<i32>} : memref<32768xf32, #tpu.memory_space<vmem>>, vector<16xf32>,
        tpu.vector_store %arg8[%swap3A_360], %gather3A_355 {strides = array<i32>} : memref<32768xf32, #tpu.memory_space<vmem>>, vector<16xf32>,
        %gather3A_362 = tpu.vector_load_idx %arg5[%gather3A_347, %add3A_13] : memref<7x64xf32, #tpu.memory_space<vmem>>[vector<16xi32>, vector<16xi32>], vector<16xf32>,
        %add3A_363 = arith.constant 320 : i32
        %add3A_364 = arith.addi %multiple_of3A, %add3A_363 : i32
        %add3A_365 = arith.constant 32 : i32
        %add3A_366 = arith.addi %add3A_364, %add3A_365 : i32
        %swap3A_367 = arith.index_cast %add3A_366 : i32 to index
        %swap3A_368 = tpu.vector_load %arg8[%swap3A_367] {strides = array<i32>} : memref<32768xf32, #tpu.memory_space<vmem>>, vector<16xf32>,
        tpu.vector_store %arg8[%swap3A_367], %gather3A_362 {strides = array<i32>} : memref<32768xf32, #tpu.memory_space<vmem>>, vector<16xf32>,
        %gather3A_369 = tpu.vector_load_idx %arg5[%gather3A_347, %add3A_16] : memref<7x64xf32, #tpu.memory_space<vmem>>[vector<16xi32>, vector<16xi32>], vector<16xf32>,
        %add3A_370 = arith.constant 320 : i32
        %add3A_371 = arith.addi %multiple_of3A, %add3A_370 : i32
        %add3A_372 = arith.constant 48 : i32
        %add3A_373 = arith.addi %add3A_371, %add3A_372 : i32
        %swap3A_374 = arith.index_cast %add3A_373 : i32 to index
        %swap3A_375 = tpu.vector_load %arg8[%swap3A_374] {strides = array<i32>} : memref<32768xf32, #tpu.memory_space<vmem>>, vector<16xf32>,
        tpu.vector_store %arg8[%swap3A_374], %gather3A_369 {strides = array<i32>} : memref<32768xf32, #tpu.memory_space<vmem>>, vector<16xf32>,
        %broadcast_in_dim3A_376 = vector.shape_cast %broadcast_in_dim3A_29 : vector<16xi32> to vector<16x1xi32>
        %gather3A_377 = vector.shape_cast %broadcast_in_dim3A_376 : vector<16x1xi32> to vector<16xi32>
        %gather3A_378 = tpu.dynamic_gather %gather3A[%gather3A_377] in [0] : vector<16xi32>, vector<16xi32> -> vector<16xi32>
        %gather3A_379 = tpu.vector_load_idx %arg5[%gather3A_378, %add3A_7] : memref<7x64xf32, #tpu.memory_space<vmem>>[vector<16xi32>, vector<16xi32>], vector<16xf32>,
        %add3A_380 = arith.constant 384 : i32
        %add3A_381 = arith.addi %multiple_of3A, %add3A_380 : i32
        %add3A_382 = arith.constant 0 : i32
        %add3A_383 = arith.addi %add3A_381, %add3A_382 : i32
        %swap3A_384 = arith.index_cast %add3A_383 : i32 to index
        %swap3A_385 = tpu.vector_load %arg8[%swap3A_384] {strides = array<i32>} : memref<32768xf32, #tpu.memory_space<vmem>>, vector<16xf32>,
        tpu.vector_store %arg8[%swap3A_384], %gather3A_379 {strides = array<i32>} : memref<32768xf32, #tpu.memory_space<vmem>>, vector<16xf32>,
        %gather3A_386 = tpu.vector_load_idx %arg5[%gather3A_378, %add3A_10] : memref<7x64xf32, #tpu.memory_space<vmem>>[vector<16xi32>, vector<16xi32>], vector<16xf32>,
        %add3A_387 = arith.constant 384 : i32
        %add3A_388 = arith.addi %multiple_of3A, %add3A_387 : i32
        %add3A_389 = arith.constant 16 : i32
        %add3A_390 = arith.addi %add3A_388, %add3A_389 : i32
        %swap3A_391 = arith.index_cast %add3A_390 : i32 to index
        %swap3A_392 = tpu.vector_load %arg8[%swap3A_391] {strides = array<i32>} : memref<32768xf32, #tpu.memory_space<vmem>>, vector<16xf32>,
        tpu.vector_store %arg8[%swap3A_391], %gather3A_386 {strides = array<i32>} : memref<32768xf32, #tpu.memory_space<vmem>>, vector<16xf32>,
        %gather3A_393 = tpu.vector_load_idx %arg5[%gather3A_378, %add3A_13] : memref<7x64xf32, #tpu.memory_space<vmem>>[vector<16xi32>, vector<16xi32>], vector<16xf32>,
        %add3A_394 = arith.constant 384 : i32
        %add3A_395 = arith.addi %multiple_of3A, %add3A_394 : i32
        %add3A_396 = arith.constant 32 : i32
        %add3A_397 = arith.addi %add3A_395, %add3A_396 : i32
        %swap3A_398 = arith.index_cast %add3A_397 : i32 to index
        %swap3A_399 = tpu.vector_load %arg8[%swap3A_398] {strides = array<i32>} : memref<32768xf32, #tpu.memory_space<vmem>>, vector<16xf32>,
        tpu.vector_store %arg8[%swap3A_398], %gather3A_393 {strides = array<i32>} : memref<32768xf32, #tpu.memory_space<vmem>>, vector<16xf32>,
        %gather3A_400 = tpu.vector_load_idx %arg5[%gather3A_378, %add3A_16] : memref<7x64xf32, #tpu.memory_space<vmem>>[vector<16xi32>, vector<16xi32>], vector<16xf32>,
        %add3A_401 = arith.constant 384 : i32
        %add3A_402 = arith.addi %multiple_of3A, %add3A_401 : i32
        %add3A_403 = arith.constant 48 : i32
        %add3A_404 = arith.addi %add3A_402, %add3A_403 : i32
        %swap3A_405 = arith.index_cast %add3A_404 : i32 to index
        %swap3A_406 = tpu.vector_load %arg8[%swap3A_405] {strides = array<i32>} : memref<32768xf32, #tpu.memory_space<vmem>>, vector<16xf32>,
        tpu.vector_store %arg8[%swap3A_405], %gather3A_400 {strides = array<i32>} : memref<32768xf32, #tpu.memory_space<vmem>>, vector<16xf32>,
        %broadcast_in_dim3A_407 = vector.shape_cast %broadcast_in_dim3A_31 : vector<16xi32> to vector<16x1xi32>
        %gather3A_408 = vector.shape_cast %broadcast_in_dim3A_407 : vector<16x1xi32> to vector<16xi32>
        %gather3A_409 = tpu.dynamic_gather %gather3A[%gather3A_408] in [0] : vector<16xi32>, vector<16xi32> -> vector<16xi32>
        %gather3A_410 = tpu.vector_load_idx %arg5[%gather3A_409, %add3A_7] : memref<7x64xf32, #tpu.memory_space<vmem>>[vector<16xi32>, vector<16xi32>], vector<16xf32>,
        %add3A_411 = arith.constant 448 : i32
        %add3A_412 = arith.addi %multiple_of3A, %add3A_411 : i32
        %add3A_413 = arith.constant 0 : i32
        %add3A_414 = arith.addi %add3A_412, %add3A_413 : i32
        %swap3A_415 = arith.index_cast %add3A_414 : i32 to index
        %swap3A_416 = tpu.vector_load %arg8[%swap3A_415] {strides = array<i32>} : memref<32768xf32, #tpu.memory_space<vmem>>, vector<16xf32>,
        tpu.vector_store %arg8[%swap3A_415], %gather3A_410 {strides = array<i32>} : memref<32768xf32, #tpu.memory_space<vmem>>, vector<16xf32>,
        %gather3A_417 = tpu.vector_load_idx %arg5[%gather3A_409, %add3A_10] : memref<7x64xf32, #tpu.memory_space<vmem>>[vector<16xi32>, vector<16xi32>], vector<16xf32>,
        %add3A_418 = arith.constant 448 : i32
        %add3A_419 = arith.addi %multiple_of3A, %add3A_418 : i32
        %add3A_420 = arith.constant 16 : i32
        %add3A_421 = arith.addi %add3A_419, %add3A_420 : i32
        %swap3A_422 = arith.index_cast %add3A_421 : i32 to index
        %swap3A_423 = tpu.vector_load %arg8[%swap3A_422] {strides = array<i32>} : memref<32768xf32, #tpu.memory_space<vmem>>, vector<16xf32>,
        tpu.vector_store %arg8[%swap3A_422], %gather3A_417 {strides = array<i32>} : memref<32768xf32, #tpu.memory_space<vmem>>, vector<16xf32>,
        %gather3A_424 = tpu.vector_load_idx %arg5[%gather3A_409, %add3A_13] : memref<7x64xf32, #tpu.memory_space<vmem>>[vector<16xi32>, vector<16xi32>], vector<16xf32>,
        %add3A_425 = arith.constant 448 : i32
        %add3A_426 = arith.addi %multiple_of3A, %add3A_425 : i32
        %add3A_427 = arith.constant 32 : i32
        %add3A_428 = arith.addi %add3A_426, %add3A_427 : i32
        %swap3A_429 = arith.index_cast %add3A_428 : i32 to index
        %swap3A_430 = tpu.vector_load %arg8[%swap3A_429] {strides = array<i32>} : memref<32768xf32, #tpu.memory_space<vmem>>, vector<16xf32>,
        tpu.vector_store %arg8[%swap3A_429], %gather3A_424 {strides = array<i32>} : memref<32768xf32, #tpu.memory_space<vmem>>, vector<16xf32>,
        %gather3A_431 = tpu.vector_load_idx %arg5[%gather3A_409, %add3A_16] : memref<7x64xf32, #tpu.memory_space<vmem>>[vector<16xi32>, vector<16xi32>], vector<16xf32>,
        %add3A_432 = arith.constant 448 : i32
        %add3A_433 = arith.addi %multiple_of3A, %add3A_432 : i32
        %add3A_434 = arith.constant 48 : i32
        %add3A_435 = arith.addi %add3A_433, %add3A_434 : i32
        %swap3A_436 = arith.index_cast %add3A_435 : i32 to index
        %swap3A_437 = tpu.vector_load %arg8[%swap3A_436] {strides = array<i32>} : memref<32768xf32, #tpu.memory_space<vmem>>, vector<16xf32>,
        tpu.vector_store %arg8[%swap3A_436], %gather3A_431 {strides = array<i32>} : memref<32768xf32, #tpu.memory_space<vmem>>, vector<16xf32>,
        %broadcast_in_dim3A_438 = vector.shape_cast %broadcast_in_dim3A_33 : vector<16xi32> to vector<16x1xi32>
        %gather3A_439 = vector.shape_cast %broadcast_in_dim3A_438 : vector<16x1xi32> to vector<16xi32>
        %gather3A_440 = tpu.dynamic_gather %gather3A[%gather3A_439] in [0] : vector<16xi32>, vector<16xi32> -> vector<16xi32>
        %gather3A_441 = tpu.vector_load_idx %arg5[%gather3A_440, %add3A_7] : memref<7x64xf32, #tpu.memory_space<vmem>>[vector<16xi32>, vector<16xi32>], vector<16xf32>,
        %add3A_442 = arith.constant 512 : i32
        %add3A_443 = arith.addi %multiple_of3A, %add3A_442 : i32
        %add3A_444 = arith.constant 0 : i32
        %add3A_445 = arith.addi %add3A_443, %add3A_444 : i32
        %swap3A_446 = arith.index_cast %add3A_445 : i32 to index
        %swap3A_447 = tpu.vector_load %arg8[%swap3A_446] {strides = array<i32>} : memref<32768xf32, #tpu.memory_space<vmem>>, vector<16xf32>,
        tpu.vector_store %arg8[%swap3A_446], %gather3A_441 {strides = array<i32>} : memref<32768xf32, #tpu.memory_space<vmem>>, vector<16xf32>,
        %gather3A_448 = tpu.vector_load_idx %arg5[%gather3A_440, %add3A_10] : memref<7x64xf32, #tpu.memory_space<vmem>>[vector<16xi32>, vector<16xi32>], vector<16xf32>,
        %add3A_449 = arith.constant 512 : i32
        %add3A_450 = arith.addi %multiple_of3A, %add3A_449 : i32
        %add3A_451 = arith.constant 16 : i32
        %add3A_452 = arith.addi %add3A_450, %add3A_451 : i32
        %swap3A_453 = arith.index_cast %add3A_452 : i32 to index
        %swap3A_454 = tpu.vector_load %arg8[%swap3A_453] {strides = array<i32>} : memref<32768xf32, #tpu.memory_space<vmem>>, vector<16xf32>,
        tpu.vector_store %arg8[%swap3A_453], %gather3A_448 {strides = array<i32>} : memref<32768xf32, #tpu.memory_space<vmem>>, vector<16xf32>,
        %gather3A_455 = tpu.vector_load_idx %arg5[%gather3A_440, %add3A_13] : memref<7x64xf32, #tpu.memory_space<vmem>>[vector<16xi32>, vector<16xi32>], vector<16xf32>,
        %add3A_456 = arith.constant 512 : i32
        %add3A_457 = arith.addi %multiple_of3A, %add3A_456 : i32
        %add3A_458 = arith.constant 32 : i32
        %add3A_459 = arith.addi %add3A_457, %add3A_458 : i32
        %swap3A_460 = arith.index_cast %add3A_459 : i32 to index
        %swap3A_461 = tpu.vector_load %arg8[%swap3A_460] {strides = array<i32>} : memref<32768xf32, #tpu.memory_space<vmem>>, vector<16xf32>,
        tpu.vector_store %arg8[%swap3A_460], %gather3A_455 {strides = array<i32>} : memref<32768xf32, #tpu.memory_space<vmem>>, vector<16xf32>,
        %gather3A_462 = tpu.vector_load_idx %arg5[%gather3A_440, %add3A_16] : memref<7x64xf32, #tpu.memory_space<vmem>>[vector<16xi32>, vector<16xi32>], vector<16xf32>,
        %add3A_463 = arith.constant 512 : i32
        %add3A_464 = arith.addi %multiple_of3A, %add3A_463 : i32
        %add3A_465 = arith.constant 48 : i32
        %add3A_466 = arith.addi %add3A_464, %add3A_465 : i32
        %swap3A_467 = arith.index_cast %add3A_466 : i32 to index
        %swap3A_468 = tpu.vector_load %arg8[%swap3A_467] {strides = array<i32>} : memref<32768xf32, #tpu.memory_space<vmem>>, vector<16xf32>,
        tpu.vector_store %arg8[%swap3A_467], %gather3A_462 {strides = array<i32>} : memref<32768xf32, #tpu.memory_space<vmem>>, vector<16xf32>,
        %broadcast_in_dim3A_469 = vector.shape_cast %broadcast_in_dim3A_35 : vector<16xi32> to vector<16x1xi32>
        %gather3A_470 = vector.shape_cast %broadcast_in_dim3A_469 : vector<16x1xi32> to vector<16xi32>
        %gather3A_471 = tpu.dynamic_gather %gather3A[%gather3A_470] in [0] : vector<16xi32>, vector<16xi32> -> vector<16xi32>
        %gather3A_472 = tpu.vector_load_idx %arg5[%gather3A_471, %add3A_7] : memref<7x64xf32, #tpu.memory_space<vmem>>[vector<16xi32>, vector<16xi32>], vector<16xf32>,
        %add3A_473 = arith.constant 576 : i32
        %add3A_474 = arith.addi %multiple_of3A, %add3A_473 : i32
        %add3A_475 = arith.constant 0 : i32
        %add3A_476 = arith.addi %add3A_474, %add3A_475 : i32
        %swap3A_477 = arith.index_cast %add3A_476 : i32 to index
        %swap3A_478 = tpu.vector_load %arg8[%swap3A_477] {strides = array<i32>} : memref<32768xf32, #tpu.memory_space<vmem>>, vector<16xf32>,
        tpu.vector_store %arg8[%swap3A_477], %gather3A_472 {strides = array<i32>} : memref<32768xf32, #tpu.memory_space<vmem>>, vector<16xf32>,
        %gather3A_479 = tpu.vector_load_idx %arg5[%gather3A_471, %add3A_10] : memref<7x64xf32, #tpu.memory_space<vmem>>[vector<16xi32>, vector<16xi32>], vector<16xf32>,
        %add3A_480 = arith.constant 576 : i32
        %add3A_481 = arith.addi %multiple_of3A, %add3A_480 : i32
        %add3A_482 = arith.constant 16 : i32
        %add3A_483 = arith.addi %add3A_481, %add3A_482 : i32
        %swap3A_484 = arith.index_cast %add3A_483 : i32 to index
        %swap3A_485 = tpu.vector_load %arg8[%swap3A_484] {strides = array<i32>} : memref<32768xf32, #tpu.memory_space<vmem>>, vector<16xf32>,
        tpu.vector_store %arg8[%swap3A_484], %gather3A_479 {strides = array<i32>} : memref<32768xf32, #tpu.memory_space<vmem>>, vector<16xf32>,
        %gather3A_486 = tpu.vector_load_idx %arg5[%gather3A_471, %add3A_13] : memref<7x64xf32, #tpu.memory_space<vmem>>[vector<16xi32>, vector<16xi32>], vector<16xf32>,
        %add3A_487 = arith.constant 576 : i32
        %add3A_488 = arith.addi %multiple_of3A, %add3A_487 : i32
        %add3A_489 = arith.constant 32 : i32
        %add3A_490 = arith.addi %add3A_488, %add3A_489 : i32
        %swap3A_491 = arith.index_cast %add3A_490 : i32 to index
        %swap3A_492 = tpu.vector_load %arg8[%swap3A_491] {strides = array<i32>} : memref<32768xf32, #tpu.memory_space<vmem>>, vector<16xf32>,
        tpu.vector_store %arg8[%swap3A_491], %gather3A_486 {strides = array<i32>} : memref<32768xf32, #tpu.memory_space<vmem>>, vector<16xf32>,
        %gather3A_493 = tpu.vector_load_idx %arg5[%gather3A_471, %add3A_16] : memref<7x64xf32, #tpu.memory_space<vmem>>[vector<16xi32>, vector<16xi32>], vector<16xf32>,
        %add3A_494 = arith.constant 576 : i32
        %add3A_495 = arith.addi %multiple_of3A, %add3A_494 : i32
        %add3A_496 = arith.constant 48 : i32
        %add3A_497 = arith.addi %add3A_495, %add3A_496 : i32
        %swap3A_498 = arith.index_cast %add3A_497 : i32 to index
        %swap3A_499 = tpu.vector_load %arg8[%swap3A_498] {strides = array<i32>} : memref<32768xf32, #tpu.memory_space<vmem>>, vector<16xf32>,
        tpu.vector_store %arg8[%swap3A_498], %gather3A_493 {strides = array<i32>} : memref<32768xf32, #tpu.memory_space<vmem>>, vector<16xf32>,
        %broadcast_in_dim3A_500 = vector.shape_cast %broadcast_in_dim3A_37 : vector<16xi32> to vector<16x1xi32>
        %gather3A_501 = vector.shape_cast %broadcast_in_dim3A_500 : vector<16x1xi32> to vector<16xi32>
        %gather3A_502 = tpu.dynamic_gather %gather3A[%gather3A_501] in [0] : vector<16xi32>, vector<16xi32> -> vector<16xi32>
        %gather3A_503 = tpu.vector_load_idx %arg5[%gather3A_502, %add3A_7] : memref<7x64xf32, #tpu.memory_space<vmem>>[vector<16xi32>, vector<16xi32>], vector<16xf32>,
        %add3A_504 = arith.constant 640 : i32
        %add3A_505 = arith.addi %multiple_of3A, %add3A_504 : i32
        %add3A_506 = arith.constant 0 : i32
        %add3A_507 = arith.addi %add3A_505, %add3A_506 : i32
        %swap3A_508 = arith.index_cast %add3A_507 : i32 to index
        %swap3A_509 = tpu.vector_load %arg8[%swap3A_508] {strides = array<i32>} : memref<32768xf32, #tpu.memory_space<vmem>>, vector<16xf32>,
        tpu.vector_store %arg8[%swap3A_508], %gather3A_503 {strides = array<i32>} : memref<32768xf32, #tpu.memory_space<vmem>>, vector<16xf32>,
        %gather3A_510 = tpu.vector_load_idx %arg5[%gather3A_502, %add3A_10] : memref<7x64xf32, #tpu.memory_space<vmem>>[vector<16xi32>, vector<16xi32>], vector<16xf32>,
        %add3A_511 = arith.constant 640 : i32
        %add3A_512 = arith.addi %multiple_of3A, %add3A_511 : i32
        %add3A_513 = arith.constant 16 : i32
        %add3A_514 = arith.addi %add3A_512, %add3A_513 : i32
        %swap3A_515 = arith.index_cast %add3A_514 : i32 to index
        %swap3A_516 = tpu.vector_load %arg8[%swap3A_515] {strides = array<i32>} : memref<32768xf32, #tpu.memory_space<vmem>>, vector<16xf32>,
        tpu.vector_store %arg8[%swap3A_515], %gather3A_510 {strides = array<i32>} : memref<32768xf32, #tpu.memory_space<vmem>>, vector<16xf32>,
        %gather3A_517 = tpu.vector_load_idx %arg5[%gather3A_502, %add3A_13] : memref<7x64xf32, #tpu.memory_space<vmem>>[vector<16xi32>, vector<16xi32>], vector<16xf32>,
        %add3A_518 = arith.constant 640 : i32
        %add3A_519 = arith.addi %multiple_of3A, %add3A_518 : i32
        %add3A_520 = arith.constant 32 : i32
        %add3A_521 = arith.addi %add3A_519, %add3A_520 : i32
        %swap3A_522 = arith.index_cast %add3A_521 : i32 to index
        %swap3A_523 = tpu.vector_load %arg8[%swap3A_522] {strides = array<i32>} : memref<32768xf32, #tpu.memory_space<vmem>>, vector<16xf32>,
        tpu.vector_store %arg8[%swap3A_522], %gather3A_517 {strides = array<i32>} : memref<32768xf32, #tpu.memory_space<vmem>>, vector<16xf32>,
        %gather3A_524 = tpu.vector_load_idx %arg5[%gather3A_502, %add3A_16] : memref<7x64xf32, #tpu.memory_space<vmem>>[vector<16xi32>, vector<16xi32>], vector<16xf32>,
        %add3A_525 = arith.constant 640 : i32
        %add3A_526 = arith.addi %multiple_of3A, %add3A_525 : i32
        %add3A_527 = arith.constant 48 : i32
        %add3A_528 = arith.addi %add3A_526, %add3A_527 : i32
        %swap3A_529 = arith.index_cast %add3A_528 : i32 to index
        %swap3A_530 = tpu.vector_load %arg8[%swap3A_529] {strides = array<i32>} : memref<32768xf32, #tpu.memory_space<vmem>>, vector<16xf32>,
        tpu.vector_store %arg8[%swap3A_529], %gather3A_524 {strides = array<i32>} : memref<32768xf32, #tpu.memory_space<vmem>>, vector<16xf32>,
        %broadcast_in_dim3A_531 = vector.shape_cast %broadcast_in_dim3A_39 : vector<16xi32> to vector<16x1xi32>
        %gather3A_532 = vector.shape_cast %broadcast_in_dim3A_531 : vector<16x1xi32> to vector<16xi32>
        %gather3A_533 = tpu.dynamic_gather %gather3A[%gather3A_532] in [0] : vector<16xi32>, vector<16xi32> -> vector<16xi32>
        %gather3A_534 = tpu.vector_load_idx %arg5[%gather3A_533, %add3A_7] : memref<7x64xf32, #tpu.memory_space<vmem>>[vector<16xi32>, vector<16xi32>], vector<16xf32>,
        %add3A_535 = arith.constant 704 : i32
        %add3A_536 = arith.addi %multiple_of3A, %add3A_535 : i32
        %add3A_537 = arith.constant 0 : i32
        %add3A_538 = arith.addi %add3A_536, %add3A_537 : i32
        %swap3A_539 = arith.index_cast %add3A_538 : i32 to index
        %swap3A_540 = tpu.vector_load %arg8[%swap3A_539] {strides = array<i32>} : memref<32768xf32, #tpu.memory_space<vmem>>, vector<16xf32>,
        tpu.vector_store %arg8[%swap3A_539], %gather3A_534 {strides = array<i32>} : memref<32768xf32, #tpu.memory_space<vmem>>, vector<16xf32>,
        %gather3A_541 = tpu.vector_load_idx %arg5[%gather3A_533, %add3A_10] : memref<7x64xf32, #tpu.memory_space<vmem>>[vector<16xi32>, vector<16xi32>], vector<16xf32>,
        %add3A_542 = arith.constant 704 : i32
        %add3A_543 = arith.addi %multiple_of3A, %add3A_542 : i32
        %add3A_544 = arith.constant 16 : i32
        %add3A_545 = arith.addi %add3A_543, %add3A_544 : i32
        %swap3A_546 = arith.index_cast %add3A_545 : i32 to index
        %swap3A_547 = tpu.vector_load %arg8[%swap3A_546] {strides = array<i32>} : memref<32768xf32, #tpu.memory_space<vmem>>, vector<16xf32>,
        tpu.vector_store %arg8[%swap3A_546], %gather3A_541 {strides = array<i32>} : memref<32768xf32, #tpu.memory_space<vmem>>, vector<16xf32>,
        %gather3A_548 = tpu.vector_load_idx %arg5[%gather3A_533, %add3A_13] : memref<7x64xf32, #tpu.memory_space<vmem>>[vector<16xi32>, vector<16xi32>], vector<16xf32>,
        %add3A_549 = arith.constant 704 : i32
        %add3A_550 = arith.addi %multiple_of3A, %add3A_549 : i32
        %add3A_551 = arith.constant 32 : i32
        %add3A_552 = arith.addi %add3A_550, %add3A_551 : i32
        %swap3A_553 = arith.index_cast %add3A_552 : i32 to index
        %swap3A_554 = tpu.vector_load %arg8[%swap3A_553] {strides = array<i32>} : memref<32768xf32, #tpu.memory_space<vmem>>, vector<16xf32>,
        tpu.vector_store %arg8[%swap3A_553], %gather3A_548 {strides = array<i32>} : memref<32768xf32, #tpu.memory_space<vmem>>, vector<16xf32>,
        %gather3A_555 = tpu.vector_load_idx %arg5[%gather3A_533, %add3A_16] : memref<7x64xf32, #tpu.memory_space<vmem>>[vector<16xi32>, vector<16xi32>], vector<16xf32>,
        %add3A_556 = arith.constant 704 : i32
        %add3A_557 = arith.addi %multiple_of3A, %add3A_556 : i32
        %add3A_558 = arith.constant 48 : i32
        %add3A_559 = arith.addi %add3A_557, %add3A_558 : i32
        %swap3A_560 = arith.index_cast %add3A_559 : i32 to index
        %swap3A_561 = tpu.vector_load %arg8[%swap3A_560] {strides = array<i32>} : memref<32768xf32, #tpu.memory_space<vmem>>, vector<16xf32>,
        tpu.vector_store %arg8[%swap3A_560], %gather3A_555 {strides = array<i32>} : memref<32768xf32, #tpu.memory_space<vmem>>, vector<16xf32>,
        %broadcast_in_dim3A_562 = vector.shape_cast %broadcast_in_dim3A_41 : vector<16xi32> to vector<16x1xi32>
        %gather3A_563 = vector.shape_cast %broadcast_in_dim3A_562 : vector<16x1xi32> to vector<16xi32>
        %gather3A_564 = tpu.dynamic_gather %gather3A[%gather3A_563] in [0] : vector<16xi32>, vector<16xi32> -> vector<16xi32>
        %gather3A_565 = tpu.vector_load_idx %arg5[%gather3A_564, %add3A_7] : memref<7x64xf32, #tpu.memory_space<vmem>>[vector<16xi32>, vector<16xi32>], vector<16xf32>,
        %add3A_566 = arith.constant 768 : i32
        %add3A_567 = arith.addi %multiple_of3A, %add3A_566 : i32
        %add3A_568 = arith.constant 0 : i32
        %add3A_569 = arith.addi %add3A_567, %add3A_568 : i32
        %swap3A_570 = arith.index_cast %add3A_569 : i32 to index
        %swap3A_571 = tpu.vector_load %arg8[%swap3A_570] {strides = array<i32>} : memref<32768xf32, #tpu.memory_space<vmem>>, vector<16xf32>,
        tpu.vector_store %arg8[%swap3A_570], %gather3A_565 {strides = array<i32>} : memref<32768xf32, #tpu.memory_space<vmem>>, vector<16xf32>,
        %gather3A_572 = tpu.vector_load_idx %arg5[%gather3A_564, %add3A_10] : memref<7x64xf32, #tpu.memory_space<vmem>>[vector<16xi32>, vector<16xi32>], vector<16xf32>,
        %add3A_573 = arith.constant 768 : i32
        %add3A_574 = arith.addi %multiple_of3A, %add3A_573 : i32
        %add3A_575 = arith.constant 16 : i32
        %add3A_576 = arith.addi %add3A_574, %add3A_575 : i32
        %swap3A_577 = arith.index_cast %add3A_576 : i32 to index
        %swap3A_578 = tpu.vector_load %arg8[%swap3A_577] {strides = array<i32>} : memref<32768xf32, #tpu.memory_space<vmem>>, vector<16xf32>,
        tpu.vector_store %arg8[%swap3A_577], %gather3A_572 {strides = array<i32>} : memref<32768xf32, #tpu.memory_space<vmem>>, vector<16xf32>,
        %gather3A_579 = tpu.vector_load_idx %arg5[%gather3A_564, %add3A_13] : memref<7x64xf32, #tpu.memory_space<vmem>>[vector<16xi32>, vector<16xi32>], vector<16xf32>,
        %add3A_580 = arith.constant 768 : i32
        %add3A_581 = arith.addi %multiple_of3A, %add3A_580 : i32
        %add3A_582 = arith.constant 32 : i32
        %add3A_583 = arith.addi %add3A_581, %add3A_582 : i32
        %swap3A_584 = arith.index_cast %add3A_583 : i32 to index
        %swap3A_585 = tpu.vector_load %arg8[%swap3A_584] {strides = array<i32>} : memref<32768xf32, #tpu.memory_space<vmem>>, vector<16xf32>,
        tpu.vector_store %arg8[%swap3A_584], %gather3A_579 {strides = array<i32>} : memref<32768xf32, #tpu.memory_space<vmem>>, vector<16xf32>,
        %gather3A_586 = tpu.vector_load_idx %arg5[%gather3A_564, %add3A_16] : memref<7x64xf32, #tpu.memory_space<vmem>>[vector<16xi32>, vector<16xi32>], vector<16xf32>,
        %add3A_587 = arith.constant 768 : i32
        %add3A_588 = arith.addi %multiple_of3A, %add3A_587 : i32
        %add3A_589 = arith.constant 48 : i32
        %add3A_590 = arith.addi %add3A_588, %add3A_589 : i32
        %swap3A_591 = arith.index_cast %add3A_590 : i32 to index
        %swap3A_592 = tpu.vector_load %arg8[%swap3A_591] {strides = array<i32>} : memref<32768xf32, #tpu.memory_space<vmem>>, vector<16xf32>,
        tpu.vector_store %arg8[%swap3A_591], %gather3A_586 {strides = array<i32>} : memref<32768xf32, #tpu.memory_space<vmem>>, vector<16xf32>,
        %broadcast_in_dim3A_593 = vector.shape_cast %broadcast_in_dim3A_43 : vector<16xi32> to vector<16x1xi32>
        %gather3A_594 = vector.shape_cast %broadcast_in_dim3A_593 : vector<16x1xi32> to vector<16xi32>
        %gather3A_595 = tpu.dynamic_gather %gather3A[%gather3A_594] in [0] : vector<16xi32>, vector<16xi32> -> vector<16xi32>
        %gather3A_596 = tpu.vector_load_idx %arg5[%gather3A_595, %add3A_7] : memref<7x64xf32, #tpu.memory_space<vmem>>[vector<16xi32>, vector<16xi32>], vector<16xf32>,
        %add3A_597 = arith.constant 832 : i32
        %add3A_598 = arith.addi %multiple_of3A, %add3A_597 : i32
        %add3A_599 = arith.constant 0 : i32
        %add3A_600 = arith.addi %add3A_598, %add3A_599 : i32
        %swap3A_601 = arith.index_cast %add3A_600 : i32 to index
        %swap3A_602 = tpu.vector_load %arg8[%swap3A_601] {strides = array<i32>} : memref<32768xf32, #tpu.memory_space<vmem>>, vector<16xf32>,
        tpu.vector_store %arg8[%swap3A_601], %gather3A_596 {strides = array<i32>} : memref<32768xf32, #tpu.memory_space<vmem>>, vector<16xf32>,
        %gather3A_603 = tpu.vector_load_idx %arg5[%gather3A_595, %add3A_10] : memref<7x64xf32, #tpu.memory_space<vmem>>[vector<16xi32>, vector<16xi32>], vector<16xf32>,
        %add3A_604 = arith.constant 832 : i32
        %add3A_605 = arith.addi %multiple_of3A, %add3A_604 : i32
        %add3A_606 = arith.constant 16 : i32
        %add3A_607 = arith.addi %add3A_605, %add3A_606 : i32
        %swap3A_608 = arith.index_cast %add3A_607 : i32 to index
        %swap3A_609 = tpu.vector_load %arg8[%swap3A_608] {strides = array<i32>} : memref<32768xf32, #tpu.memory_space<vmem>>, vector<16xf32>,
        tpu.vector_store %arg8[%swap3A_608], %gather3A_603 {strides = array<i32>} : memref<32768xf32, #tpu.memory_space<vmem>>, vector<16xf32>,
        %gather3A_610 = tpu.vector_load_idx %arg5[%gather3A_595, %add3A_13] : memref<7x64xf32, #tpu.memory_space<vmem>>[vector<16xi32>, vector<16xi32>], vector<16xf32>,
        %add3A_611 = arith.constant 832 : i32
        %add3A_612 = arith.addi %multiple_of3A, %add3A_611 : i32
        %add3A_613 = arith.constant 32 : i32
        %add3A_614 = arith.addi %add3A_612, %add3A_613 : i32
        %swap3A_615 = arith.index_cast %add3A_614 : i32 to index
        %swap3A_616 = tpu.vector_load %arg8[%swap3A_615] {strides = array<i32>} : memref<32768xf32, #tpu.memory_space<vmem>>, vector<16xf32>,
        tpu.vector_store %arg8[%swap3A_615], %gather3A_610 {strides = array<i32>} : memref<32768xf32, #tpu.memory_space<vmem>>, vector<16xf32>,
        %gather3A_617 = tpu.vector_load_idx %arg5[%gather3A_595, %add3A_16] : memref<7x64xf32, #tpu.memory_space<vmem>>[vector<16xi32>, vector<16xi32>], vector<16xf32>,
        %add3A_618 = arith.constant 832 : i32
        %add3A_619 = arith.addi %multiple_of3A, %add3A_618 : i32
        %add3A_620 = arith.constant 48 : i32
        %add3A_621 = arith.addi %add3A_619, %add3A_620 : i32
        %swap3A_622 = arith.index_cast %add3A_621 : i32 to index
        %swap3A_623 = tpu.vector_load %arg8[%swap3A_622] {strides = array<i32>} : memref<32768xf32, #tpu.memory_space<vmem>>, vector<16xf32>,
        tpu.vector_store %arg8[%swap3A_622], %gather3A_617 {strides = array<i32>} : memref<32768xf32, #tpu.memory_space<vmem>>, vector<16xf32>,
        %broadcast_in_dim3A_624 = vector.shape_cast %broadcast_in_dim3A_45 : vector<16xi32> to vector<16x1xi32>
        %gather3A_625 = vector.shape_cast %broadcast_in_dim3A_624 : vector<16x1xi32> to vector<16xi32>
        %gather3A_626 = tpu.dynamic_gather %gather3A[%gather3A_625] in [0] : vector<16xi32>, vector<16xi32> -> vector<16xi32>
        %gather3A_627 = tpu.vector_load_idx %arg5[%gather3A_626, %add3A_7] : memref<7x64xf32, #tpu.memory_space<vmem>>[vector<16xi32>, vector<16xi32>], vector<16xf32>,
        %add3A_628 = arith.constant 896 : i32
        %add3A_629 = arith.addi %multiple_of3A, %add3A_628 : i32
        %add3A_630 = arith.constant 0 : i32
        %add3A_631 = arith.addi %add3A_629, %add3A_630 : i32
        %swap3A_632 = arith.index_cast %add3A_631 : i32 to index
        %swap3A_633 = tpu.vector_load %arg8[%swap3A_632] {strides = array<i32>} : memref<32768xf32, #tpu.memory_space<vmem>>, vector<16xf32>,
        tpu.vector_store %arg8[%swap3A_632], %gather3A_627 {strides = array<i32>} : memref<32768xf32, #tpu.memory_space<vmem>>, vector<16xf32>,
        %gather3A_634 = tpu.vector_load_idx %arg5[%gather3A_626, %add3A_10] : memref<7x64xf32, #tpu.memory_space<vmem>>[vector<16xi32>, vector<16xi32>], vector<16xf32>,
        %add3A_635 = arith.constant 896 : i32
        %add3A_636 = arith.addi %multiple_of3A, %add3A_635 : i32
        %add3A_637 = arith.constant 16 : i32
        %add3A_638 = arith.addi %add3A_636, %add3A_637 : i32
        %swap3A_639 = arith.index_cast %add3A_638 : i32 to index
        %swap3A_640 = tpu.vector_load %arg8[%swap3A_639] {strides = array<i32>} : memref<32768xf32, #tpu.memory_space<vmem>>, vector<16xf32>,
        tpu.vector_store %arg8[%swap3A_639], %gather3A_634 {strides = array<i32>} : memref<32768xf32, #tpu.memory_space<vmem>>, vector<16xf32>,
        %gather3A_641 = tpu.vector_load_idx %arg5[%gather3A_626, %add3A_13] : memref<7x64xf32, #tpu.memory_space<vmem>>[vector<16xi32>, vector<16xi32>], vector<16xf32>,
        %add3A_642 = arith.constant 896 : i32
        %add3A_643 = arith.addi %multiple_of3A, %add3A_642 : i32
        %add3A_644 = arith.constant 32 : i32
        %add3A_645 = arith.addi %add3A_643, %add3A_644 : i32
        %swap3A_646 = arith.index_cast %add3A_645 : i32 to index
        %swap3A_647 = tpu.vector_load %arg8[%swap3A_646] {strides = array<i32>} : memref<32768xf32, #tpu.memory_space<vmem>>, vector<16xf32>,
        tpu.vector_store %arg8[%swap3A_646], %gather3A_641 {strides = array<i32>} : memref<32768xf32, #tpu.memory_space<vmem>>, vector<16xf32>,
        %gather3A_648 = tpu.vector_load_idx %arg5[%gather3A_626, %add3A_16] : memref<7x64xf32, #tpu.memory_space<vmem>>[vector<16xi32>, vector<16xi32>], vector<16xf32>,
        %add3A_649 = arith.constant 896 : i32
        %add3A_650 = arith.addi %multiple_of3A, %add3A_649 : i32
        %add3A_651 = arith.constant 48 : i32
        %add3A_652 = arith.addi %add3A_650, %add3A_651 : i32
        %swap3A_653 = arith.index_cast %add3A_652 : i32 to index
        %swap3A_654 = tpu.vector_load %arg8[%swap3A_653] {strides = array<i32>} : memref<32768xf32, #tpu.memory_space<vmem>>, vector<16xf32>,
        tpu.vector_store %arg8[%swap3A_653], %gather3A_648 {strides = array<i32>} : memref<32768xf32, #tpu.memory_space<vmem>>, vector<16xf32>,
        %broadcast_in_dim3A_655 = vector.shape_cast %broadcast_in_dim3A_47 : vector<16xi32> to vector<16x1xi32>
        %gather3A_656 = vector.shape_cast %broadcast_in_dim3A_655 : vector<16x1xi32> to vector<16xi32>
        %gather3A_657 = tpu.dynamic_gather %gather3A[%gather3A_656] in [0] : vector<16xi32>, vector<16xi32> -> vector<16xi32>
        %gather3A_658 = tpu.vector_load_idx %arg5[%gather3A_657, %add3A_7] : memref<7x64xf32, #tpu.memory_space<vmem>>[vector<16xi32>, vector<16xi32>], vector<16xf32>,
        %add3A_659 = arith.constant 960 : i32
        %add3A_660 = arith.addi %multiple_of3A, %add3A_659 : i32
        %add3A_661 = arith.constant 0 : i32
        %add3A_662 = arith.addi %add3A_660, %add3A_661 : i32
        %swap3A_663 = arith.index_cast %add3A_662 : i32 to index
        %swap3A_664 = tpu.vector_load %arg8[%swap3A_663] {strides = array<i32>} : memref<32768xf32, #tpu.memory_space<vmem>>, vector<16xf32>,
        tpu.vector_store %arg8[%swap3A_663], %gather3A_658 {strides = array<i32>} : memref<32768xf32, #tpu.memory_space<vmem>>, vector<16xf32>,
        %gather3A_665 = tpu.vector_load_idx %arg5[%gather3A_657, %add3A_10] : memref<7x64xf32, #tpu.memory_space<vmem>>[vector<16xi32>, vector<16xi32>], vector<16xf32>,
        %add3A_666 = arith.constant 960 : i32
        %add3A_667 = arith.addi %multiple_of3A, %add3A_666 : i32
        %add3A_668 = arith.constant 16 : i32
        %add3A_669 = arith.addi %add3A_667, %add3A_668 : i32
        %swap3A_670 = arith.index_cast %add3A_669 : i32 to index
        %swap3A_671 = tpu.vector_load %arg8[%swap3A_670] {strides = array<i32>} : memref<32768xf32, #tpu.memory_space<vmem>>, vector<16xf32>,
        tpu.vector_store %arg8[%swap3A_670], %gather3A_665 {strides = array<i32>} : memref<32768xf32, #tpu.memory_space<vmem>>, vector<16xf32>,
        %gather3A_672 = tpu.vector_load_idx %arg5[%gather3A_657, %add3A_13] : memref<7x64xf32, #tpu.memory_space<vmem>>[vector<16xi32>, vector<16xi32>], vector<16xf32>,
        %add3A_673 = arith.constant 960 : i32
        %add3A_674 = arith.addi %multiple_of3A, %add3A_673 : i32
        %add3A_675 = arith.constant 32 : i32
        %add3A_676 = arith.addi %add3A_674, %add3A_675 : i32
        %swap3A_677 = arith.index_cast %add3A_676 : i32 to index
        %swap3A_678 = tpu.vector_load %arg8[%swap3A_677] {strides = array<i32>} : memref<32768xf32, #tpu.memory_space<vmem>>, vector<16xf32>,
        tpu.vector_store %arg8[%swap3A_677], %gather3A_672 {strides = array<i32>} : memref<32768xf32, #tpu.memory_space<vmem>>, vector<16xf32>,
        %gather3A_679 = tpu.vector_load_idx %arg5[%gather3A_657, %add3A_16] : memref<7x64xf32, #tpu.memory_space<vmem>>[vector<16xi32>, vector<16xi32>], vector<16xf32>,
        %add3A_680 = arith.constant 960 : i32
        %add3A_681 = arith.addi %multiple_of3A, %add3A_680 : i32
        %add3A_682 = arith.constant 48 : i32
        %add3A_683 = arith.addi %add3A_681, %add3A_682 : i32
        %swap3A_684 = arith.index_cast %add3A_683 : i32 to index
        %swap3A_685 = tpu.vector_load %arg8[%swap3A_684] {strides = array<i32>} : memref<32768xf32, #tpu.memory_space<vmem>>, vector<16xf32>,
        tpu.vector_store %arg8[%swap3A_684], %gather3A_679 {strides = array<i32>} : memref<32768xf32, #tpu.memory_space<vmem>>, vector<16xf32>,
        %add3A_686 = arith.constant 16 : i32
        %add3A_687 = vector.broadcast %add3A_686 : i32 to vector<16xi32>
        %add3A_688 = arith.addi %scan3A_184, %add3A_687 : vector<16xi32>
        scf.yield %add3A_688 : vector<16xi32>
      }
      %scan3A_97 = arith.constant 32 : i32
      %mul3A_98 = arith.constant 64 : i32
      %mul3A_99 = arith.muli %add3A_91, %mul3A_98 : i32
      %dma_start3A_100 = tpu.memref_slice %arg4[%mul3A_99] : memref<209715200xf32, #tpu.memory_space<hbm>> -> memref<32768xf32, #tpu.memory_space<hbm>>
      %dma_start3A_101 = tpu.memref_slice %arg4[%mul3A_99] : memref<209715200xf32, #tpu.memory_space<hbm>> -> memref<32768xf32, #tpu.memory_space<hbm>>
      tpu.enqueue_dma source(%arg8 : memref<32768xf32, #tpu.memory_space<vmem>>) target(%dma_start3A_101 : memref<32768xf32, #tpu.memory_space<hbm>>) target_semaphore(%arg10 : memref<!tpu.dma_semaphore, #tpu.memory_space<semaphore_mem>>)
      %ge3A_102 = arith.constant 1 : i32
      %ge3A_103 = arith.cmpi sge, %add3A_68, %ge3A_102 : i32
      %convert_element_type3A_104 = arith.extui %ge3A_103 : i1 to i32
      %cond3A_105 = arith.constant 0 : i32
      %cond3A_106 = arith.cmpi ne, %convert_element_type3A_104, %cond3A_105 : i32
      scf.if %cond3A_106 {
        %mul3A_183 = arith.constant 64 : i32
        %mul3A_184 = arith.muli %add3A_71, %mul3A_183 : i32
        %dma_wait3A_185 = tpu.memref_slice %arg4[%mul3A_184] : memref<209715200xf32, #tpu.memory_space<hbm>> -> memref<32768xf32, #tpu.memory_space<hbm>>
        %dma_wait3A_186 = tpu.memref_slice %arg4[%mul3A_184] : memref<209715200xf32, #tpu.memory_space<hbm>> -> memref<32768xf32, #tpu.memory_space<hbm>>
        tpu.wait_dma2 semaphore(%arg11 : memref<!tpu.dma_semaphore, #tpu.memory_space<semaphore_mem>>) src(%arg9 : memref<32768xf32, #tpu.memory_space<vmem>>) dst(%dma_wait3A_186 : memref<32768xf32, #tpu.memory_space<hbm>>)
      } else {
      }
      %add3A_107 = arith.constant 512 : i32
      %add3A_108 = vector.broadcast %add3A_107 : i32 to vector<16xi32>
      %add3A_109 = arith.addi %iota3A, %add3A_108 : vector<16xi32>
      %add3A_110 = arith.constant 512 : i32
      %add3A_111 = arith.addi %add3A_71, %add3A_110 : i32
      %scan3A_112 = arith.constant 0 : i32
      %scan3A_113 = arith.constant 32 : i32
      %scan3A_114 = arith.addi %scan3A_112, %scan3A_113 : i32
      %scan3A_115 = arith.constant 1 : i32
      %scan3A_116 = scf.for %scan3A_183 = %scan3A_112 to %scan3A_114 step %scan3A_115 iter_args(%scan3A_184 = %add3A_109) -> (vector<16xi32>)  : i32 {
        %mul3A_185 = arith.constant 1024 : i32
        %mul3A_186 = arith.muli %scan3A_183, %mul3A_185 : i32
        %multiple_of3A = tpu.assume_multiple %mul3A_186, 8 : i32
        %shift_right_arithmetic3A = arith.constant 7 : i32
        %shift_right_arithmetic3A_187 = vector.broadcast %shift_right_arithmetic3A : i32 to vector<16xi32>
        %shift_right_arithmetic3A_188 = arith.shrsi %scan3A_184, %shift_right_arithmetic3A_187 : vector<16xi32>
        %and3A = arith.constant 127 : i32
        %and3A_189 = vector.broadcast %and3A : i32 to vector<16xi32>
        %and3A_190 = arith.andi %scan3A_184, %and3A_189 : vector<16xi32>
        %gather3A = tpu.vector_load_idx %arg6[%shift_right_arithmetic3A_188, %and3A_190] : memref<8x128xi32, #tpu.memory_space<vmem>>[vector<16xi32>, vector<16xi32>], vector<16xi32>,
        %broadcast_in_dim3A_191 = vector.shape_cast %broadcast_in_dim3A_17 : vector<16xi32> to vector<16x1xi32>
        %gather3A_192 = vector.shape_cast %broadcast_in_dim3A_191 : vector<16x1xi32> to vector<16xi32>
        %gather3A_193 = tpu.dynamic_gather %gather3A[%gather3A_192] in [0] : vector<16xi32>, vector<16xi32> -> vector<16xi32>
        %gather3A_194 = tpu.vector_load_idx %arg5[%gather3A_193, %add3A_7] : memref<7x64xf32, #tpu.memory_space<vmem>>[vector<16xi32>, vector<16xi32>], vector<16xf32>,
        %add3A_195 = arith.constant 0 : i32
        %add3A_196 = arith.addi %multiple_of3A, %add3A_195 : i32
        %add3A_197 = arith.constant 0 : i32
        %add3A_198 = arith.addi %add3A_196, %add3A_197 : i32
        %swap3A = arith.index_cast %add3A_198 : i32 to index
        %swap3A_199 = tpu.vector_load %arg9[%swap3A] {strides = array<i32>} : memref<32768xf32, #tpu.memory_space<vmem>>, vector<16xf32>,
        tpu.vector_store %arg9[%swap3A], %gather3A_194 {strides = array<i32>} : memref<32768xf32, #tpu.memory_space<vmem>>, vector<16xf32>,
        %gather3A_200 = tpu.vector_load_idx %arg5[%gather3A_193, %add3A_10] : memref<7x64xf32, #tpu.memory_space<vmem>>[vector<16xi32>, vector<16xi32>], vector<16xf32>,
        %add3A_201 = arith.constant 0 : i32
        %add3A_202 = arith.addi %multiple_of3A, %add3A_201 : i32
        %add3A_203 = arith.constant 16 : i32
        %add3A_204 = arith.addi %add3A_202, %add3A_203 : i32
        %swap3A_205 = arith.index_cast %add3A_204 : i32 to index
        %swap3A_206 = tpu.vector_load %arg9[%swap3A_205] {strides = array<i32>} : memref<32768xf32, #tpu.memory_space<vmem>>, vector<16xf32>,
        tpu.vector_store %arg9[%swap3A_205], %gather3A_200 {strides = array<i32>} : memref<32768xf32, #tpu.memory_space<vmem>>, vector<16xf32>,
        %gather3A_207 = tpu.vector_load_idx %arg5[%gather3A_193, %add3A_13] : memref<7x64xf32, #tpu.memory_space<vmem>>[vector<16xi32>, vector<16xi32>], vector<16xf32>,
        %add3A_208 = arith.constant 0 : i32
        %add3A_209 = arith.addi %multiple_of3A, %add3A_208 : i32
        %add3A_210 = arith.constant 32 : i32
        %add3A_211 = arith.addi %add3A_209, %add3A_210 : i32
        %swap3A_212 = arith.index_cast %add3A_211 : i32 to index
        %swap3A_213 = tpu.vector_load %arg9[%swap3A_212] {strides = array<i32>} : memref<32768xf32, #tpu.memory_space<vmem>>, vector<16xf32>,
        tpu.vector_store %arg9[%swap3A_212], %gather3A_207 {strides = array<i32>} : memref<32768xf32, #tpu.memory_space<vmem>>, vector<16xf32>,
        %gather3A_214 = tpu.vector_load_idx %arg5[%gather3A_193, %add3A_16] : memref<7x64xf32, #tpu.memory_space<vmem>>[vector<16xi32>, vector<16xi32>], vector<16xf32>,
        %add3A_215 = arith.constant 0 : i32
        %add3A_216 = arith.addi %multiple_of3A, %add3A_215 : i32
        %add3A_217 = arith.constant 48 : i32
        %add3A_218 = arith.addi %add3A_216, %add3A_217 : i32
        %swap3A_219 = arith.index_cast %add3A_218 : i32 to index
        %swap3A_220 = tpu.vector_load %arg9[%swap3A_219] {strides = array<i32>} : memref<32768xf32, #tpu.memory_space<vmem>>, vector<16xf32>,
        tpu.vector_store %arg9[%swap3A_219], %gather3A_214 {strides = array<i32>} : memref<32768xf32, #tpu.memory_space<vmem>>, vector<16xf32>,
        %broadcast_in_dim3A_221 = vector.shape_cast %broadcast_in_dim3A_19 : vector<16xi32> to vector<16x1xi32>
        %gather3A_222 = vector.shape_cast %broadcast_in_dim3A_221 : vector<16x1xi32> to vector<16xi32>
        %gather3A_223 = tpu.dynamic_gather %gather3A[%gather3A_222] in [0] : vector<16xi32>, vector<16xi32> -> vector<16xi32>
        %gather3A_224 = tpu.vector_load_idx %arg5[%gather3A_223, %add3A_7] : memref<7x64xf32, #tpu.memory_space<vmem>>[vector<16xi32>, vector<16xi32>], vector<16xf32>,
        %add3A_225 = arith.constant 64 : i32
        %add3A_226 = arith.addi %multiple_of3A, %add3A_225 : i32
        %add3A_227 = arith.constant 0 : i32
        %add3A_228 = arith.addi %add3A_226, %add3A_227 : i32
        %swap3A_229 = arith.index_cast %add3A_228 : i32 to index
        %swap3A_230 = tpu.vector_load %arg9[%swap3A_229] {strides = array<i32>} : memref<32768xf32, #tpu.memory_space<vmem>>, vector<16xf32>,
        tpu.vector_store %arg9[%swap3A_229], %gather3A_224 {strides = array<i32>} : memref<32768xf32, #tpu.memory_space<vmem>>, vector<16xf32>,
        %gather3A_231 = tpu.vector_load_idx %arg5[%gather3A_223, %add3A_10] : memref<7x64xf32, #tpu.memory_space<vmem>>[vector<16xi32>, vector<16xi32>], vector<16xf32>,
        %add3A_232 = arith.constant 64 : i32
        %add3A_233 = arith.addi %multiple_of3A, %add3A_232 : i32
        %add3A_234 = arith.constant 16 : i32
        %add3A_235 = arith.addi %add3A_233, %add3A_234 : i32
        %swap3A_236 = arith.index_cast %add3A_235 : i32 to index
        %swap3A_237 = tpu.vector_load %arg9[%swap3A_236] {strides = array<i32>} : memref<32768xf32, #tpu.memory_space<vmem>>, vector<16xf32>,
        tpu.vector_store %arg9[%swap3A_236], %gather3A_231 {strides = array<i32>} : memref<32768xf32, #tpu.memory_space<vmem>>, vector<16xf32>,
        %gather3A_238 = tpu.vector_load_idx %arg5[%gather3A_223, %add3A_13] : memref<7x64xf32, #tpu.memory_space<vmem>>[vector<16xi32>, vector<16xi32>], vector<16xf32>,
        %add3A_239 = arith.constant 64 : i32
        %add3A_240 = arith.addi %multiple_of3A, %add3A_239 : i32
        %add3A_241 = arith.constant 32 : i32
        %add3A_242 = arith.addi %add3A_240, %add3A_241 : i32
        %swap3A_243 = arith.index_cast %add3A_242 : i32 to index
        %swap3A_244 = tpu.vector_load %arg9[%swap3A_243] {strides = array<i32>} : memref<32768xf32, #tpu.memory_space<vmem>>, vector<16xf32>,
        tpu.vector_store %arg9[%swap3A_243], %gather3A_238 {strides = array<i32>} : memref<32768xf32, #tpu.memory_space<vmem>>, vector<16xf32>,
        %gather3A_245 = tpu.vector_load_idx %arg5[%gather3A_223, %add3A_16] : memref<7x64xf32, #tpu.memory_space<vmem>>[vector<16xi32>, vector<16xi32>], vector<16xf32>,
        %add3A_246 = arith.constant 64 : i32
        %add3A_247 = arith.addi %multiple_of3A, %add3A_246 : i32
        %add3A_248 = arith.constant 48 : i32
        %add3A_249 = arith.addi %add3A_247, %add3A_248 : i32
        %swap3A_250 = arith.index_cast %add3A_249 : i32 to index
        %swap3A_251 = tpu.vector_load %arg9[%swap3A_250] {strides = array<i32>} : memref<32768xf32, #tpu.memory_space<vmem>>, vector<16xf32>,
        tpu.vector_store %arg9[%swap3A_250], %gather3A_245 {strides = array<i32>} : memref<32768xf32, #tpu.memory_space<vmem>>, vector<16xf32>,
        %broadcast_in_dim3A_252 = vector.shape_cast %broadcast_in_dim3A_21 : vector<16xi32> to vector<16x1xi32>
        %gather3A_253 = vector.shape_cast %broadcast_in_dim3A_252 : vector<16x1xi32> to vector<16xi32>
        %gather3A_254 = tpu.dynamic_gather %gather3A[%gather3A_253] in [0] : vector<16xi32>, vector<16xi32> -> vector<16xi32>
        %gather3A_255 = tpu.vector_load_idx %arg5[%gather3A_254, %add3A_7] : memref<7x64xf32, #tpu.memory_space<vmem>>[vector<16xi32>, vector<16xi32>], vector<16xf32>,
        %add3A_256 = arith.constant 128 : i32
        %add3A_257 = arith.addi %multiple_of3A, %add3A_256 : i32
        %add3A_258 = arith.constant 0 : i32
        %add3A_259 = arith.addi %add3A_257, %add3A_258 : i32
        %swap3A_260 = arith.index_cast %add3A_259 : i32 to index
        %swap3A_261 = tpu.vector_load %arg9[%swap3A_260] {strides = array<i32>} : memref<32768xf32, #tpu.memory_space<vmem>>, vector<16xf32>,
        tpu.vector_store %arg9[%swap3A_260], %gather3A_255 {strides = array<i32>} : memref<32768xf32, #tpu.memory_space<vmem>>, vector<16xf32>,
        %gather3A_262 = tpu.vector_load_idx %arg5[%gather3A_254, %add3A_10] : memref<7x64xf32, #tpu.memory_space<vmem>>[vector<16xi32>, vector<16xi32>], vector<16xf32>,
        %add3A_263 = arith.constant 128 : i32
        %add3A_264 = arith.addi %multiple_of3A, %add3A_263 : i32
        %add3A_265 = arith.constant 16 : i32
        %add3A_266 = arith.addi %add3A_264, %add3A_265 : i32
        %swap3A_267 = arith.index_cast %add3A_266 : i32 to index
        %swap3A_268 = tpu.vector_load %arg9[%swap3A_267] {strides = array<i32>} : memref<32768xf32, #tpu.memory_space<vmem>>, vector<16xf32>,
        tpu.vector_store %arg9[%swap3A_267], %gather3A_262 {strides = array<i32>} : memref<32768xf32, #tpu.memory_space<vmem>>, vector<16xf32>,
        %gather3A_269 = tpu.vector_load_idx %arg5[%gather3A_254, %add3A_13] : memref<7x64xf32, #tpu.memory_space<vmem>>[vector<16xi32>, vector<16xi32>], vector<16xf32>,
        %add3A_270 = arith.constant 128 : i32
        %add3A_271 = arith.addi %multiple_of3A, %add3A_270 : i32
        %add3A_272 = arith.constant 32 : i32
        %add3A_273 = arith.addi %add3A_271, %add3A_272 : i32
        %swap3A_274 = arith.index_cast %add3A_273 : i32 to index
        %swap3A_275 = tpu.vector_load %arg9[%swap3A_274] {strides = array<i32>} : memref<32768xf32, #tpu.memory_space<vmem>>, vector<16xf32>,
        tpu.vector_store %arg9[%swap3A_274], %gather3A_269 {strides = array<i32>} : memref<32768xf32, #tpu.memory_space<vmem>>, vector<16xf32>,
        %gather3A_276 = tpu.vector_load_idx %arg5[%gather3A_254, %add3A_16] : memref<7x64xf32, #tpu.memory_space<vmem>>[vector<16xi32>, vector<16xi32>], vector<16xf32>,
        %add3A_277 = arith.constant 128 : i32
        %add3A_278 = arith.addi %multiple_of3A, %add3A_277 : i32
        %add3A_279 = arith.constant 48 : i32
        %add3A_280 = arith.addi %add3A_278, %add3A_279 : i32
        %swap3A_281 = arith.index_cast %add3A_280 : i32 to index
        %swap3A_282 = tpu.vector_load %arg9[%swap3A_281] {strides = array<i32>} : memref<32768xf32, #tpu.memory_space<vmem>>, vector<16xf32>,
        tpu.vector_store %arg9[%swap3A_281], %gather3A_276 {strides = array<i32>} : memref<32768xf32, #tpu.memory_space<vmem>>, vector<16xf32>,
        %broadcast_in_dim3A_283 = vector.shape_cast %broadcast_in_dim3A_23 : vector<16xi32> to vector<16x1xi32>
        %gather3A_284 = vector.shape_cast %broadcast_in_dim3A_283 : vector<16x1xi32> to vector<16xi32>
        %gather3A_285 = tpu.dynamic_gather %gather3A[%gather3A_284] in [0] : vector<16xi32>, vector<16xi32> -> vector<16xi32>
        %gather3A_286 = tpu.vector_load_idx %arg5[%gather3A_285, %add3A_7] : memref<7x64xf32, #tpu.memory_space<vmem>>[vector<16xi32>, vector<16xi32>], vector<16xf32>,
        %add3A_287 = arith.constant 192 : i32
        %add3A_288 = arith.addi %multiple_of3A, %add3A_287 : i32
        %add3A_289 = arith.constant 0 : i32
        %add3A_290 = arith.addi %add3A_288, %add3A_289 : i32
        %swap3A_291 = arith.index_cast %add3A_290 : i32 to index
        %swap3A_292 = tpu.vector_load %arg9[%swap3A_291] {strides = array<i32>} : memref<32768xf32, #tpu.memory_space<vmem>>, vector<16xf32>,
        tpu.vector_store %arg9[%swap3A_291], %gather3A_286 {strides = array<i32>} : memref<32768xf32, #tpu.memory_space<vmem>>, vector<16xf32>,
        %gather3A_293 = tpu.vector_load_idx %arg5[%gather3A_285, %add3A_10] : memref<7x64xf32, #tpu.memory_space<vmem>>[vector<16xi32>, vector<16xi32>], vector<16xf32>,
        %add3A_294 = arith.constant 192 : i32
        %add3A_295 = arith.addi %multiple_of3A, %add3A_294 : i32
        %add3A_296 = arith.constant 16 : i32
        %add3A_297 = arith.addi %add3A_295, %add3A_296 : i32
        %swap3A_298 = arith.index_cast %add3A_297 : i32 to index
        %swap3A_299 = tpu.vector_load %arg9[%swap3A_298] {strides = array<i32>} : memref<32768xf32, #tpu.memory_space<vmem>>, vector<16xf32>,
        tpu.vector_store %arg9[%swap3A_298], %gather3A_293 {strides = array<i32>} : memref<32768xf32, #tpu.memory_space<vmem>>, vector<16xf32>,
        %gather3A_300 = tpu.vector_load_idx %arg5[%gather3A_285, %add3A_13] : memref<7x64xf32, #tpu.memory_space<vmem>>[vector<16xi32>, vector<16xi32>], vector<16xf32>,
        %add3A_301 = arith.constant 192 : i32
        %add3A_302 = arith.addi %multiple_of3A, %add3A_301 : i32
        %add3A_303 = arith.constant 32 : i32
        %add3A_304 = arith.addi %add3A_302, %add3A_303 : i32
        %swap3A_305 = arith.index_cast %add3A_304 : i32 to index
        %swap3A_306 = tpu.vector_load %arg9[%swap3A_305] {strides = array<i32>} : memref<32768xf32, #tpu.memory_space<vmem>>, vector<16xf32>,
        tpu.vector_store %arg9[%swap3A_305], %gather3A_300 {strides = array<i32>} : memref<32768xf32, #tpu.memory_space<vmem>>, vector<16xf32>,
        %gather3A_307 = tpu.vector_load_idx %arg5[%gather3A_285, %add3A_16] : memref<7x64xf32, #tpu.memory_space<vmem>>[vector<16xi32>, vector<16xi32>], vector<16xf32>,
        %add3A_308 = arith.constant 192 : i32
        %add3A_309 = arith.addi %multiple_of3A, %add3A_308 : i32
        %add3A_310 = arith.constant 48 : i32
        %add3A_311 = arith.addi %add3A_309, %add3A_310 : i32
        %swap3A_312 = arith.index_cast %add3A_311 : i32 to index
        %swap3A_313 = tpu.vector_load %arg9[%swap3A_312] {strides = array<i32>} : memref<32768xf32, #tpu.memory_space<vmem>>, vector<16xf32>,
        tpu.vector_store %arg9[%swap3A_312], %gather3A_307 {strides = array<i32>} : memref<32768xf32, #tpu.memory_space<vmem>>, vector<16xf32>,
        %broadcast_in_dim3A_314 = vector.shape_cast %broadcast_in_dim3A_25 : vector<16xi32> to vector<16x1xi32>
        %gather3A_315 = vector.shape_cast %broadcast_in_dim3A_314 : vector<16x1xi32> to vector<16xi32>
        %gather3A_316 = tpu.dynamic_gather %gather3A[%gather3A_315] in [0] : vector<16xi32>, vector<16xi32> -> vector<16xi32>
        %gather3A_317 = tpu.vector_load_idx %arg5[%gather3A_316, %add3A_7] : memref<7x64xf32, #tpu.memory_space<vmem>>[vector<16xi32>, vector<16xi32>], vector<16xf32>,
        %add3A_318 = arith.constant 256 : i32
        %add3A_319 = arith.addi %multiple_of3A, %add3A_318 : i32
        %add3A_320 = arith.constant 0 : i32
        %add3A_321 = arith.addi %add3A_319, %add3A_320 : i32
        %swap3A_322 = arith.index_cast %add3A_321 : i32 to index
        %swap3A_323 = tpu.vector_load %arg9[%swap3A_322] {strides = array<i32>} : memref<32768xf32, #tpu.memory_space<vmem>>, vector<16xf32>,
        tpu.vector_store %arg9[%swap3A_322], %gather3A_317 {strides = array<i32>} : memref<32768xf32, #tpu.memory_space<vmem>>, vector<16xf32>,
        %gather3A_324 = tpu.vector_load_idx %arg5[%gather3A_316, %add3A_10] : memref<7x64xf32, #tpu.memory_space<vmem>>[vector<16xi32>, vector<16xi32>], vector<16xf32>,
        %add3A_325 = arith.constant 256 : i32
        %add3A_326 = arith.addi %multiple_of3A, %add3A_325 : i32
        %add3A_327 = arith.constant 16 : i32
        %add3A_328 = arith.addi %add3A_326, %add3A_327 : i32
        %swap3A_329 = arith.index_cast %add3A_328 : i32 to index
        %swap3A_330 = tpu.vector_load %arg9[%swap3A_329] {strides = array<i32>} : memref<32768xf32, #tpu.memory_space<vmem>>, vector<16xf32>,
        tpu.vector_store %arg9[%swap3A_329], %gather3A_324 {strides = array<i32>} : memref<32768xf32, #tpu.memory_space<vmem>>, vector<16xf32>,
        %gather3A_331 = tpu.vector_load_idx %arg5[%gather3A_316, %add3A_13] : memref<7x64xf32, #tpu.memory_space<vmem>>[vector<16xi32>, vector<16xi32>], vector<16xf32>,
        %add3A_332 = arith.constant 256 : i32
        %add3A_333 = arith.addi %multiple_of3A, %add3A_332 : i32
        %add3A_334 = arith.constant 32 : i32
        %add3A_335 = arith.addi %add3A_333, %add3A_334 : i32
        %swap3A_336 = arith.index_cast %add3A_335 : i32 to index
        %swap3A_337 = tpu.vector_load %arg9[%swap3A_336] {strides = array<i32>} : memref<32768xf32, #tpu.memory_space<vmem>>, vector<16xf32>,
        tpu.vector_store %arg9[%swap3A_336], %gather3A_331 {strides = array<i32>} : memref<32768xf32, #tpu.memory_space<vmem>>, vector<16xf32>,
        %gather3A_338 = tpu.vector_load_idx %arg5[%gather3A_316, %add3A_16] : memref<7x64xf32, #tpu.memory_space<vmem>>[vector<16xi32>, vector<16xi32>], vector<16xf32>,
        %add3A_339 = arith.constant 256 : i32
        %add3A_340 = arith.addi %multiple_of3A, %add3A_339 : i32
        %add3A_341 = arith.constant 48 : i32
        %add3A_342 = arith.addi %add3A_340, %add3A_341 : i32
        %swap3A_343 = arith.index_cast %add3A_342 : i32 to index
        %swap3A_344 = tpu.vector_load %arg9[%swap3A_343] {strides = array<i32>} : memref<32768xf32, #tpu.memory_space<vmem>>, vector<16xf32>,
        tpu.vector_store %arg9[%swap3A_343], %gather3A_338 {strides = array<i32>} : memref<32768xf32, #tpu.memory_space<vmem>>, vector<16xf32>,
        %broadcast_in_dim3A_345 = vector.shape_cast %broadcast_in_dim3A_27 : vector<16xi32> to vector<16x1xi32>
        %gather3A_346 = vector.shape_cast %broadcast_in_dim3A_345 : vector<16x1xi32> to vector<16xi32>
        %gather3A_347 = tpu.dynamic_gather %gather3A[%gather3A_346] in [0] : vector<16xi32>, vector<16xi32> -> vector<16xi32>
        %gather3A_348 = tpu.vector_load_idx %arg5[%gather3A_347, %add3A_7] : memref<7x64xf32, #tpu.memory_space<vmem>>[vector<16xi32>, vector<16xi32>], vector<16xf32>,
        %add3A_349 = arith.constant 320 : i32
        %add3A_350 = arith.addi %multiple_of3A, %add3A_349 : i32
        %add3A_351 = arith.constant 0 : i32
        %add3A_352 = arith.addi %add3A_350, %add3A_351 : i32
        %swap3A_353 = arith.index_cast %add3A_352 : i32 to index
        %swap3A_354 = tpu.vector_load %arg9[%swap3A_353] {strides = array<i32>} : memref<32768xf32, #tpu.memory_space<vmem>>, vector<16xf32>,
        tpu.vector_store %arg9[%swap3A_353], %gather3A_348 {strides = array<i32>} : memref<32768xf32, #tpu.memory_space<vmem>>, vector<16xf32>,
        %gather3A_355 = tpu.vector_load_idx %arg5[%gather3A_347, %add3A_10] : memref<7x64xf32, #tpu.memory_space<vmem>>[vector<16xi32>, vector<16xi32>], vector<16xf32>,
        %add3A_356 = arith.constant 320 : i32
        %add3A_357 = arith.addi %multiple_of3A, %add3A_356 : i32
        %add3A_358 = arith.constant 16 : i32
        %add3A_359 = arith.addi %add3A_357, %add3A_358 : i32
        %swap3A_360 = arith.index_cast %add3A_359 : i32 to index
        %swap3A_361 = tpu.vector_load %arg9[%swap3A_360] {strides = array<i32>} : memref<32768xf32, #tpu.memory_space<vmem>>, vector<16xf32>,
        tpu.vector_store %arg9[%swap3A_360], %gather3A_355 {strides = array<i32>} : memref<32768xf32, #tpu.memory_space<vmem>>, vector<16xf32>,
        %gather3A_362 = tpu.vector_load_idx %arg5[%gather3A_347, %add3A_13] : memref<7x64xf32, #tpu.memory_space<vmem>>[vector<16xi32>, vector<16xi32>], vector<16xf32>,
        %add3A_363 = arith.constant 320 : i32
        %add3A_364 = arith.addi %multiple_of3A, %add3A_363 : i32
        %add3A_365 = arith.constant 32 : i32
        %add3A_366 = arith.addi %add3A_364, %add3A_365 : i32
        %swap3A_367 = arith.index_cast %add3A_366 : i32 to index
        %swap3A_368 = tpu.vector_load %arg9[%swap3A_367] {strides = array<i32>} : memref<32768xf32, #tpu.memory_space<vmem>>, vector<16xf32>,
        tpu.vector_store %arg9[%swap3A_367], %gather3A_362 {strides = array<i32>} : memref<32768xf32, #tpu.memory_space<vmem>>, vector<16xf32>,
        %gather3A_369 = tpu.vector_load_idx %arg5[%gather3A_347, %add3A_16] : memref<7x64xf32, #tpu.memory_space<vmem>>[vector<16xi32>, vector<16xi32>], vector<16xf32>,
        %add3A_370 = arith.constant 320 : i32
        %add3A_371 = arith.addi %multiple_of3A, %add3A_370 : i32
        %add3A_372 = arith.constant 48 : i32
        %add3A_373 = arith.addi %add3A_371, %add3A_372 : i32
        %swap3A_374 = arith.index_cast %add3A_373 : i32 to index
        %swap3A_375 = tpu.vector_load %arg9[%swap3A_374] {strides = array<i32>} : memref<32768xf32, #tpu.memory_space<vmem>>, vector<16xf32>,
        tpu.vector_store %arg9[%swap3A_374], %gather3A_369 {strides = array<i32>} : memref<32768xf32, #tpu.memory_space<vmem>>, vector<16xf32>,
        %broadcast_in_dim3A_376 = vector.shape_cast %broadcast_in_dim3A_29 : vector<16xi32> to vector<16x1xi32>
        %gather3A_377 = vector.shape_cast %broadcast_in_dim3A_376 : vector<16x1xi32> to vector<16xi32>
        %gather3A_378 = tpu.dynamic_gather %gather3A[%gather3A_377] in [0] : vector<16xi32>, vector<16xi32> -> vector<16xi32>
        %gather3A_379 = tpu.vector_load_idx %arg5[%gather3A_378, %add3A_7] : memref<7x64xf32, #tpu.memory_space<vmem>>[vector<16xi32>, vector<16xi32>], vector<16xf32>,
        %add3A_380 = arith.constant 384 : i32
        %add3A_381 = arith.addi %multiple_of3A, %add3A_380 : i32
        %add3A_382 = arith.constant 0 : i32
        %add3A_383 = arith.addi %add3A_381, %add3A_382 : i32
        %swap3A_384 = arith.index_cast %add3A_383 : i32 to index
        %swap3A_385 = tpu.vector_load %arg9[%swap3A_384] {strides = array<i32>} : memref<32768xf32, #tpu.memory_space<vmem>>, vector<16xf32>,
        tpu.vector_store %arg9[%swap3A_384], %gather3A_379 {strides = array<i32>} : memref<32768xf32, #tpu.memory_space<vmem>>, vector<16xf32>,
        %gather3A_386 = tpu.vector_load_idx %arg5[%gather3A_378, %add3A_10] : memref<7x64xf32, #tpu.memory_space<vmem>>[vector<16xi32>, vector<16xi32>], vector<16xf32>,
        %add3A_387 = arith.constant 384 : i32
        %add3A_388 = arith.addi %multiple_of3A, %add3A_387 : i32
        %add3A_389 = arith.constant 16 : i32
        %add3A_390 = arith.addi %add3A_388, %add3A_389 : i32
        %swap3A_391 = arith.index_cast %add3A_390 : i32 to index
        %swap3A_392 = tpu.vector_load %arg9[%swap3A_391] {strides = array<i32>} : memref<32768xf32, #tpu.memory_space<vmem>>, vector<16xf32>,
        tpu.vector_store %arg9[%swap3A_391], %gather3A_386 {strides = array<i32>} : memref<32768xf32, #tpu.memory_space<vmem>>, vector<16xf32>,
        %gather3A_393 = tpu.vector_load_idx %arg5[%gather3A_378, %add3A_13] : memref<7x64xf32, #tpu.memory_space<vmem>>[vector<16xi32>, vector<16xi32>], vector<16xf32>,
        %add3A_394 = arith.constant 384 : i32
        %add3A_395 = arith.addi %multiple_of3A, %add3A_394 : i32
        %add3A_396 = arith.constant 32 : i32
        %add3A_397 = arith.addi %add3A_395, %add3A_396 : i32
        %swap3A_398 = arith.index_cast %add3A_397 : i32 to index
        %swap3A_399 = tpu.vector_load %arg9[%swap3A_398] {strides = array<i32>} : memref<32768xf32, #tpu.memory_space<vmem>>, vector<16xf32>,
        tpu.vector_store %arg9[%swap3A_398], %gather3A_393 {strides = array<i32>} : memref<32768xf32, #tpu.memory_space<vmem>>, vector<16xf32>,
        %gather3A_400 = tpu.vector_load_idx %arg5[%gather3A_378, %add3A_16] : memref<7x64xf32, #tpu.memory_space<vmem>>[vector<16xi32>, vector<16xi32>], vector<16xf32>,
        %add3A_401 = arith.constant 384 : i32
        %add3A_402 = arith.addi %multiple_of3A, %add3A_401 : i32
        %add3A_403 = arith.constant 48 : i32
        %add3A_404 = arith.addi %add3A_402, %add3A_403 : i32
        %swap3A_405 = arith.index_cast %add3A_404 : i32 to index
        %swap3A_406 = tpu.vector_load %arg9[%swap3A_405] {strides = array<i32>} : memref<32768xf32, #tpu.memory_space<vmem>>, vector<16xf32>,
        tpu.vector_store %arg9[%swap3A_405], %gather3A_400 {strides = array<i32>} : memref<32768xf32, #tpu.memory_space<vmem>>, vector<16xf32>,
        %broadcast_in_dim3A_407 = vector.shape_cast %broadcast_in_dim3A_31 : vector<16xi32> to vector<16x1xi32>
        %gather3A_408 = vector.shape_cast %broadcast_in_dim3A_407 : vector<16x1xi32> to vector<16xi32>
        %gather3A_409 = tpu.dynamic_gather %gather3A[%gather3A_408] in [0] : vector<16xi32>, vector<16xi32> -> vector<16xi32>
        %gather3A_410 = tpu.vector_load_idx %arg5[%gather3A_409, %add3A_7] : memref<7x64xf32, #tpu.memory_space<vmem>>[vector<16xi32>, vector<16xi32>], vector<16xf32>,
        %add3A_411 = arith.constant 448 : i32
        %add3A_412 = arith.addi %multiple_of3A, %add3A_411 : i32
        %add3A_413 = arith.constant 0 : i32
        %add3A_414 = arith.addi %add3A_412, %add3A_413 : i32
        %swap3A_415 = arith.index_cast %add3A_414 : i32 to index
        %swap3A_416 = tpu.vector_load %arg9[%swap3A_415] {strides = array<i32>} : memref<32768xf32, #tpu.memory_space<vmem>>, vector<16xf32>,
        tpu.vector_store %arg9[%swap3A_415], %gather3A_410 {strides = array<i32>} : memref<32768xf32, #tpu.memory_space<vmem>>, vector<16xf32>,
        %gather3A_417 = tpu.vector_load_idx %arg5[%gather3A_409, %add3A_10] : memref<7x64xf32, #tpu.memory_space<vmem>>[vector<16xi32>, vector<16xi32>], vector<16xf32>,
        %add3A_418 = arith.constant 448 : i32
        %add3A_419 = arith.addi %multiple_of3A, %add3A_418 : i32
        %add3A_420 = arith.constant 16 : i32
        %add3A_421 = arith.addi %add3A_419, %add3A_420 : i32
        %swap3A_422 = arith.index_cast %add3A_421 : i32 to index
        %swap3A_423 = tpu.vector_load %arg9[%swap3A_422] {strides = array<i32>} : memref<32768xf32, #tpu.memory_space<vmem>>, vector<16xf32>,
        tpu.vector_store %arg9[%swap3A_422], %gather3A_417 {strides = array<i32>} : memref<32768xf32, #tpu.memory_space<vmem>>, vector<16xf32>,
        %gather3A_424 = tpu.vector_load_idx %arg5[%gather3A_409, %add3A_13] : memref<7x64xf32, #tpu.memory_space<vmem>>[vector<16xi32>, vector<16xi32>], vector<16xf32>,
        %add3A_425 = arith.constant 448 : i32
        %add3A_426 = arith.addi %multiple_of3A, %add3A_425 : i32
        %add3A_427 = arith.constant 32 : i32
        %add3A_428 = arith.addi %add3A_426, %add3A_427 : i32
        %swap3A_429 = arith.index_cast %add3A_428 : i32 to index
        %swap3A_430 = tpu.vector_load %arg9[%swap3A_429] {strides = array<i32>} : memref<32768xf32, #tpu.memory_space<vmem>>, vector<16xf32>,
        tpu.vector_store %arg9[%swap3A_429], %gather3A_424 {strides = array<i32>} : memref<32768xf32, #tpu.memory_space<vmem>>, vector<16xf32>,
        %gather3A_431 = tpu.vector_load_idx %arg5[%gather3A_409, %add3A_16] : memref<7x64xf32, #tpu.memory_space<vmem>>[vector<16xi32>, vector<16xi32>], vector<16xf32>,
        %add3A_432 = arith.constant 448 : i32
        %add3A_433 = arith.addi %multiple_of3A, %add3A_432 : i32
        %add3A_434 = arith.constant 48 : i32
        %add3A_435 = arith.addi %add3A_433, %add3A_434 : i32
        %swap3A_436 = arith.index_cast %add3A_435 : i32 to index
        %swap3A_437 = tpu.vector_load %arg9[%swap3A_436] {strides = array<i32>} : memref<32768xf32, #tpu.memory_space<vmem>>, vector<16xf32>,
        tpu.vector_store %arg9[%swap3A_436], %gather3A_431 {strides = array<i32>} : memref<32768xf32, #tpu.memory_space<vmem>>, vector<16xf32>,
        %broadcast_in_dim3A_438 = vector.shape_cast %broadcast_in_dim3A_33 : vector<16xi32> to vector<16x1xi32>
        %gather3A_439 = vector.shape_cast %broadcast_in_dim3A_438 : vector<16x1xi32> to vector<16xi32>
        %gather3A_440 = tpu.dynamic_gather %gather3A[%gather3A_439] in [0] : vector<16xi32>, vector<16xi32> -> vector<16xi32>
        %gather3A_441 = tpu.vector_load_idx %arg5[%gather3A_440, %add3A_7] : memref<7x64xf32, #tpu.memory_space<vmem>>[vector<16xi32>, vector<16xi32>], vector<16xf32>,
        %add3A_442 = arith.constant 512 : i32
        %add3A_443 = arith.addi %multiple_of3A, %add3A_442 : i32
        %add3A_444 = arith.constant 0 : i32
        %add3A_445 = arith.addi %add3A_443, %add3A_444 : i32
        %swap3A_446 = arith.index_cast %add3A_445 : i32 to index
        %swap3A_447 = tpu.vector_load %arg9[%swap3A_446] {strides = array<i32>} : memref<32768xf32, #tpu.memory_space<vmem>>, vector<16xf32>,
        tpu.vector_store %arg9[%swap3A_446], %gather3A_441 {strides = array<i32>} : memref<32768xf32, #tpu.memory_space<vmem>>, vector<16xf32>,
        %gather3A_448 = tpu.vector_load_idx %arg5[%gather3A_440, %add3A_10] : memref<7x64xf32, #tpu.memory_space<vmem>>[vector<16xi32>, vector<16xi32>], vector<16xf32>,
        %add3A_449 = arith.constant 512 : i32
        %add3A_450 = arith.addi %multiple_of3A, %add3A_449 : i32
        %add3A_451 = arith.constant 16 : i32
        %add3A_452 = arith.addi %add3A_450, %add3A_451 : i32
        %swap3A_453 = arith.index_cast %add3A_452 : i32 to index
        %swap3A_454 = tpu.vector_load %arg9[%swap3A_453] {strides = array<i32>} : memref<32768xf32, #tpu.memory_space<vmem>>, vector<16xf32>,
        tpu.vector_store %arg9[%swap3A_453], %gather3A_448 {strides = array<i32>} : memref<32768xf32, #tpu.memory_space<vmem>>, vector<16xf32>,
        %gather3A_455 = tpu.vector_load_idx %arg5[%gather3A_440, %add3A_13] : memref<7x64xf32, #tpu.memory_space<vmem>>[vector<16xi32>, vector<16xi32>], vector<16xf32>,
        %add3A_456 = arith.constant 512 : i32
        %add3A_457 = arith.addi %multiple_of3A, %add3A_456 : i32
        %add3A_458 = arith.constant 32 : i32
        %add3A_459 = arith.addi %add3A_457, %add3A_458 : i32
        %swap3A_460 = arith.index_cast %add3A_459 : i32 to index
        %swap3A_461 = tpu.vector_load %arg9[%swap3A_460] {strides = array<i32>} : memref<32768xf32, #tpu.memory_space<vmem>>, vector<16xf32>,
        tpu.vector_store %arg9[%swap3A_460], %gather3A_455 {strides = array<i32>} : memref<32768xf32, #tpu.memory_space<vmem>>, vector<16xf32>,
        %gather3A_462 = tpu.vector_load_idx %arg5[%gather3A_440, %add3A_16] : memref<7x64xf32, #tpu.memory_space<vmem>>[vector<16xi32>, vector<16xi32>], vector<16xf32>,
        %add3A_463 = arith.constant 512 : i32
        %add3A_464 = arith.addi %multiple_of3A, %add3A_463 : i32
        %add3A_465 = arith.constant 48 : i32
        %add3A_466 = arith.addi %add3A_464, %add3A_465 : i32
        %swap3A_467 = arith.index_cast %add3A_466 : i32 to index
        %swap3A_468 = tpu.vector_load %arg9[%swap3A_467] {strides = array<i32>} : memref<32768xf32, #tpu.memory_space<vmem>>, vector<16xf32>,
        tpu.vector_store %arg9[%swap3A_467], %gather3A_462 {strides = array<i32>} : memref<32768xf32, #tpu.memory_space<vmem>>, vector<16xf32>,
        %broadcast_in_dim3A_469 = vector.shape_cast %broadcast_in_dim3A_35 : vector<16xi32> to vector<16x1xi32>
        %gather3A_470 = vector.shape_cast %broadcast_in_dim3A_469 : vector<16x1xi32> to vector<16xi32>
        %gather3A_471 = tpu.dynamic_gather %gather3A[%gather3A_470] in [0] : vector<16xi32>, vector<16xi32> -> vector<16xi32>
        %gather3A_472 = tpu.vector_load_idx %arg5[%gather3A_471, %add3A_7] : memref<7x64xf32, #tpu.memory_space<vmem>>[vector<16xi32>, vector<16xi32>], vector<16xf32>,
        %add3A_473 = arith.constant 576 : i32
        %add3A_474 = arith.addi %multiple_of3A, %add3A_473 : i32
        %add3A_475 = arith.constant 0 : i32
        %add3A_476 = arith.addi %add3A_474, %add3A_475 : i32
        %swap3A_477 = arith.index_cast %add3A_476 : i32 to index
        %swap3A_478 = tpu.vector_load %arg9[%swap3A_477] {strides = array<i32>} : memref<32768xf32, #tpu.memory_space<vmem>>, vector<16xf32>,
        tpu.vector_store %arg9[%swap3A_477], %gather3A_472 {strides = array<i32>} : memref<32768xf32, #tpu.memory_space<vmem>>, vector<16xf32>,
        %gather3A_479 = tpu.vector_load_idx %arg5[%gather3A_471, %add3A_10] : memref<7x64xf32, #tpu.memory_space<vmem>>[vector<16xi32>, vector<16xi32>], vector<16xf32>,
        %add3A_480 = arith.constant 576 : i32
        %add3A_481 = arith.addi %multiple_of3A, %add3A_480 : i32
        %add3A_482 = arith.constant 16 : i32
        %add3A_483 = arith.addi %add3A_481, %add3A_482 : i32
        %swap3A_484 = arith.index_cast %add3A_483 : i32 to index
        %swap3A_485 = tpu.vector_load %arg9[%swap3A_484] {strides = array<i32>} : memref<32768xf32, #tpu.memory_space<vmem>>, vector<16xf32>,
        tpu.vector_store %arg9[%swap3A_484], %gather3A_479 {strides = array<i32>} : memref<32768xf32, #tpu.memory_space<vmem>>, vector<16xf32>,
        %gather3A_486 = tpu.vector_load_idx %arg5[%gather3A_471, %add3A_13] : memref<7x64xf32, #tpu.memory_space<vmem>>[vector<16xi32>, vector<16xi32>], vector<16xf32>,
        %add3A_487 = arith.constant 576 : i32
        %add3A_488 = arith.addi %multiple_of3A, %add3A_487 : i32
        %add3A_489 = arith.constant 32 : i32
        %add3A_490 = arith.addi %add3A_488, %add3A_489 : i32
        %swap3A_491 = arith.index_cast %add3A_490 : i32 to index
        %swap3A_492 = tpu.vector_load %arg9[%swap3A_491] {strides = array<i32>} : memref<32768xf32, #tpu.memory_space<vmem>>, vector<16xf32>,
        tpu.vector_store %arg9[%swap3A_491], %gather3A_486 {strides = array<i32>} : memref<32768xf32, #tpu.memory_space<vmem>>, vector<16xf32>,
        %gather3A_493 = tpu.vector_load_idx %arg5[%gather3A_471, %add3A_16] : memref<7x64xf32, #tpu.memory_space<vmem>>[vector<16xi32>, vector<16xi32>], vector<16xf32>,
        %add3A_494 = arith.constant 576 : i32
        %add3A_495 = arith.addi %multiple_of3A, %add3A_494 : i32
        %add3A_496 = arith.constant 48 : i32
        %add3A_497 = arith.addi %add3A_495, %add3A_496 : i32
        %swap3A_498 = arith.index_cast %add3A_497 : i32 to index
        %swap3A_499 = tpu.vector_load %arg9[%swap3A_498] {strides = array<i32>} : memref<32768xf32, #tpu.memory_space<vmem>>, vector<16xf32>,
        tpu.vector_store %arg9[%swap3A_498], %gather3A_493 {strides = array<i32>} : memref<32768xf32, #tpu.memory_space<vmem>>, vector<16xf32>,
        %broadcast_in_dim3A_500 = vector.shape_cast %broadcast_in_dim3A_37 : vector<16xi32> to vector<16x1xi32>
        %gather3A_501 = vector.shape_cast %broadcast_in_dim3A_500 : vector<16x1xi32> to vector<16xi32>
        %gather3A_502 = tpu.dynamic_gather %gather3A[%gather3A_501] in [0] : vector<16xi32>, vector<16xi32> -> vector<16xi32>
        %gather3A_503 = tpu.vector_load_idx %arg5[%gather3A_502, %add3A_7] : memref<7x64xf32, #tpu.memory_space<vmem>>[vector<16xi32>, vector<16xi32>], vector<16xf32>,
        %add3A_504 = arith.constant 640 : i32
        %add3A_505 = arith.addi %multiple_of3A, %add3A_504 : i32
        %add3A_506 = arith.constant 0 : i32
        %add3A_507 = arith.addi %add3A_505, %add3A_506 : i32
        %swap3A_508 = arith.index_cast %add3A_507 : i32 to index
        %swap3A_509 = tpu.vector_load %arg9[%swap3A_508] {strides = array<i32>} : memref<32768xf32, #tpu.memory_space<vmem>>, vector<16xf32>,
        tpu.vector_store %arg9[%swap3A_508], %gather3A_503 {strides = array<i32>} : memref<32768xf32, #tpu.memory_space<vmem>>, vector<16xf32>,
        %gather3A_510 = tpu.vector_load_idx %arg5[%gather3A_502, %add3A_10] : memref<7x64xf32, #tpu.memory_space<vmem>>[vector<16xi32>, vector<16xi32>], vector<16xf32>,
        %add3A_511 = arith.constant 640 : i32
        %add3A_512 = arith.addi %multiple_of3A, %add3A_511 : i32
        %add3A_513 = arith.constant 16 : i32
        %add3A_514 = arith.addi %add3A_512, %add3A_513 : i32
        %swap3A_515 = arith.index_cast %add3A_514 : i32 to index
        %swap3A_516 = tpu.vector_load %arg9[%swap3A_515] {strides = array<i32>} : memref<32768xf32, #tpu.memory_space<vmem>>, vector<16xf32>,
        tpu.vector_store %arg9[%swap3A_515], %gather3A_510 {strides = array<i32>} : memref<32768xf32, #tpu.memory_space<vmem>>, vector<16xf32>,
        %gather3A_517 = tpu.vector_load_idx %arg5[%gather3A_502, %add3A_13] : memref<7x64xf32, #tpu.memory_space<vmem>>[vector<16xi32>, vector<16xi32>], vector<16xf32>,
        %add3A_518 = arith.constant 640 : i32
        %add3A_519 = arith.addi %multiple_of3A, %add3A_518 : i32
        %add3A_520 = arith.constant 32 : i32
        %add3A_521 = arith.addi %add3A_519, %add3A_520 : i32
        %swap3A_522 = arith.index_cast %add3A_521 : i32 to index
        %swap3A_523 = tpu.vector_load %arg9[%swap3A_522] {strides = array<i32>} : memref<32768xf32, #tpu.memory_space<vmem>>, vector<16xf32>,
        tpu.vector_store %arg9[%swap3A_522], %gather3A_517 {strides = array<i32>} : memref<32768xf32, #tpu.memory_space<vmem>>, vector<16xf32>,
        %gather3A_524 = tpu.vector_load_idx %arg5[%gather3A_502, %add3A_16] : memref<7x64xf32, #tpu.memory_space<vmem>>[vector<16xi32>, vector<16xi32>], vector<16xf32>,
        %add3A_525 = arith.constant 640 : i32
        %add3A_526 = arith.addi %multiple_of3A, %add3A_525 : i32
        %add3A_527 = arith.constant 48 : i32
        %add3A_528 = arith.addi %add3A_526, %add3A_527 : i32
        %swap3A_529 = arith.index_cast %add3A_528 : i32 to index
        %swap3A_530 = tpu.vector_load %arg9[%swap3A_529] {strides = array<i32>} : memref<32768xf32, #tpu.memory_space<vmem>>, vector<16xf32>,
        tpu.vector_store %arg9[%swap3A_529], %gather3A_524 {strides = array<i32>} : memref<32768xf32, #tpu.memory_space<vmem>>, vector<16xf32>,
        %broadcast_in_dim3A_531 = vector.shape_cast %broadcast_in_dim3A_39 : vector<16xi32> to vector<16x1xi32>
        %gather3A_532 = vector.shape_cast %broadcast_in_dim3A_531 : vector<16x1xi32> to vector<16xi32>
        %gather3A_533 = tpu.dynamic_gather %gather3A[%gather3A_532] in [0] : vector<16xi32>, vector<16xi32> -> vector<16xi32>
        %gather3A_534 = tpu.vector_load_idx %arg5[%gather3A_533, %add3A_7] : memref<7x64xf32, #tpu.memory_space<vmem>>[vector<16xi32>, vector<16xi32>], vector<16xf32>,
        %add3A_535 = arith.constant 704 : i32
        %add3A_536 = arith.addi %multiple_of3A, %add3A_535 : i32
        %add3A_537 = arith.constant 0 : i32
        %add3A_538 = arith.addi %add3A_536, %add3A_537 : i32
        %swap3A_539 = arith.index_cast %add3A_538 : i32 to index
        %swap3A_540 = tpu.vector_load %arg9[%swap3A_539] {strides = array<i32>} : memref<32768xf32, #tpu.memory_space<vmem>>, vector<16xf32>,
        tpu.vector_store %arg9[%swap3A_539], %gather3A_534 {strides = array<i32>} : memref<32768xf32, #tpu.memory_space<vmem>>, vector<16xf32>,
        %gather3A_541 = tpu.vector_load_idx %arg5[%gather3A_533, %add3A_10] : memref<7x64xf32, #tpu.memory_space<vmem>>[vector<16xi32>, vector<16xi32>], vector<16xf32>,
        %add3A_542 = arith.constant 704 : i32
        %add3A_543 = arith.addi %multiple_of3A, %add3A_542 : i32
        %add3A_544 = arith.constant 16 : i32
        %add3A_545 = arith.addi %add3A_543, %add3A_544 : i32
        %swap3A_546 = arith.index_cast %add3A_545 : i32 to index
        %swap3A_547 = tpu.vector_load %arg9[%swap3A_546] {strides = array<i32>} : memref<32768xf32, #tpu.memory_space<vmem>>, vector<16xf32>,
        tpu.vector_store %arg9[%swap3A_546], %gather3A_541 {strides = array<i32>} : memref<32768xf32, #tpu.memory_space<vmem>>, vector<16xf32>,
        %gather3A_548 = tpu.vector_load_idx %arg5[%gather3A_533, %add3A_13] : memref<7x64xf32, #tpu.memory_space<vmem>>[vector<16xi32>, vector<16xi32>], vector<16xf32>,
        %add3A_549 = arith.constant 704 : i32
        %add3A_550 = arith.addi %multiple_of3A, %add3A_549 : i32
        %add3A_551 = arith.constant 32 : i32
        %add3A_552 = arith.addi %add3A_550, %add3A_551 : i32
        %swap3A_553 = arith.index_cast %add3A_552 : i32 to index
        %swap3A_554 = tpu.vector_load %arg9[%swap3A_553] {strides = array<i32>} : memref<32768xf32, #tpu.memory_space<vmem>>, vector<16xf32>,
        tpu.vector_store %arg9[%swap3A_553], %gather3A_548 {strides = array<i32>} : memref<32768xf32, #tpu.memory_space<vmem>>, vector<16xf32>,
        %gather3A_555 = tpu.vector_load_idx %arg5[%gather3A_533, %add3A_16] : memref<7x64xf32, #tpu.memory_space<vmem>>[vector<16xi32>, vector<16xi32>], vector<16xf32>,
        %add3A_556 = arith.constant 704 : i32
        %add3A_557 = arith.addi %multiple_of3A, %add3A_556 : i32
        %add3A_558 = arith.constant 48 : i32
        %add3A_559 = arith.addi %add3A_557, %add3A_558 : i32
        %swap3A_560 = arith.index_cast %add3A_559 : i32 to index
        %swap3A_561 = tpu.vector_load %arg9[%swap3A_560] {strides = array<i32>} : memref<32768xf32, #tpu.memory_space<vmem>>, vector<16xf32>,
        tpu.vector_store %arg9[%swap3A_560], %gather3A_555 {strides = array<i32>} : memref<32768xf32, #tpu.memory_space<vmem>>, vector<16xf32>,
        %broadcast_in_dim3A_562 = vector.shape_cast %broadcast_in_dim3A_41 : vector<16xi32> to vector<16x1xi32>
        %gather3A_563 = vector.shape_cast %broadcast_in_dim3A_562 : vector<16x1xi32> to vector<16xi32>
        %gather3A_564 = tpu.dynamic_gather %gather3A[%gather3A_563] in [0] : vector<16xi32>, vector<16xi32> -> vector<16xi32>
        %gather3A_565 = tpu.vector_load_idx %arg5[%gather3A_564, %add3A_7] : memref<7x64xf32, #tpu.memory_space<vmem>>[vector<16xi32>, vector<16xi32>], vector<16xf32>,
        %add3A_566 = arith.constant 768 : i32
        %add3A_567 = arith.addi %multiple_of3A, %add3A_566 : i32
        %add3A_568 = arith.constant 0 : i32
        %add3A_569 = arith.addi %add3A_567, %add3A_568 : i32
        %swap3A_570 = arith.index_cast %add3A_569 : i32 to index
        %swap3A_571 = tpu.vector_load %arg9[%swap3A_570] {strides = array<i32>} : memref<32768xf32, #tpu.memory_space<vmem>>, vector<16xf32>,
        tpu.vector_store %arg9[%swap3A_570], %gather3A_565 {strides = array<i32>} : memref<32768xf32, #tpu.memory_space<vmem>>, vector<16xf32>,
        %gather3A_572 = tpu.vector_load_idx %arg5[%gather3A_564, %add3A_10] : memref<7x64xf32, #tpu.memory_space<vmem>>[vector<16xi32>, vector<16xi32>], vector<16xf32>,
        %add3A_573 = arith.constant 768 : i32
        %add3A_574 = arith.addi %multiple_of3A, %add3A_573 : i32
        %add3A_575 = arith.constant 16 : i32
        %add3A_576 = arith.addi %add3A_574, %add3A_575 : i32
        %swap3A_577 = arith.index_cast %add3A_576 : i32 to index
        %swap3A_578 = tpu.vector_load %arg9[%swap3A_577] {strides = array<i32>} : memref<32768xf32, #tpu.memory_space<vmem>>, vector<16xf32>,
        tpu.vector_store %arg9[%swap3A_577], %gather3A_572 {strides = array<i32>} : memref<32768xf32, #tpu.memory_space<vmem>>, vector<16xf32>,
        %gather3A_579 = tpu.vector_load_idx %arg5[%gather3A_564, %add3A_13] : memref<7x64xf32, #tpu.memory_space<vmem>>[vector<16xi32>, vector<16xi32>], vector<16xf32>,
        %add3A_580 = arith.constant 768 : i32
        %add3A_581 = arith.addi %multiple_of3A, %add3A_580 : i32
        %add3A_582 = arith.constant 32 : i32
        %add3A_583 = arith.addi %add3A_581, %add3A_582 : i32
        %swap3A_584 = arith.index_cast %add3A_583 : i32 to index
        %swap3A_585 = tpu.vector_load %arg9[%swap3A_584] {strides = array<i32>} : memref<32768xf32, #tpu.memory_space<vmem>>, vector<16xf32>,
        tpu.vector_store %arg9[%swap3A_584], %gather3A_579 {strides = array<i32>} : memref<32768xf32, #tpu.memory_space<vmem>>, vector<16xf32>,
        %gather3A_586 = tpu.vector_load_idx %arg5[%gather3A_564, %add3A_16] : memref<7x64xf32, #tpu.memory_space<vmem>>[vector<16xi32>, vector<16xi32>], vector<16xf32>,
        %add3A_587 = arith.constant 768 : i32
        %add3A_588 = arith.addi %multiple_of3A, %add3A_587 : i32
        %add3A_589 = arith.constant 48 : i32
        %add3A_590 = arith.addi %add3A_588, %add3A_589 : i32
        %swap3A_591 = arith.index_cast %add3A_590 : i32 to index
        %swap3A_592 = tpu.vector_load %arg9[%swap3A_591] {strides = array<i32>} : memref<32768xf32, #tpu.memory_space<vmem>>, vector<16xf32>,
        tpu.vector_store %arg9[%swap3A_591], %gather3A_586 {strides = array<i32>} : memref<32768xf32, #tpu.memory_space<vmem>>, vector<16xf32>,
        %broadcast_in_dim3A_593 = vector.shape_cast %broadcast_in_dim3A_43 : vector<16xi32> to vector<16x1xi32>
        %gather3A_594 = vector.shape_cast %broadcast_in_dim3A_593 : vector<16x1xi32> to vector<16xi32>
        %gather3A_595 = tpu.dynamic_gather %gather3A[%gather3A_594] in [0] : vector<16xi32>, vector<16xi32> -> vector<16xi32>
        %gather3A_596 = tpu.vector_load_idx %arg5[%gather3A_595, %add3A_7] : memref<7x64xf32, #tpu.memory_space<vmem>>[vector<16xi32>, vector<16xi32>], vector<16xf32>,
        %add3A_597 = arith.constant 832 : i32
        %add3A_598 = arith.addi %multiple_of3A, %add3A_597 : i32
        %add3A_599 = arith.constant 0 : i32
        %add3A_600 = arith.addi %add3A_598, %add3A_599 : i32
        %swap3A_601 = arith.index_cast %add3A_600 : i32 to index
        %swap3A_602 = tpu.vector_load %arg9[%swap3A_601] {strides = array<i32>} : memref<32768xf32, #tpu.memory_space<vmem>>, vector<16xf32>,
        tpu.vector_store %arg9[%swap3A_601], %gather3A_596 {strides = array<i32>} : memref<32768xf32, #tpu.memory_space<vmem>>, vector<16xf32>,
        %gather3A_603 = tpu.vector_load_idx %arg5[%gather3A_595, %add3A_10] : memref<7x64xf32, #tpu.memory_space<vmem>>[vector<16xi32>, vector<16xi32>], vector<16xf32>,
        %add3A_604 = arith.constant 832 : i32
        %add3A_605 = arith.addi %multiple_of3A, %add3A_604 : i32
        %add3A_606 = arith.constant 16 : i32
        %add3A_607 = arith.addi %add3A_605, %add3A_606 : i32
        %swap3A_608 = arith.index_cast %add3A_607 : i32 to index
        %swap3A_609 = tpu.vector_load %arg9[%swap3A_608] {strides = array<i32>} : memref<32768xf32, #tpu.memory_space<vmem>>, vector<16xf32>,
        tpu.vector_store %arg9[%swap3A_608], %gather3A_603 {strides = array<i32>} : memref<32768xf32, #tpu.memory_space<vmem>>, vector<16xf32>,
        %gather3A_610 = tpu.vector_load_idx %arg5[%gather3A_595, %add3A_13] : memref<7x64xf32, #tpu.memory_space<vmem>>[vector<16xi32>, vector<16xi32>], vector<16xf32>,
        %add3A_611 = arith.constant 832 : i32
        %add3A_612 = arith.addi %multiple_of3A, %add3A_611 : i32
        %add3A_613 = arith.constant 32 : i32
        %add3A_614 = arith.addi %add3A_612, %add3A_613 : i32
        %swap3A_615 = arith.index_cast %add3A_614 : i32 to index
        %swap3A_616 = tpu.vector_load %arg9[%swap3A_615] {strides = array<i32>} : memref<32768xf32, #tpu.memory_space<vmem>>, vector<16xf32>,
        tpu.vector_store %arg9[%swap3A_615], %gather3A_610 {strides = array<i32>} : memref<32768xf32, #tpu.memory_space<vmem>>, vector<16xf32>,
        %gather3A_617 = tpu.vector_load_idx %arg5[%gather3A_595, %add3A_16] : memref<7x64xf32, #tpu.memory_space<vmem>>[vector<16xi32>, vector<16xi32>], vector<16xf32>,
        %add3A_618 = arith.constant 832 : i32
        %add3A_619 = arith.addi %multiple_of3A, %add3A_618 : i32
        %add3A_620 = arith.constant 48 : i32
        %add3A_621 = arith.addi %add3A_619, %add3A_620 : i32
        %swap3A_622 = arith.index_cast %add3A_621 : i32 to index
        %swap3A_623 = tpu.vector_load %arg9[%swap3A_622] {strides = array<i32>} : memref<32768xf32, #tpu.memory_space<vmem>>, vector<16xf32>,
        tpu.vector_store %arg9[%swap3A_622], %gather3A_617 {strides = array<i32>} : memref<32768xf32, #tpu.memory_space<vmem>>, vector<16xf32>,
        %broadcast_in_dim3A_624 = vector.shape_cast %broadcast_in_dim3A_45 : vector<16xi32> to vector<16x1xi32>
        %gather3A_625 = vector.shape_cast %broadcast_in_dim3A_624 : vector<16x1xi32> to vector<16xi32>
        %gather3A_626 = tpu.dynamic_gather %gather3A[%gather3A_625] in [0] : vector<16xi32>, vector<16xi32> -> vector<16xi32>
        %gather3A_627 = tpu.vector_load_idx %arg5[%gather3A_626, %add3A_7] : memref<7x64xf32, #tpu.memory_space<vmem>>[vector<16xi32>, vector<16xi32>], vector<16xf32>,
        %add3A_628 = arith.constant 896 : i32
        %add3A_629 = arith.addi %multiple_of3A, %add3A_628 : i32
        %add3A_630 = arith.constant 0 : i32
        %add3A_631 = arith.addi %add3A_629, %add3A_630 : i32
        %swap3A_632 = arith.index_cast %add3A_631 : i32 to index
        %swap3A_633 = tpu.vector_load %arg9[%swap3A_632] {strides = array<i32>} : memref<32768xf32, #tpu.memory_space<vmem>>, vector<16xf32>,
        tpu.vector_store %arg9[%swap3A_632], %gather3A_627 {strides = array<i32>} : memref<32768xf32, #tpu.memory_space<vmem>>, vector<16xf32>,
        %gather3A_634 = tpu.vector_load_idx %arg5[%gather3A_626, %add3A_10] : memref<7x64xf32, #tpu.memory_space<vmem>>[vector<16xi32>, vector<16xi32>], vector<16xf32>,
        %add3A_635 = arith.constant 896 : i32
        %add3A_636 = arith.addi %multiple_of3A, %add3A_635 : i32
        %add3A_637 = arith.constant 16 : i32
        %add3A_638 = arith.addi %add3A_636, %add3A_637 : i32
        %swap3A_639 = arith.index_cast %add3A_638 : i32 to index
        %swap3A_640 = tpu.vector_load %arg9[%swap3A_639] {strides = array<i32>} : memref<32768xf32, #tpu.memory_space<vmem>>, vector<16xf32>,
        tpu.vector_store %arg9[%swap3A_639], %gather3A_634 {strides = array<i32>} : memref<32768xf32, #tpu.memory_space<vmem>>, vector<16xf32>,
        %gather3A_641 = tpu.vector_load_idx %arg5[%gather3A_626, %add3A_13] : memref<7x64xf32, #tpu.memory_space<vmem>>[vector<16xi32>, vector<16xi32>], vector<16xf32>,
        %add3A_642 = arith.constant 896 : i32
        %add3A_643 = arith.addi %multiple_of3A, %add3A_642 : i32
        %add3A_644 = arith.constant 32 : i32
        %add3A_645 = arith.addi %add3A_643, %add3A_644 : i32
        %swap3A_646 = arith.index_cast %add3A_645 : i32 to index
        %swap3A_647 = tpu.vector_load %arg9[%swap3A_646] {strides = array<i32>} : memref<32768xf32, #tpu.memory_space<vmem>>, vector<16xf32>,
        tpu.vector_store %arg9[%swap3A_646], %gather3A_641 {strides = array<i32>} : memref<32768xf32, #tpu.memory_space<vmem>>, vector<16xf32>,
        %gather3A_648 = tpu.vector_load_idx %arg5[%gather3A_626, %add3A_16] : memref<7x64xf32, #tpu.memory_space<vmem>>[vector<16xi32>, vector<16xi32>], vector<16xf32>,
        %add3A_649 = arith.constant 896 : i32
        %add3A_650 = arith.addi %multiple_of3A, %add3A_649 : i32
        %add3A_651 = arith.constant 48 : i32
        %add3A_652 = arith.addi %add3A_650, %add3A_651 : i32
        %swap3A_653 = arith.index_cast %add3A_652 : i32 to index
        %swap3A_654 = tpu.vector_load %arg9[%swap3A_653] {strides = array<i32>} : memref<32768xf32, #tpu.memory_space<vmem>>, vector<16xf32>,
        tpu.vector_store %arg9[%swap3A_653], %gather3A_648 {strides = array<i32>} : memref<32768xf32, #tpu.memory_space<vmem>>, vector<16xf32>,
        %broadcast_in_dim3A_655 = vector.shape_cast %broadcast_in_dim3A_47 : vector<16xi32> to vector<16x1xi32>
        %gather3A_656 = vector.shape_cast %broadcast_in_dim3A_655 : vector<16x1xi32> to vector<16xi32>
        %gather3A_657 = tpu.dynamic_gather %gather3A[%gather3A_656] in [0] : vector<16xi32>, vector<16xi32> -> vector<16xi32>
        %gather3A_658 = tpu.vector_load_idx %arg5[%gather3A_657, %add3A_7] : memref<7x64xf32, #tpu.memory_space<vmem>>[vector<16xi32>, vector<16xi32>], vector<16xf32>,
        %add3A_659 = arith.constant 960 : i32
        %add3A_660 = arith.addi %multiple_of3A, %add3A_659 : i32
        %add3A_661 = arith.constant 0 : i32
        %add3A_662 = arith.addi %add3A_660, %add3A_661 : i32
        %swap3A_663 = arith.index_cast %add3A_662 : i32 to index
        %swap3A_664 = tpu.vector_load %arg9[%swap3A_663] {strides = array<i32>} : memref<32768xf32, #tpu.memory_space<vmem>>, vector<16xf32>,
        tpu.vector_store %arg9[%swap3A_663], %gather3A_658 {strides = array<i32>} : memref<32768xf32, #tpu.memory_space<vmem>>, vector<16xf32>,
        %gather3A_665 = tpu.vector_load_idx %arg5[%gather3A_657, %add3A_10] : memref<7x64xf32, #tpu.memory_space<vmem>>[vector<16xi32>, vector<16xi32>], vector<16xf32>,
        %add3A_666 = arith.constant 960 : i32
        %add3A_667 = arith.addi %multiple_of3A, %add3A_666 : i32
        %add3A_668 = arith.constant 16 : i32
        %add3A_669 = arith.addi %add3A_667, %add3A_668 : i32
        %swap3A_670 = arith.index_cast %add3A_669 : i32 to index
        %swap3A_671 = tpu.vector_load %arg9[%swap3A_670] {strides = array<i32>} : memref<32768xf32, #tpu.memory_space<vmem>>, vector<16xf32>,
        tpu.vector_store %arg9[%swap3A_670], %gather3A_665 {strides = array<i32>} : memref<32768xf32, #tpu.memory_space<vmem>>, vector<16xf32>,
        %gather3A_672 = tpu.vector_load_idx %arg5[%gather3A_657, %add3A_13] : memref<7x64xf32, #tpu.memory_space<vmem>>[vector<16xi32>, vector<16xi32>], vector<16xf32>,
        %add3A_673 = arith.constant 960 : i32
        %add3A_674 = arith.addi %multiple_of3A, %add3A_673 : i32
        %add3A_675 = arith.constant 32 : i32
        %add3A_676 = arith.addi %add3A_674, %add3A_675 : i32
        %swap3A_677 = arith.index_cast %add3A_676 : i32 to index
        %swap3A_678 = tpu.vector_load %arg9[%swap3A_677] {strides = array<i32>} : memref<32768xf32, #tpu.memory_space<vmem>>, vector<16xf32>,
        tpu.vector_store %arg9[%swap3A_677], %gather3A_672 {strides = array<i32>} : memref<32768xf32, #tpu.memory_space<vmem>>, vector<16xf32>,
        %gather3A_679 = tpu.vector_load_idx %arg5[%gather3A_657, %add3A_16] : memref<7x64xf32, #tpu.memory_space<vmem>>[vector<16xi32>, vector<16xi32>], vector<16xf32>,
        %add3A_680 = arith.constant 960 : i32
        %add3A_681 = arith.addi %multiple_of3A, %add3A_680 : i32
        %add3A_682 = arith.constant 48 : i32
        %add3A_683 = arith.addi %add3A_681, %add3A_682 : i32
        %swap3A_684 = arith.index_cast %add3A_683 : i32 to index
        %swap3A_685 = tpu.vector_load %arg9[%swap3A_684] {strides = array<i32>} : memref<32768xf32, #tpu.memory_space<vmem>>, vector<16xf32>,
        tpu.vector_store %arg9[%swap3A_684], %gather3A_679 {strides = array<i32>} : memref<32768xf32, #tpu.memory_space<vmem>>, vector<16xf32>,
        %add3A_686 = arith.constant 16 : i32
        %add3A_687 = vector.broadcast %add3A_686 : i32 to vector<16xi32>
        %add3A_688 = arith.addi %scan3A_184, %add3A_687 : vector<16xi32>
        scf.yield %add3A_688 : vector<16xi32>
      }
      %scan3A_117 = arith.constant 32 : i32
      %mul3A_118 = arith.constant 64 : i32
      %mul3A_119 = arith.muli %add3A_111, %mul3A_118 : i32
      %dma_start3A_120 = tpu.memref_slice %arg4[%mul3A_119] : memref<209715200xf32, #tpu.memory_space<hbm>> -> memref<32768xf32, #tpu.memory_space<hbm>>
      %dma_start3A_121 = tpu.memref_slice %arg4[%mul3A_119] : memref<209715200xf32, #tpu.memory_space<hbm>> -> memref<32768xf32, #tpu.memory_space<hbm>>
      tpu.enqueue_dma source(%arg9 : memref<32768xf32, #tpu.memory_space<vmem>>) target(%dma_start3A_121 : memref<32768xf32, #tpu.memory_space<hbm>>) target_semaphore(%arg11 : memref<!tpu.dma_semaphore, #tpu.memory_space<semaphore_mem>>)
      %mul3A_122 = arith.constant 2 : i32
      %mul3A_123 = arith.muli %mul3A_122, %scan3A_64 : i32
      %add3A_124 = arith.constant 1 : i32
      %add3A_125 = arith.addi %mul3A_123, %add3A_124 : i32
      %mul3A_126 = arith.constant 1024 : i32
      %mul3A_127 = arith.muli %add3A_125, %mul3A_126 : i32
      %add3A_128 = arith.addi %mul3A_4, %mul3A_127 : i32
      %mul3A_129 = arith.constant 8 : i32
      %mul3A_130 = arith.muli %add3A_125, %mul3A_129 : i32
      %add3A_131 = arith.addi %mul3A_2, %mul3A_130 : i32
      %dma_wait3A_132 = arith.constant 0 : i32
      %dma_wait3A_133 = tpu.memref_slice %arg2[%add3A_131, %dma_wait3A_132] : memref<25600x128xi32, #tpu.memory_space<hbm>> -> memref<8x128xi32, #tpu.memory_space<hbm>>
      %dma_wait3A_134 = arith.constant 0 : i32
      %dma_wait3A_135 = tpu.memref_slice %arg2[%add3A_131, %dma_wait3A_134] : memref<25600x128xi32, #tpu.memory_space<hbm>> -> memref<8x128xi32, #tpu.memory_space<hbm>>
      tpu.wait_dma2 semaphore(%arg13 : memref<!tpu.dma_semaphore, #tpu.memory_space<semaphore_mem>>) src(%dma_wait3A_135 : memref<8x128xi32, #tpu.memory_space<hbm>>) dst(%arg7 : memref<8x128xi32, #tpu.memory_space<vmem>>)
      %add3A_136 = arith.constant 1 : i32
      %add3A_137 = arith.addi %add3A_125, %add3A_136 : i32
      %lt3A_138 = arith.constant 100 : i32
      %lt3A_139 = arith.cmpi slt, %add3A_137, %lt3A_138 : i32
      %convert_element_type3A_140 = arith.extui %lt3A_139 : i1 to i32
      %cond3A_141 = arith.constant 0 : i32
      %cond3A_142 = arith.cmpi ne, %convert_element_type3A_140, %cond3A_141 : i32
      scf.if %cond3A_142 {
        %add3A_183 = arith.constant 1 : i32
        %add3A_184 = arith.addi %add3A_125, %add3A_183 : i32
        %mul3A_185 = arith.constant 8 : i32
        %mul3A_186 = arith.muli %add3A_184, %mul3A_185 : i32
        %add3A_187 = arith.addi %mul3A_2, %mul3A_186 : i32
        %dma_start3A_188 = arith.constant 0 : i32
        %dma_start3A_189 = tpu.memref_slice %arg2[%add3A_187, %dma_start3A_188] : memref<25600x128xi32, #tpu.memory_space<hbm>> -> memref<8x128xi32, #tpu.memory_space<hbm>>
        %dma_start3A_190 = arith.constant 0 : i32
        %dma_start3A_191 = tpu.memref_slice %arg2[%add3A_187, %dma_start3A_190] : memref<25600x128xi32, #tpu.memory_space<hbm>> -> memref<8x128xi32, #tpu.memory_space<hbm>>
        tpu.enqueue_dma source(%dma_start3A_191 : memref<8x128xi32, #tpu.memory_space<hbm>>) target(%arg6 : memref<8x128xi32, #tpu.memory_space<vmem>>) target_semaphore(%arg12 : memref<!tpu.dma_semaphore, #tpu.memory_space<semaphore_mem>>)
      } else {
      }
      %ge3A_143 = arith.constant 1 : i32
      %ge3A_144 = arith.cmpi sge, %add3A_125, %ge3A_143 : i32
      %convert_element_type3A_145 = arith.extui %ge3A_144 : i1 to i32
      %cond3A_146 = arith.constant 0 : i32
      %cond3A_147 = arith.cmpi ne, %convert_element_type3A_145, %cond3A_146 : i32
      scf.if %cond3A_147 {
        %mul3A_183 = arith.constant 64 : i32
        %mul3A_184 = arith.muli %add3A_128, %mul3A_183 : i32
        %dma_wait3A_185 = tpu.memref_slice %arg4[%mul3A_184] : memref<209715200xf32, #tpu.memory_space<hbm>> -> memref<32768xf32, #tpu.memory_space<hbm>>
        %dma_wait3A_186 = tpu.memref_slice %arg4[%mul3A_184] : memref<209715200xf32, #tpu.memory_space<hbm>> -> memref<32768xf32, #tpu.memory_space<hbm>>
        tpu.wait_dma2 semaphore(%arg10 : memref<!tpu.dma_semaphore, #tpu.memory_space<semaphore_mem>>) src(%arg8 : memref<32768xf32, #tpu.memory_space<vmem>>) dst(%dma_wait3A_186 : memref<32768xf32, #tpu.memory_space<hbm>>)
      } else {
      }
      %add3A_148 = arith.constant 0 : i32
      %add3A_149 = vector.broadcast %add3A_148 : i32 to vector<16xi32>
      %add3A_150 = arith.addi %iota3A, %add3A_149 : vector<16xi32>
      %add3A_151 = arith.constant 0 : i32
      %add3A_152 = arith.addi %add3A_128, %add3A_151 : i32
      %scan3A_153 = arith.constant 0 : i32
      %scan3A_154 = arith.constant 32 : i32
      %scan3A_155 = arith.addi %scan3A_153, %scan3A_154 : i32
      %scan3A_156 = arith.constant 1 : i32
      %scan3A_157 = scf.for %scan3A_183 = %scan3A_153 to %scan3A_155 step %scan3A_156 iter_args(%scan3A_184 = %add3A_150) -> (vector<16xi32>)  : i32 {
        %mul3A_185 = arith.constant 1024 : i32
        %mul3A_186 = arith.muli %scan3A_183, %mul3A_185 : i32
        %multiple_of3A = tpu.assume_multiple %mul3A_186, 8 : i32
        %shift_right_arithmetic3A = arith.constant 7 : i32
        %shift_right_arithmetic3A_187 = vector.broadcast %shift_right_arithmetic3A : i32 to vector<16xi32>
        %shift_right_arithmetic3A_188 = arith.shrsi %scan3A_184, %shift_right_arithmetic3A_187 : vector<16xi32>
        %and3A = arith.constant 127 : i32
        %and3A_189 = vector.broadcast %and3A : i32 to vector<16xi32>
        %and3A_190 = arith.andi %scan3A_184, %and3A_189 : vector<16xi32>
        %gather3A = tpu.vector_load_idx %arg7[%shift_right_arithmetic3A_188, %and3A_190] : memref<8x128xi32, #tpu.memory_space<vmem>>[vector<16xi32>, vector<16xi32>], vector<16xi32>,
        %broadcast_in_dim3A_191 = vector.shape_cast %broadcast_in_dim3A_17 : vector<16xi32> to vector<16x1xi32>
        %gather3A_192 = vector.shape_cast %broadcast_in_dim3A_191 : vector<16x1xi32> to vector<16xi32>
        %gather3A_193 = tpu.dynamic_gather %gather3A[%gather3A_192] in [0] : vector<16xi32>, vector<16xi32> -> vector<16xi32>
        %gather3A_194 = tpu.vector_load_idx %arg5[%gather3A_193, %add3A_7] : memref<7x64xf32, #tpu.memory_space<vmem>>[vector<16xi32>, vector<16xi32>], vector<16xf32>,
        %add3A_195 = arith.constant 0 : i32
        %add3A_196 = arith.addi %multiple_of3A, %add3A_195 : i32
        %add3A_197 = arith.constant 0 : i32
        %add3A_198 = arith.addi %add3A_196, %add3A_197 : i32
        %swap3A = arith.index_cast %add3A_198 : i32 to index
        %swap3A_199 = tpu.vector_load %arg8[%swap3A] {strides = array<i32>} : memref<32768xf32, #tpu.memory_space<vmem>>, vector<16xf32>,
        tpu.vector_store %arg8[%swap3A], %gather3A_194 {strides = array<i32>} : memref<32768xf32, #tpu.memory_space<vmem>>, vector<16xf32>,
        %gather3A_200 = tpu.vector_load_idx %arg5[%gather3A_193, %add3A_10] : memref<7x64xf32, #tpu.memory_space<vmem>>[vector<16xi32>, vector<16xi32>], vector<16xf32>,
        %add3A_201 = arith.constant 0 : i32
        %add3A_202 = arith.addi %multiple_of3A, %add3A_201 : i32
        %add3A_203 = arith.constant 16 : i32
        %add3A_204 = arith.addi %add3A_202, %add3A_203 : i32
        %swap3A_205 = arith.index_cast %add3A_204 : i32 to index
        %swap3A_206 = tpu.vector_load %arg8[%swap3A_205] {strides = array<i32>} : memref<32768xf32, #tpu.memory_space<vmem>>, vector<16xf32>,
        tpu.vector_store %arg8[%swap3A_205], %gather3A_200 {strides = array<i32>} : memref<32768xf32, #tpu.memory_space<vmem>>, vector<16xf32>,
        %gather3A_207 = tpu.vector_load_idx %arg5[%gather3A_193, %add3A_13] : memref<7x64xf32, #tpu.memory_space<vmem>>[vector<16xi32>, vector<16xi32>], vector<16xf32>,
        %add3A_208 = arith.constant 0 : i32
        %add3A_209 = arith.addi %multiple_of3A, %add3A_208 : i32
        %add3A_210 = arith.constant 32 : i32
        %add3A_211 = arith.addi %add3A_209, %add3A_210 : i32
        %swap3A_212 = arith.index_cast %add3A_211 : i32 to index
        %swap3A_213 = tpu.vector_load %arg8[%swap3A_212] {strides = array<i32>} : memref<32768xf32, #tpu.memory_space<vmem>>, vector<16xf32>,
        tpu.vector_store %arg8[%swap3A_212], %gather3A_207 {strides = array<i32>} : memref<32768xf32, #tpu.memory_space<vmem>>, vector<16xf32>,
        %gather3A_214 = tpu.vector_load_idx %arg5[%gather3A_193, %add3A_16] : memref<7x64xf32, #tpu.memory_space<vmem>>[vector<16xi32>, vector<16xi32>], vector<16xf32>,
        %add3A_215 = arith.constant 0 : i32
        %add3A_216 = arith.addi %multiple_of3A, %add3A_215 : i32
        %add3A_217 = arith.constant 48 : i32
        %add3A_218 = arith.addi %add3A_216, %add3A_217 : i32
        %swap3A_219 = arith.index_cast %add3A_218 : i32 to index
        %swap3A_220 = tpu.vector_load %arg8[%swap3A_219] {strides = array<i32>} : memref<32768xf32, #tpu.memory_space<vmem>>, vector<16xf32>,
        tpu.vector_store %arg8[%swap3A_219], %gather3A_214 {strides = array<i32>} : memref<32768xf32, #tpu.memory_space<vmem>>, vector<16xf32>,
        %broadcast_in_dim3A_221 = vector.shape_cast %broadcast_in_dim3A_19 : vector<16xi32> to vector<16x1xi32>
        %gather3A_222 = vector.shape_cast %broadcast_in_dim3A_221 : vector<16x1xi32> to vector<16xi32>
        %gather3A_223 = tpu.dynamic_gather %gather3A[%gather3A_222] in [0] : vector<16xi32>, vector<16xi32> -> vector<16xi32>
        %gather3A_224 = tpu.vector_load_idx %arg5[%gather3A_223, %add3A_7] : memref<7x64xf32, #tpu.memory_space<vmem>>[vector<16xi32>, vector<16xi32>], vector<16xf32>,
        %add3A_225 = arith.constant 64 : i32
        %add3A_226 = arith.addi %multiple_of3A, %add3A_225 : i32
        %add3A_227 = arith.constant 0 : i32
        %add3A_228 = arith.addi %add3A_226, %add3A_227 : i32
        %swap3A_229 = arith.index_cast %add3A_228 : i32 to index
        %swap3A_230 = tpu.vector_load %arg8[%swap3A_229] {strides = array<i32>} : memref<32768xf32, #tpu.memory_space<vmem>>, vector<16xf32>,
        tpu.vector_store %arg8[%swap3A_229], %gather3A_224 {strides = array<i32>} : memref<32768xf32, #tpu.memory_space<vmem>>, vector<16xf32>,
        %gather3A_231 = tpu.vector_load_idx %arg5[%gather3A_223, %add3A_10] : memref<7x64xf32, #tpu.memory_space<vmem>>[vector<16xi32>, vector<16xi32>], vector<16xf32>,
        %add3A_232 = arith.constant 64 : i32
        %add3A_233 = arith.addi %multiple_of3A, %add3A_232 : i32
        %add3A_234 = arith.constant 16 : i32
        %add3A_235 = arith.addi %add3A_233, %add3A_234 : i32
        %swap3A_236 = arith.index_cast %add3A_235 : i32 to index
        %swap3A_237 = tpu.vector_load %arg8[%swap3A_236] {strides = array<i32>} : memref<32768xf32, #tpu.memory_space<vmem>>, vector<16xf32>,
        tpu.vector_store %arg8[%swap3A_236], %gather3A_231 {strides = array<i32>} : memref<32768xf32, #tpu.memory_space<vmem>>, vector<16xf32>,
        %gather3A_238 = tpu.vector_load_idx %arg5[%gather3A_223, %add3A_13] : memref<7x64xf32, #tpu.memory_space<vmem>>[vector<16xi32>, vector<16xi32>], vector<16xf32>,
        %add3A_239 = arith.constant 64 : i32
        %add3A_240 = arith.addi %multiple_of3A, %add3A_239 : i32
        %add3A_241 = arith.constant 32 : i32
        %add3A_242 = arith.addi %add3A_240, %add3A_241 : i32
        %swap3A_243 = arith.index_cast %add3A_242 : i32 to index
        %swap3A_244 = tpu.vector_load %arg8[%swap3A_243] {strides = array<i32>} : memref<32768xf32, #tpu.memory_space<vmem>>, vector<16xf32>,
        tpu.vector_store %arg8[%swap3A_243], %gather3A_238 {strides = array<i32>} : memref<32768xf32, #tpu.memory_space<vmem>>, vector<16xf32>,
        %gather3A_245 = tpu.vector_load_idx %arg5[%gather3A_223, %add3A_16] : memref<7x64xf32, #tpu.memory_space<vmem>>[vector<16xi32>, vector<16xi32>], vector<16xf32>,
        %add3A_246 = arith.constant 64 : i32
        %add3A_247 = arith.addi %multiple_of3A, %add3A_246 : i32
        %add3A_248 = arith.constant 48 : i32
        %add3A_249 = arith.addi %add3A_247, %add3A_248 : i32
        %swap3A_250 = arith.index_cast %add3A_249 : i32 to index
        %swap3A_251 = tpu.vector_load %arg8[%swap3A_250] {strides = array<i32>} : memref<32768xf32, #tpu.memory_space<vmem>>, vector<16xf32>,
        tpu.vector_store %arg8[%swap3A_250], %gather3A_245 {strides = array<i32>} : memref<32768xf32, #tpu.memory_space<vmem>>, vector<16xf32>,
        %broadcast_in_dim3A_252 = vector.shape_cast %broadcast_in_dim3A_21 : vector<16xi32> to vector<16x1xi32>
        %gather3A_253 = vector.shape_cast %broadcast_in_dim3A_252 : vector<16x1xi32> to vector<16xi32>
        %gather3A_254 = tpu.dynamic_gather %gather3A[%gather3A_253] in [0] : vector<16xi32>, vector<16xi32> -> vector<16xi32>
        %gather3A_255 = tpu.vector_load_idx %arg5[%gather3A_254, %add3A_7] : memref<7x64xf32, #tpu.memory_space<vmem>>[vector<16xi32>, vector<16xi32>], vector<16xf32>,
        %add3A_256 = arith.constant 128 : i32
        %add3A_257 = arith.addi %multiple_of3A, %add3A_256 : i32
        %add3A_258 = arith.constant 0 : i32
        %add3A_259 = arith.addi %add3A_257, %add3A_258 : i32
        %swap3A_260 = arith.index_cast %add3A_259 : i32 to index
        %swap3A_261 = tpu.vector_load %arg8[%swap3A_260] {strides = array<i32>} : memref<32768xf32, #tpu.memory_space<vmem>>, vector<16xf32>,
        tpu.vector_store %arg8[%swap3A_260], %gather3A_255 {strides = array<i32>} : memref<32768xf32, #tpu.memory_space<vmem>>, vector<16xf32>,
        %gather3A_262 = tpu.vector_load_idx %arg5[%gather3A_254, %add3A_10] : memref<7x64xf32, #tpu.memory_space<vmem>>[vector<16xi32>, vector<16xi32>], vector<16xf32>,
        %add3A_263 = arith.constant 128 : i32
        %add3A_264 = arith.addi %multiple_of3A, %add3A_263 : i32
        %add3A_265 = arith.constant 16 : i32
        %add3A_266 = arith.addi %add3A_264, %add3A_265 : i32
        %swap3A_267 = arith.index_cast %add3A_266 : i32 to index
        %swap3A_268 = tpu.vector_load %arg8[%swap3A_267] {strides = array<i32>} : memref<32768xf32, #tpu.memory_space<vmem>>, vector<16xf32>,
        tpu.vector_store %arg8[%swap3A_267], %gather3A_262 {strides = array<i32>} : memref<32768xf32, #tpu.memory_space<vmem>>, vector<16xf32>,
        %gather3A_269 = tpu.vector_load_idx %arg5[%gather3A_254, %add3A_13] : memref<7x64xf32, #tpu.memory_space<vmem>>[vector<16xi32>, vector<16xi32>], vector<16xf32>,
        %add3A_270 = arith.constant 128 : i32
        %add3A_271 = arith.addi %multiple_of3A, %add3A_270 : i32
        %add3A_272 = arith.constant 32 : i32
        %add3A_273 = arith.addi %add3A_271, %add3A_272 : i32
        %swap3A_274 = arith.index_cast %add3A_273 : i32 to index
        %swap3A_275 = tpu.vector_load %arg8[%swap3A_274] {strides = array<i32>} : memref<32768xf32, #tpu.memory_space<vmem>>, vector<16xf32>,
        tpu.vector_store %arg8[%swap3A_274], %gather3A_269 {strides = array<i32>} : memref<32768xf32, #tpu.memory_space<vmem>>, vector<16xf32>,
        %gather3A_276 = tpu.vector_load_idx %arg5[%gather3A_254, %add3A_16] : memref<7x64xf32, #tpu.memory_space<vmem>>[vector<16xi32>, vector<16xi32>], vector<16xf32>,
        %add3A_277 = arith.constant 128 : i32
        %add3A_278 = arith.addi %multiple_of3A, %add3A_277 : i32
        %add3A_279 = arith.constant 48 : i32
        %add3A_280 = arith.addi %add3A_278, %add3A_279 : i32
        %swap3A_281 = arith.index_cast %add3A_280 : i32 to index
        %swap3A_282 = tpu.vector_load %arg8[%swap3A_281] {strides = array<i32>} : memref<32768xf32, #tpu.memory_space<vmem>>, vector<16xf32>,
        tpu.vector_store %arg8[%swap3A_281], %gather3A_276 {strides = array<i32>} : memref<32768xf32, #tpu.memory_space<vmem>>, vector<16xf32>,
        %broadcast_in_dim3A_283 = vector.shape_cast %broadcast_in_dim3A_23 : vector<16xi32> to vector<16x1xi32>
        %gather3A_284 = vector.shape_cast %broadcast_in_dim3A_283 : vector<16x1xi32> to vector<16xi32>
        %gather3A_285 = tpu.dynamic_gather %gather3A[%gather3A_284] in [0] : vector<16xi32>, vector<16xi32> -> vector<16xi32>
        %gather3A_286 = tpu.vector_load_idx %arg5[%gather3A_285, %add3A_7] : memref<7x64xf32, #tpu.memory_space<vmem>>[vector<16xi32>, vector<16xi32>], vector<16xf32>,
        %add3A_287 = arith.constant 192 : i32
        %add3A_288 = arith.addi %multiple_of3A, %add3A_287 : i32
        %add3A_289 = arith.constant 0 : i32
        %add3A_290 = arith.addi %add3A_288, %add3A_289 : i32
        %swap3A_291 = arith.index_cast %add3A_290 : i32 to index
        %swap3A_292 = tpu.vector_load %arg8[%swap3A_291] {strides = array<i32>} : memref<32768xf32, #tpu.memory_space<vmem>>, vector<16xf32>,
        tpu.vector_store %arg8[%swap3A_291], %gather3A_286 {strides = array<i32>} : memref<32768xf32, #tpu.memory_space<vmem>>, vector<16xf32>,
        %gather3A_293 = tpu.vector_load_idx %arg5[%gather3A_285, %add3A_10] : memref<7x64xf32, #tpu.memory_space<vmem>>[vector<16xi32>, vector<16xi32>], vector<16xf32>,
        %add3A_294 = arith.constant 192 : i32
        %add3A_295 = arith.addi %multiple_of3A, %add3A_294 : i32
        %add3A_296 = arith.constant 16 : i32
        %add3A_297 = arith.addi %add3A_295, %add3A_296 : i32
        %swap3A_298 = arith.index_cast %add3A_297 : i32 to index
        %swap3A_299 = tpu.vector_load %arg8[%swap3A_298] {strides = array<i32>} : memref<32768xf32, #tpu.memory_space<vmem>>, vector<16xf32>,
        tpu.vector_store %arg8[%swap3A_298], %gather3A_293 {strides = array<i32>} : memref<32768xf32, #tpu.memory_space<vmem>>, vector<16xf32>,
        %gather3A_300 = tpu.vector_load_idx %arg5[%gather3A_285, %add3A_13] : memref<7x64xf32, #tpu.memory_space<vmem>>[vector<16xi32>, vector<16xi32>], vector<16xf32>,
        %add3A_301 = arith.constant 192 : i32
        %add3A_302 = arith.addi %multiple_of3A, %add3A_301 : i32
        %add3A_303 = arith.constant 32 : i32
        %add3A_304 = arith.addi %add3A_302, %add3A_303 : i32
        %swap3A_305 = arith.index_cast %add3A_304 : i32 to index
        %swap3A_306 = tpu.vector_load %arg8[%swap3A_305] {strides = array<i32>} : memref<32768xf32, #tpu.memory_space<vmem>>, vector<16xf32>,
        tpu.vector_store %arg8[%swap3A_305], %gather3A_300 {strides = array<i32>} : memref<32768xf32, #tpu.memory_space<vmem>>, vector<16xf32>,
        %gather3A_307 = tpu.vector_load_idx %arg5[%gather3A_285, %add3A_16] : memref<7x64xf32, #tpu.memory_space<vmem>>[vector<16xi32>, vector<16xi32>], vector<16xf32>,
        %add3A_308 = arith.constant 192 : i32
        %add3A_309 = arith.addi %multiple_of3A, %add3A_308 : i32
        %add3A_310 = arith.constant 48 : i32
        %add3A_311 = arith.addi %add3A_309, %add3A_310 : i32
        %swap3A_312 = arith.index_cast %add3A_311 : i32 to index
        %swap3A_313 = tpu.vector_load %arg8[%swap3A_312] {strides = array<i32>} : memref<32768xf32, #tpu.memory_space<vmem>>, vector<16xf32>,
        tpu.vector_store %arg8[%swap3A_312], %gather3A_307 {strides = array<i32>} : memref<32768xf32, #tpu.memory_space<vmem>>, vector<16xf32>,
        %broadcast_in_dim3A_314 = vector.shape_cast %broadcast_in_dim3A_25 : vector<16xi32> to vector<16x1xi32>
        %gather3A_315 = vector.shape_cast %broadcast_in_dim3A_314 : vector<16x1xi32> to vector<16xi32>
        %gather3A_316 = tpu.dynamic_gather %gather3A[%gather3A_315] in [0] : vector<16xi32>, vector<16xi32> -> vector<16xi32>
        %gather3A_317 = tpu.vector_load_idx %arg5[%gather3A_316, %add3A_7] : memref<7x64xf32, #tpu.memory_space<vmem>>[vector<16xi32>, vector<16xi32>], vector<16xf32>,
        %add3A_318 = arith.constant 256 : i32
        %add3A_319 = arith.addi %multiple_of3A, %add3A_318 : i32
        %add3A_320 = arith.constant 0 : i32
        %add3A_321 = arith.addi %add3A_319, %add3A_320 : i32
        %swap3A_322 = arith.index_cast %add3A_321 : i32 to index
        %swap3A_323 = tpu.vector_load %arg8[%swap3A_322] {strides = array<i32>} : memref<32768xf32, #tpu.memory_space<vmem>>, vector<16xf32>,
        tpu.vector_store %arg8[%swap3A_322], %gather3A_317 {strides = array<i32>} : memref<32768xf32, #tpu.memory_space<vmem>>, vector<16xf32>,
        %gather3A_324 = tpu.vector_load_idx %arg5[%gather3A_316, %add3A_10] : memref<7x64xf32, #tpu.memory_space<vmem>>[vector<16xi32>, vector<16xi32>], vector<16xf32>,
        %add3A_325 = arith.constant 256 : i32
        %add3A_326 = arith.addi %multiple_of3A, %add3A_325 : i32
        %add3A_327 = arith.constant 16 : i32
        %add3A_328 = arith.addi %add3A_326, %add3A_327 : i32
        %swap3A_329 = arith.index_cast %add3A_328 : i32 to index
        %swap3A_330 = tpu.vector_load %arg8[%swap3A_329] {strides = array<i32>} : memref<32768xf32, #tpu.memory_space<vmem>>, vector<16xf32>,
        tpu.vector_store %arg8[%swap3A_329], %gather3A_324 {strides = array<i32>} : memref<32768xf32, #tpu.memory_space<vmem>>, vector<16xf32>,
        %gather3A_331 = tpu.vector_load_idx %arg5[%gather3A_316, %add3A_13] : memref<7x64xf32, #tpu.memory_space<vmem>>[vector<16xi32>, vector<16xi32>], vector<16xf32>,
        %add3A_332 = arith.constant 256 : i32
        %add3A_333 = arith.addi %multiple_of3A, %add3A_332 : i32
        %add3A_334 = arith.constant 32 : i32
        %add3A_335 = arith.addi %add3A_333, %add3A_334 : i32
        %swap3A_336 = arith.index_cast %add3A_335 : i32 to index
        %swap3A_337 = tpu.vector_load %arg8[%swap3A_336] {strides = array<i32>} : memref<32768xf32, #tpu.memory_space<vmem>>, vector<16xf32>,
        tpu.vector_store %arg8[%swap3A_336], %gather3A_331 {strides = array<i32>} : memref<32768xf32, #tpu.memory_space<vmem>>, vector<16xf32>,
        %gather3A_338 = tpu.vector_load_idx %arg5[%gather3A_316, %add3A_16] : memref<7x64xf32, #tpu.memory_space<vmem>>[vector<16xi32>, vector<16xi32>], vector<16xf32>,
        %add3A_339 = arith.constant 256 : i32
        %add3A_340 = arith.addi %multiple_of3A, %add3A_339 : i32
        %add3A_341 = arith.constant 48 : i32
        %add3A_342 = arith.addi %add3A_340, %add3A_341 : i32
        %swap3A_343 = arith.index_cast %add3A_342 : i32 to index
        %swap3A_344 = tpu.vector_load %arg8[%swap3A_343] {strides = array<i32>} : memref<32768xf32, #tpu.memory_space<vmem>>, vector<16xf32>,
        tpu.vector_store %arg8[%swap3A_343], %gather3A_338 {strides = array<i32>} : memref<32768xf32, #tpu.memory_space<vmem>>, vector<16xf32>,
        %broadcast_in_dim3A_345 = vector.shape_cast %broadcast_in_dim3A_27 : vector<16xi32> to vector<16x1xi32>
        %gather3A_346 = vector.shape_cast %broadcast_in_dim3A_345 : vector<16x1xi32> to vector<16xi32>
        %gather3A_347 = tpu.dynamic_gather %gather3A[%gather3A_346] in [0] : vector<16xi32>, vector<16xi32> -> vector<16xi32>
        %gather3A_348 = tpu.vector_load_idx %arg5[%gather3A_347, %add3A_7] : memref<7x64xf32, #tpu.memory_space<vmem>>[vector<16xi32>, vector<16xi32>], vector<16xf32>,
        %add3A_349 = arith.constant 320 : i32
        %add3A_350 = arith.addi %multiple_of3A, %add3A_349 : i32
        %add3A_351 = arith.constant 0 : i32
        %add3A_352 = arith.addi %add3A_350, %add3A_351 : i32
        %swap3A_353 = arith.index_cast %add3A_352 : i32 to index
        %swap3A_354 = tpu.vector_load %arg8[%swap3A_353] {strides = array<i32>} : memref<32768xf32, #tpu.memory_space<vmem>>, vector<16xf32>,
        tpu.vector_store %arg8[%swap3A_353], %gather3A_348 {strides = array<i32>} : memref<32768xf32, #tpu.memory_space<vmem>>, vector<16xf32>,
        %gather3A_355 = tpu.vector_load_idx %arg5[%gather3A_347, %add3A_10] : memref<7x64xf32, #tpu.memory_space<vmem>>[vector<16xi32>, vector<16xi32>], vector<16xf32>,
        %add3A_356 = arith.constant 320 : i32
        %add3A_357 = arith.addi %multiple_of3A, %add3A_356 : i32
        %add3A_358 = arith.constant 16 : i32
        %add3A_359 = arith.addi %add3A_357, %add3A_358 : i32
        %swap3A_360 = arith.index_cast %add3A_359 : i32 to index
        %swap3A_361 = tpu.vector_load %arg8[%swap3A_360] {strides = array<i32>} : memref<32768xf32, #tpu.memory_space<vmem>>, vector<16xf32>,
        tpu.vector_store %arg8[%swap3A_360], %gather3A_355 {strides = array<i32>} : memref<32768xf32, #tpu.memory_space<vmem>>, vector<16xf32>,
        %gather3A_362 = tpu.vector_load_idx %arg5[%gather3A_347, %add3A_13] : memref<7x64xf32, #tpu.memory_space<vmem>>[vector<16xi32>, vector<16xi32>], vector<16xf32>,
        %add3A_363 = arith.constant 320 : i32
        %add3A_364 = arith.addi %multiple_of3A, %add3A_363 : i32
        %add3A_365 = arith.constant 32 : i32
        %add3A_366 = arith.addi %add3A_364, %add3A_365 : i32
        %swap3A_367 = arith.index_cast %add3A_366 : i32 to index
        %swap3A_368 = tpu.vector_load %arg8[%swap3A_367] {strides = array<i32>} : memref<32768xf32, #tpu.memory_space<vmem>>, vector<16xf32>,
        tpu.vector_store %arg8[%swap3A_367], %gather3A_362 {strides = array<i32>} : memref<32768xf32, #tpu.memory_space<vmem>>, vector<16xf32>,
        %gather3A_369 = tpu.vector_load_idx %arg5[%gather3A_347, %add3A_16] : memref<7x64xf32, #tpu.memory_space<vmem>>[vector<16xi32>, vector<16xi32>], vector<16xf32>,
        %add3A_370 = arith.constant 320 : i32
        %add3A_371 = arith.addi %multiple_of3A, %add3A_370 : i32
        %add3A_372 = arith.constant 48 : i32
        %add3A_373 = arith.addi %add3A_371, %add3A_372 : i32
        %swap3A_374 = arith.index_cast %add3A_373 : i32 to index
        %swap3A_375 = tpu.vector_load %arg8[%swap3A_374] {strides = array<i32>} : memref<32768xf32, #tpu.memory_space<vmem>>, vector<16xf32>,
        tpu.vector_store %arg8[%swap3A_374], %gather3A_369 {strides = array<i32>} : memref<32768xf32, #tpu.memory_space<vmem>>, vector<16xf32>,
        %broadcast_in_dim3A_376 = vector.shape_cast %broadcast_in_dim3A_29 : vector<16xi32> to vector<16x1xi32>
        %gather3A_377 = vector.shape_cast %broadcast_in_dim3A_376 : vector<16x1xi32> to vector<16xi32>
        %gather3A_378 = tpu.dynamic_gather %gather3A[%gather3A_377] in [0] : vector<16xi32>, vector<16xi32> -> vector<16xi32>
        %gather3A_379 = tpu.vector_load_idx %arg5[%gather3A_378, %add3A_7] : memref<7x64xf32, #tpu.memory_space<vmem>>[vector<16xi32>, vector<16xi32>], vector<16xf32>,
        %add3A_380 = arith.constant 384 : i32
        %add3A_381 = arith.addi %multiple_of3A, %add3A_380 : i32
        %add3A_382 = arith.constant 0 : i32
        %add3A_383 = arith.addi %add3A_381, %add3A_382 : i32
        %swap3A_384 = arith.index_cast %add3A_383 : i32 to index
        %swap3A_385 = tpu.vector_load %arg8[%swap3A_384] {strides = array<i32>} : memref<32768xf32, #tpu.memory_space<vmem>>, vector<16xf32>,
        tpu.vector_store %arg8[%swap3A_384], %gather3A_379 {strides = array<i32>} : memref<32768xf32, #tpu.memory_space<vmem>>, vector<16xf32>,
        %gather3A_386 = tpu.vector_load_idx %arg5[%gather3A_378, %add3A_10] : memref<7x64xf32, #tpu.memory_space<vmem>>[vector<16xi32>, vector<16xi32>], vector<16xf32>,
        %add3A_387 = arith.constant 384 : i32
        %add3A_388 = arith.addi %multiple_of3A, %add3A_387 : i32
        %add3A_389 = arith.constant 16 : i32
        %add3A_390 = arith.addi %add3A_388, %add3A_389 : i32
        %swap3A_391 = arith.index_cast %add3A_390 : i32 to index
        %swap3A_392 = tpu.vector_load %arg8[%swap3A_391] {strides = array<i32>} : memref<32768xf32, #tpu.memory_space<vmem>>, vector<16xf32>,
        tpu.vector_store %arg8[%swap3A_391], %gather3A_386 {strides = array<i32>} : memref<32768xf32, #tpu.memory_space<vmem>>, vector<16xf32>,
        %gather3A_393 = tpu.vector_load_idx %arg5[%gather3A_378, %add3A_13] : memref<7x64xf32, #tpu.memory_space<vmem>>[vector<16xi32>, vector<16xi32>], vector<16xf32>,
        %add3A_394 = arith.constant 384 : i32
        %add3A_395 = arith.addi %multiple_of3A, %add3A_394 : i32
        %add3A_396 = arith.constant 32 : i32
        %add3A_397 = arith.addi %add3A_395, %add3A_396 : i32
        %swap3A_398 = arith.index_cast %add3A_397 : i32 to index
        %swap3A_399 = tpu.vector_load %arg8[%swap3A_398] {strides = array<i32>} : memref<32768xf32, #tpu.memory_space<vmem>>, vector<16xf32>,
        tpu.vector_store %arg8[%swap3A_398], %gather3A_393 {strides = array<i32>} : memref<32768xf32, #tpu.memory_space<vmem>>, vector<16xf32>,
        %gather3A_400 = tpu.vector_load_idx %arg5[%gather3A_378, %add3A_16] : memref<7x64xf32, #tpu.memory_space<vmem>>[vector<16xi32>, vector<16xi32>], vector<16xf32>,
        %add3A_401 = arith.constant 384 : i32
        %add3A_402 = arith.addi %multiple_of3A, %add3A_401 : i32
        %add3A_403 = arith.constant 48 : i32
        %add3A_404 = arith.addi %add3A_402, %add3A_403 : i32
        %swap3A_405 = arith.index_cast %add3A_404 : i32 to index
        %swap3A_406 = tpu.vector_load %arg8[%swap3A_405] {strides = array<i32>} : memref<32768xf32, #tpu.memory_space<vmem>>, vector<16xf32>,
        tpu.vector_store %arg8[%swap3A_405], %gather3A_400 {strides = array<i32>} : memref<32768xf32, #tpu.memory_space<vmem>>, vector<16xf32>,
        %broadcast_in_dim3A_407 = vector.shape_cast %broadcast_in_dim3A_31 : vector<16xi32> to vector<16x1xi32>
        %gather3A_408 = vector.shape_cast %broadcast_in_dim3A_407 : vector<16x1xi32> to vector<16xi32>
        %gather3A_409 = tpu.dynamic_gather %gather3A[%gather3A_408] in [0] : vector<16xi32>, vector<16xi32> -> vector<16xi32>
        %gather3A_410 = tpu.vector_load_idx %arg5[%gather3A_409, %add3A_7] : memref<7x64xf32, #tpu.memory_space<vmem>>[vector<16xi32>, vector<16xi32>], vector<16xf32>,
        %add3A_411 = arith.constant 448 : i32
        %add3A_412 = arith.addi %multiple_of3A, %add3A_411 : i32
        %add3A_413 = arith.constant 0 : i32
        %add3A_414 = arith.addi %add3A_412, %add3A_413 : i32
        %swap3A_415 = arith.index_cast %add3A_414 : i32 to index
        %swap3A_416 = tpu.vector_load %arg8[%swap3A_415] {strides = array<i32>} : memref<32768xf32, #tpu.memory_space<vmem>>, vector<16xf32>,
        tpu.vector_store %arg8[%swap3A_415], %gather3A_410 {strides = array<i32>} : memref<32768xf32, #tpu.memory_space<vmem>>, vector<16xf32>,
        %gather3A_417 = tpu.vector_load_idx %arg5[%gather3A_409, %add3A_10] : memref<7x64xf32, #tpu.memory_space<vmem>>[vector<16xi32>, vector<16xi32>], vector<16xf32>,
        %add3A_418 = arith.constant 448 : i32
        %add3A_419 = arith.addi %multiple_of3A, %add3A_418 : i32
        %add3A_420 = arith.constant 16 : i32
        %add3A_421 = arith.addi %add3A_419, %add3A_420 : i32
        %swap3A_422 = arith.index_cast %add3A_421 : i32 to index
        %swap3A_423 = tpu.vector_load %arg8[%swap3A_422] {strides = array<i32>} : memref<32768xf32, #tpu.memory_space<vmem>>, vector<16xf32>,
        tpu.vector_store %arg8[%swap3A_422], %gather3A_417 {strides = array<i32>} : memref<32768xf32, #tpu.memory_space<vmem>>, vector<16xf32>,
        %gather3A_424 = tpu.vector_load_idx %arg5[%gather3A_409, %add3A_13] : memref<7x64xf32, #tpu.memory_space<vmem>>[vector<16xi32>, vector<16xi32>], vector<16xf32>,
        %add3A_425 = arith.constant 448 : i32
        %add3A_426 = arith.addi %multiple_of3A, %add3A_425 : i32
        %add3A_427 = arith.constant 32 : i32
        %add3A_428 = arith.addi %add3A_426, %add3A_427 : i32
        %swap3A_429 = arith.index_cast %add3A_428 : i32 to index
        %swap3A_430 = tpu.vector_load %arg8[%swap3A_429] {strides = array<i32>} : memref<32768xf32, #tpu.memory_space<vmem>>, vector<16xf32>,
        tpu.vector_store %arg8[%swap3A_429], %gather3A_424 {strides = array<i32>} : memref<32768xf32, #tpu.memory_space<vmem>>, vector<16xf32>,
        %gather3A_431 = tpu.vector_load_idx %arg5[%gather3A_409, %add3A_16] : memref<7x64xf32, #tpu.memory_space<vmem>>[vector<16xi32>, vector<16xi32>], vector<16xf32>,
        %add3A_432 = arith.constant 448 : i32
        %add3A_433 = arith.addi %multiple_of3A, %add3A_432 : i32
        %add3A_434 = arith.constant 48 : i32
        %add3A_435 = arith.addi %add3A_433, %add3A_434 : i32
        %swap3A_436 = arith.index_cast %add3A_435 : i32 to index
        %swap3A_437 = tpu.vector_load %arg8[%swap3A_436] {strides = array<i32>} : memref<32768xf32, #tpu.memory_space<vmem>>, vector<16xf32>,
        tpu.vector_store %arg8[%swap3A_436], %gather3A_431 {strides = array<i32>} : memref<32768xf32, #tpu.memory_space<vmem>>, vector<16xf32>,
        %broadcast_in_dim3A_438 = vector.shape_cast %broadcast_in_dim3A_33 : vector<16xi32> to vector<16x1xi32>
        %gather3A_439 = vector.shape_cast %broadcast_in_dim3A_438 : vector<16x1xi32> to vector<16xi32>
        %gather3A_440 = tpu.dynamic_gather %gather3A[%gather3A_439] in [0] : vector<16xi32>, vector<16xi32> -> vector<16xi32>
        %gather3A_441 = tpu.vector_load_idx %arg5[%gather3A_440, %add3A_7] : memref<7x64xf32, #tpu.memory_space<vmem>>[vector<16xi32>, vector<16xi32>], vector<16xf32>,
        %add3A_442 = arith.constant 512 : i32
        %add3A_443 = arith.addi %multiple_of3A, %add3A_442 : i32
        %add3A_444 = arith.constant 0 : i32
        %add3A_445 = arith.addi %add3A_443, %add3A_444 : i32
        %swap3A_446 = arith.index_cast %add3A_445 : i32 to index
        %swap3A_447 = tpu.vector_load %arg8[%swap3A_446] {strides = array<i32>} : memref<32768xf32, #tpu.memory_space<vmem>>, vector<16xf32>,
        tpu.vector_store %arg8[%swap3A_446], %gather3A_441 {strides = array<i32>} : memref<32768xf32, #tpu.memory_space<vmem>>, vector<16xf32>,
        %gather3A_448 = tpu.vector_load_idx %arg5[%gather3A_440, %add3A_10] : memref<7x64xf32, #tpu.memory_space<vmem>>[vector<16xi32>, vector<16xi32>], vector<16xf32>,
        %add3A_449 = arith.constant 512 : i32
        %add3A_450 = arith.addi %multiple_of3A, %add3A_449 : i32
        %add3A_451 = arith.constant 16 : i32
        %add3A_452 = arith.addi %add3A_450, %add3A_451 : i32
        %swap3A_453 = arith.index_cast %add3A_452 : i32 to index
        %swap3A_454 = tpu.vector_load %arg8[%swap3A_453] {strides = array<i32>} : memref<32768xf32, #tpu.memory_space<vmem>>, vector<16xf32>,
        tpu.vector_store %arg8[%swap3A_453], %gather3A_448 {strides = array<i32>} : memref<32768xf32, #tpu.memory_space<vmem>>, vector<16xf32>,
        %gather3A_455 = tpu.vector_load_idx %arg5[%gather3A_440, %add3A_13] : memref<7x64xf32, #tpu.memory_space<vmem>>[vector<16xi32>, vector<16xi32>], vector<16xf32>,
        %add3A_456 = arith.constant 512 : i32
        %add3A_457 = arith.addi %multiple_of3A, %add3A_456 : i32
        %add3A_458 = arith.constant 32 : i32
        %add3A_459 = arith.addi %add3A_457, %add3A_458 : i32
        %swap3A_460 = arith.index_cast %add3A_459 : i32 to index
        %swap3A_461 = tpu.vector_load %arg8[%swap3A_460] {strides = array<i32>} : memref<32768xf32, #tpu.memory_space<vmem>>, vector<16xf32>,
        tpu.vector_store %arg8[%swap3A_460], %gather3A_455 {strides = array<i32>} : memref<32768xf32, #tpu.memory_space<vmem>>, vector<16xf32>,
        %gather3A_462 = tpu.vector_load_idx %arg5[%gather3A_440, %add3A_16] : memref<7x64xf32, #tpu.memory_space<vmem>>[vector<16xi32>, vector<16xi32>], vector<16xf32>,
        %add3A_463 = arith.constant 512 : i32
        %add3A_464 = arith.addi %multiple_of3A, %add3A_463 : i32
        %add3A_465 = arith.constant 48 : i32
        %add3A_466 = arith.addi %add3A_464, %add3A_465 : i32
        %swap3A_467 = arith.index_cast %add3A_466 : i32 to index
        %swap3A_468 = tpu.vector_load %arg8[%swap3A_467] {strides = array<i32>} : memref<32768xf32, #tpu.memory_space<vmem>>, vector<16xf32>,
        tpu.vector_store %arg8[%swap3A_467], %gather3A_462 {strides = array<i32>} : memref<32768xf32, #tpu.memory_space<vmem>>, vector<16xf32>,
        %broadcast_in_dim3A_469 = vector.shape_cast %broadcast_in_dim3A_35 : vector<16xi32> to vector<16x1xi32>
        %gather3A_470 = vector.shape_cast %broadcast_in_dim3A_469 : vector<16x1xi32> to vector<16xi32>
        %gather3A_471 = tpu.dynamic_gather %gather3A[%gather3A_470] in [0] : vector<16xi32>, vector<16xi32> -> vector<16xi32>
        %gather3A_472 = tpu.vector_load_idx %arg5[%gather3A_471, %add3A_7] : memref<7x64xf32, #tpu.memory_space<vmem>>[vector<16xi32>, vector<16xi32>], vector<16xf32>,
        %add3A_473 = arith.constant 576 : i32
        %add3A_474 = arith.addi %multiple_of3A, %add3A_473 : i32
        %add3A_475 = arith.constant 0 : i32
        %add3A_476 = arith.addi %add3A_474, %add3A_475 : i32
        %swap3A_477 = arith.index_cast %add3A_476 : i32 to index
        %swap3A_478 = tpu.vector_load %arg8[%swap3A_477] {strides = array<i32>} : memref<32768xf32, #tpu.memory_space<vmem>>, vector<16xf32>,
        tpu.vector_store %arg8[%swap3A_477], %gather3A_472 {strides = array<i32>} : memref<32768xf32, #tpu.memory_space<vmem>>, vector<16xf32>,
        %gather3A_479 = tpu.vector_load_idx %arg5[%gather3A_471, %add3A_10] : memref<7x64xf32, #tpu.memory_space<vmem>>[vector<16xi32>, vector<16xi32>], vector<16xf32>,
        %add3A_480 = arith.constant 576 : i32
        %add3A_481 = arith.addi %multiple_of3A, %add3A_480 : i32
        %add3A_482 = arith.constant 16 : i32
        %add3A_483 = arith.addi %add3A_481, %add3A_482 : i32
        %swap3A_484 = arith.index_cast %add3A_483 : i32 to index
        %swap3A_485 = tpu.vector_load %arg8[%swap3A_484] {strides = array<i32>} : memref<32768xf32, #tpu.memory_space<vmem>>, vector<16xf32>,
        tpu.vector_store %arg8[%swap3A_484], %gather3A_479 {strides = array<i32>} : memref<32768xf32, #tpu.memory_space<vmem>>, vector<16xf32>,
        %gather3A_486 = tpu.vector_load_idx %arg5[%gather3A_471, %add3A_13] : memref<7x64xf32, #tpu.memory_space<vmem>>[vector<16xi32>, vector<16xi32>], vector<16xf32>,
        %add3A_487 = arith.constant 576 : i32
        %add3A_488 = arith.addi %multiple_of3A, %add3A_487 : i32
        %add3A_489 = arith.constant 32 : i32
        %add3A_490 = arith.addi %add3A_488, %add3A_489 : i32
        %swap3A_491 = arith.index_cast %add3A_490 : i32 to index
        %swap3A_492 = tpu.vector_load %arg8[%swap3A_491] {strides = array<i32>} : memref<32768xf32, #tpu.memory_space<vmem>>, vector<16xf32>,
        tpu.vector_store %arg8[%swap3A_491], %gather3A_486 {strides = array<i32>} : memref<32768xf32, #tpu.memory_space<vmem>>, vector<16xf32>,
        %gather3A_493 = tpu.vector_load_idx %arg5[%gather3A_471, %add3A_16] : memref<7x64xf32, #tpu.memory_space<vmem>>[vector<16xi32>, vector<16xi32>], vector<16xf32>,
        %add3A_494 = arith.constant 576 : i32
        %add3A_495 = arith.addi %multiple_of3A, %add3A_494 : i32
        %add3A_496 = arith.constant 48 : i32
        %add3A_497 = arith.addi %add3A_495, %add3A_496 : i32
        %swap3A_498 = arith.index_cast %add3A_497 : i32 to index
        %swap3A_499 = tpu.vector_load %arg8[%swap3A_498] {strides = array<i32>} : memref<32768xf32, #tpu.memory_space<vmem>>, vector<16xf32>,
        tpu.vector_store %arg8[%swap3A_498], %gather3A_493 {strides = array<i32>} : memref<32768xf32, #tpu.memory_space<vmem>>, vector<16xf32>,
        %broadcast_in_dim3A_500 = vector.shape_cast %broadcast_in_dim3A_37 : vector<16xi32> to vector<16x1xi32>
        %gather3A_501 = vector.shape_cast %broadcast_in_dim3A_500 : vector<16x1xi32> to vector<16xi32>
        %gather3A_502 = tpu.dynamic_gather %gather3A[%gather3A_501] in [0] : vector<16xi32>, vector<16xi32> -> vector<16xi32>
        %gather3A_503 = tpu.vector_load_idx %arg5[%gather3A_502, %add3A_7] : memref<7x64xf32, #tpu.memory_space<vmem>>[vector<16xi32>, vector<16xi32>], vector<16xf32>,
        %add3A_504 = arith.constant 640 : i32
        %add3A_505 = arith.addi %multiple_of3A, %add3A_504 : i32
        %add3A_506 = arith.constant 0 : i32
        %add3A_507 = arith.addi %add3A_505, %add3A_506 : i32
        %swap3A_508 = arith.index_cast %add3A_507 : i32 to index
        %swap3A_509 = tpu.vector_load %arg8[%swap3A_508] {strides = array<i32>} : memref<32768xf32, #tpu.memory_space<vmem>>, vector<16xf32>,
        tpu.vector_store %arg8[%swap3A_508], %gather3A_503 {strides = array<i32>} : memref<32768xf32, #tpu.memory_space<vmem>>, vector<16xf32>,
        %gather3A_510 = tpu.vector_load_idx %arg5[%gather3A_502, %add3A_10] : memref<7x64xf32, #tpu.memory_space<vmem>>[vector<16xi32>, vector<16xi32>], vector<16xf32>,
        %add3A_511 = arith.constant 640 : i32
        %add3A_512 = arith.addi %multiple_of3A, %add3A_511 : i32
        %add3A_513 = arith.constant 16 : i32
        %add3A_514 = arith.addi %add3A_512, %add3A_513 : i32
        %swap3A_515 = arith.index_cast %add3A_514 : i32 to index
        %swap3A_516 = tpu.vector_load %arg8[%swap3A_515] {strides = array<i32>} : memref<32768xf32, #tpu.memory_space<vmem>>, vector<16xf32>,
        tpu.vector_store %arg8[%swap3A_515], %gather3A_510 {strides = array<i32>} : memref<32768xf32, #tpu.memory_space<vmem>>, vector<16xf32>,
        %gather3A_517 = tpu.vector_load_idx %arg5[%gather3A_502, %add3A_13] : memref<7x64xf32, #tpu.memory_space<vmem>>[vector<16xi32>, vector<16xi32>], vector<16xf32>,
        %add3A_518 = arith.constant 640 : i32
        %add3A_519 = arith.addi %multiple_of3A, %add3A_518 : i32
        %add3A_520 = arith.constant 32 : i32
        %add3A_521 = arith.addi %add3A_519, %add3A_520 : i32
        %swap3A_522 = arith.index_cast %add3A_521 : i32 to index
        %swap3A_523 = tpu.vector_load %arg8[%swap3A_522] {strides = array<i32>} : memref<32768xf32, #tpu.memory_space<vmem>>, vector<16xf32>,
        tpu.vector_store %arg8[%swap3A_522], %gather3A_517 {strides = array<i32>} : memref<32768xf32, #tpu.memory_space<vmem>>, vector<16xf32>,
        %gather3A_524 = tpu.vector_load_idx %arg5[%gather3A_502, %add3A_16] : memref<7x64xf32, #tpu.memory_space<vmem>>[vector<16xi32>, vector<16xi32>], vector<16xf32>,
        %add3A_525 = arith.constant 640 : i32
        %add3A_526 = arith.addi %multiple_of3A, %add3A_525 : i32
        %add3A_527 = arith.constant 48 : i32
        %add3A_528 = arith.addi %add3A_526, %add3A_527 : i32
        %swap3A_529 = arith.index_cast %add3A_528 : i32 to index
        %swap3A_530 = tpu.vector_load %arg8[%swap3A_529] {strides = array<i32>} : memref<32768xf32, #tpu.memory_space<vmem>>, vector<16xf32>,
        tpu.vector_store %arg8[%swap3A_529], %gather3A_524 {strides = array<i32>} : memref<32768xf32, #tpu.memory_space<vmem>>, vector<16xf32>,
        %broadcast_in_dim3A_531 = vector.shape_cast %broadcast_in_dim3A_39 : vector<16xi32> to vector<16x1xi32>
        %gather3A_532 = vector.shape_cast %broadcast_in_dim3A_531 : vector<16x1xi32> to vector<16xi32>
        %gather3A_533 = tpu.dynamic_gather %gather3A[%gather3A_532] in [0] : vector<16xi32>, vector<16xi32> -> vector<16xi32>
        %gather3A_534 = tpu.vector_load_idx %arg5[%gather3A_533, %add3A_7] : memref<7x64xf32, #tpu.memory_space<vmem>>[vector<16xi32>, vector<16xi32>], vector<16xf32>,
        %add3A_535 = arith.constant 704 : i32
        %add3A_536 = arith.addi %multiple_of3A, %add3A_535 : i32
        %add3A_537 = arith.constant 0 : i32
        %add3A_538 = arith.addi %add3A_536, %add3A_537 : i32
        %swap3A_539 = arith.index_cast %add3A_538 : i32 to index
        %swap3A_540 = tpu.vector_load %arg8[%swap3A_539] {strides = array<i32>} : memref<32768xf32, #tpu.memory_space<vmem>>, vector<16xf32>,
        tpu.vector_store %arg8[%swap3A_539], %gather3A_534 {strides = array<i32>} : memref<32768xf32, #tpu.memory_space<vmem>>, vector<16xf32>,
        %gather3A_541 = tpu.vector_load_idx %arg5[%gather3A_533, %add3A_10] : memref<7x64xf32, #tpu.memory_space<vmem>>[vector<16xi32>, vector<16xi32>], vector<16xf32>,
        %add3A_542 = arith.constant 704 : i32
        %add3A_543 = arith.addi %multiple_of3A, %add3A_542 : i32
        %add3A_544 = arith.constant 16 : i32
        %add3A_545 = arith.addi %add3A_543, %add3A_544 : i32
        %swap3A_546 = arith.index_cast %add3A_545 : i32 to index
        %swap3A_547 = tpu.vector_load %arg8[%swap3A_546] {strides = array<i32>} : memref<32768xf32, #tpu.memory_space<vmem>>, vector<16xf32>,
        tpu.vector_store %arg8[%swap3A_546], %gather3A_541 {strides = array<i32>} : memref<32768xf32, #tpu.memory_space<vmem>>, vector<16xf32>,
        %gather3A_548 = tpu.vector_load_idx %arg5[%gather3A_533, %add3A_13] : memref<7x64xf32, #tpu.memory_space<vmem>>[vector<16xi32>, vector<16xi32>], vector<16xf32>,
        %add3A_549 = arith.constant 704 : i32
        %add3A_550 = arith.addi %multiple_of3A, %add3A_549 : i32
        %add3A_551 = arith.constant 32 : i32
        %add3A_552 = arith.addi %add3A_550, %add3A_551 : i32
        %swap3A_553 = arith.index_cast %add3A_552 : i32 to index
        %swap3A_554 = tpu.vector_load %arg8[%swap3A_553] {strides = array<i32>} : memref<32768xf32, #tpu.memory_space<vmem>>, vector<16xf32>,
        tpu.vector_store %arg8[%swap3A_553], %gather3A_548 {strides = array<i32>} : memref<32768xf32, #tpu.memory_space<vmem>>, vector<16xf32>,
        %gather3A_555 = tpu.vector_load_idx %arg5[%gather3A_533, %add3A_16] : memref<7x64xf32, #tpu.memory_space<vmem>>[vector<16xi32>, vector<16xi32>], vector<16xf32>,
        %add3A_556 = arith.constant 704 : i32
        %add3A_557 = arith.addi %multiple_of3A, %add3A_556 : i32
        %add3A_558 = arith.constant 48 : i32
        %add3A_559 = arith.addi %add3A_557, %add3A_558 : i32
        %swap3A_560 = arith.index_cast %add3A_559 : i32 to index
        %swap3A_561 = tpu.vector_load %arg8[%swap3A_560] {strides = array<i32>} : memref<32768xf32, #tpu.memory_space<vmem>>, vector<16xf32>,
        tpu.vector_store %arg8[%swap3A_560], %gather3A_555 {strides = array<i32>} : memref<32768xf32, #tpu.memory_space<vmem>>, vector<16xf32>,
        %broadcast_in_dim3A_562 = vector.shape_cast %broadcast_in_dim3A_41 : vector<16xi32> to vector<16x1xi32>
        %gather3A_563 = vector.shape_cast %broadcast_in_dim3A_562 : vector<16x1xi32> to vector<16xi32>
        %gather3A_564 = tpu.dynamic_gather %gather3A[%gather3A_563] in [0] : vector<16xi32>, vector<16xi32> -> vector<16xi32>
        %gather3A_565 = tpu.vector_load_idx %arg5[%gather3A_564, %add3A_7] : memref<7x64xf32, #tpu.memory_space<vmem>>[vector<16xi32>, vector<16xi32>], vector<16xf32>,
        %add3A_566 = arith.constant 768 : i32
        %add3A_567 = arith.addi %multiple_of3A, %add3A_566 : i32
        %add3A_568 = arith.constant 0 : i32
        %add3A_569 = arith.addi %add3A_567, %add3A_568 : i32
        %swap3A_570 = arith.index_cast %add3A_569 : i32 to index
        %swap3A_571 = tpu.vector_load %arg8[%swap3A_570] {strides = array<i32>} : memref<32768xf32, #tpu.memory_space<vmem>>, vector<16xf32>,
        tpu.vector_store %arg8[%swap3A_570], %gather3A_565 {strides = array<i32>} : memref<32768xf32, #tpu.memory_space<vmem>>, vector<16xf32>,
        %gather3A_572 = tpu.vector_load_idx %arg5[%gather3A_564, %add3A_10] : memref<7x64xf32, #tpu.memory_space<vmem>>[vector<16xi32>, vector<16xi32>], vector<16xf32>,
        %add3A_573 = arith.constant 768 : i32
        %add3A_574 = arith.addi %multiple_of3A, %add3A_573 : i32
        %add3A_575 = arith.constant 16 : i32
        %add3A_576 = arith.addi %add3A_574, %add3A_575 : i32
        %swap3A_577 = arith.index_cast %add3A_576 : i32 to index
        %swap3A_578 = tpu.vector_load %arg8[%swap3A_577] {strides = array<i32>} : memref<32768xf32, #tpu.memory_space<vmem>>, vector<16xf32>,
        tpu.vector_store %arg8[%swap3A_577], %gather3A_572 {strides = array<i32>} : memref<32768xf32, #tpu.memory_space<vmem>>, vector<16xf32>,
        %gather3A_579 = tpu.vector_load_idx %arg5[%gather3A_564, %add3A_13] : memref<7x64xf32, #tpu.memory_space<vmem>>[vector<16xi32>, vector<16xi32>], vector<16xf32>,
        %add3A_580 = arith.constant 768 : i32
        %add3A_581 = arith.addi %multiple_of3A, %add3A_580 : i32
        %add3A_582 = arith.constant 32 : i32
        %add3A_583 = arith.addi %add3A_581, %add3A_582 : i32
        %swap3A_584 = arith.index_cast %add3A_583 : i32 to index
        %swap3A_585 = tpu.vector_load %arg8[%swap3A_584] {strides = array<i32>} : memref<32768xf32, #tpu.memory_space<vmem>>, vector<16xf32>,
        tpu.vector_store %arg8[%swap3A_584], %gather3A_579 {strides = array<i32>} : memref<32768xf32, #tpu.memory_space<vmem>>, vector<16xf32>,
        %gather3A_586 = tpu.vector_load_idx %arg5[%gather3A_564, %add3A_16] : memref<7x64xf32, #tpu.memory_space<vmem>>[vector<16xi32>, vector<16xi32>], vector<16xf32>,
        %add3A_587 = arith.constant 768 : i32
        %add3A_588 = arith.addi %multiple_of3A, %add3A_587 : i32
        %add3A_589 = arith.constant 48 : i32
        %add3A_590 = arith.addi %add3A_588, %add3A_589 : i32
        %swap3A_591 = arith.index_cast %add3A_590 : i32 to index
        %swap3A_592 = tpu.vector_load %arg8[%swap3A_591] {strides = array<i32>} : memref<32768xf32, #tpu.memory_space<vmem>>, vector<16xf32>,
        tpu.vector_store %arg8[%swap3A_591], %gather3A_586 {strides = array<i32>} : memref<32768xf32, #tpu.memory_space<vmem>>, vector<16xf32>,
        %broadcast_in_dim3A_593 = vector.shape_cast %broadcast_in_dim3A_43 : vector<16xi32> to vector<16x1xi32>
        %gather3A_594 = vector.shape_cast %broadcast_in_dim3A_593 : vector<16x1xi32> to vector<16xi32>
        %gather3A_595 = tpu.dynamic_gather %gather3A[%gather3A_594] in [0] : vector<16xi32>, vector<16xi32> -> vector<16xi32>
        %gather3A_596 = tpu.vector_load_idx %arg5[%gather3A_595, %add3A_7] : memref<7x64xf32, #tpu.memory_space<vmem>>[vector<16xi32>, vector<16xi32>], vector<16xf32>,
        %add3A_597 = arith.constant 832 : i32
        %add3A_598 = arith.addi %multiple_of3A, %add3A_597 : i32
        %add3A_599 = arith.constant 0 : i32
        %add3A_600 = arith.addi %add3A_598, %add3A_599 : i32
        %swap3A_601 = arith.index_cast %add3A_600 : i32 to index
        %swap3A_602 = tpu.vector_load %arg8[%swap3A_601] {strides = array<i32>} : memref<32768xf32, #tpu.memory_space<vmem>>, vector<16xf32>,
        tpu.vector_store %arg8[%swap3A_601], %gather3A_596 {strides = array<i32>} : memref<32768xf32, #tpu.memory_space<vmem>>, vector<16xf32>,
        %gather3A_603 = tpu.vector_load_idx %arg5[%gather3A_595, %add3A_10] : memref<7x64xf32, #tpu.memory_space<vmem>>[vector<16xi32>, vector<16xi32>], vector<16xf32>,
        %add3A_604 = arith.constant 832 : i32
        %add3A_605 = arith.addi %multiple_of3A, %add3A_604 : i32
        %add3A_606 = arith.constant 16 : i32
        %add3A_607 = arith.addi %add3A_605, %add3A_606 : i32
        %swap3A_608 = arith.index_cast %add3A_607 : i32 to index
        %swap3A_609 = tpu.vector_load %arg8[%swap3A_608] {strides = array<i32>} : memref<32768xf32, #tpu.memory_space<vmem>>, vector<16xf32>,
        tpu.vector_store %arg8[%swap3A_608], %gather3A_603 {strides = array<i32>} : memref<32768xf32, #tpu.memory_space<vmem>>, vector<16xf32>,
        %gather3A_610 = tpu.vector_load_idx %arg5[%gather3A_595, %add3A_13] : memref<7x64xf32, #tpu.memory_space<vmem>>[vector<16xi32>, vector<16xi32>], vector<16xf32>,
        %add3A_611 = arith.constant 832 : i32
        %add3A_612 = arith.addi %multiple_of3A, %add3A_611 : i32
        %add3A_613 = arith.constant 32 : i32
        %add3A_614 = arith.addi %add3A_612, %add3A_613 : i32
        %swap3A_615 = arith.index_cast %add3A_614 : i32 to index
        %swap3A_616 = tpu.vector_load %arg8[%swap3A_615] {strides = array<i32>} : memref<32768xf32, #tpu.memory_space<vmem>>, vector<16xf32>,
        tpu.vector_store %arg8[%swap3A_615], %gather3A_610 {strides = array<i32>} : memref<32768xf32, #tpu.memory_space<vmem>>, vector<16xf32>,
        %gather3A_617 = tpu.vector_load_idx %arg5[%gather3A_595, %add3A_16] : memref<7x64xf32, #tpu.memory_space<vmem>>[vector<16xi32>, vector<16xi32>], vector<16xf32>,
        %add3A_618 = arith.constant 832 : i32
        %add3A_619 = arith.addi %multiple_of3A, %add3A_618 : i32
        %add3A_620 = arith.constant 48 : i32
        %add3A_621 = arith.addi %add3A_619, %add3A_620 : i32
        %swap3A_622 = arith.index_cast %add3A_621 : i32 to index
        %swap3A_623 = tpu.vector_load %arg8[%swap3A_622] {strides = array<i32>} : memref<32768xf32, #tpu.memory_space<vmem>>, vector<16xf32>,
        tpu.vector_store %arg8[%swap3A_622], %gather3A_617 {strides = array<i32>} : memref<32768xf32, #tpu.memory_space<vmem>>, vector<16xf32>,
        %broadcast_in_dim3A_624 = vector.shape_cast %broadcast_in_dim3A_45 : vector<16xi32> to vector<16x1xi32>
        %gather3A_625 = vector.shape_cast %broadcast_in_dim3A_624 : vector<16x1xi32> to vector<16xi32>
        %gather3A_626 = tpu.dynamic_gather %gather3A[%gather3A_625] in [0] : vector<16xi32>, vector<16xi32> -> vector<16xi32>
        %gather3A_627 = tpu.vector_load_idx %arg5[%gather3A_626, %add3A_7] : memref<7x64xf32, #tpu.memory_space<vmem>>[vector<16xi32>, vector<16xi32>], vector<16xf32>,
        %add3A_628 = arith.constant 896 : i32
        %add3A_629 = arith.addi %multiple_of3A, %add3A_628 : i32
        %add3A_630 = arith.constant 0 : i32
        %add3A_631 = arith.addi %add3A_629, %add3A_630 : i32
        %swap3A_632 = arith.index_cast %add3A_631 : i32 to index
        %swap3A_633 = tpu.vector_load %arg8[%swap3A_632] {strides = array<i32>} : memref<32768xf32, #tpu.memory_space<vmem>>, vector<16xf32>,
        tpu.vector_store %arg8[%swap3A_632], %gather3A_627 {strides = array<i32>} : memref<32768xf32, #tpu.memory_space<vmem>>, vector<16xf32>,
        %gather3A_634 = tpu.vector_load_idx %arg5[%gather3A_626, %add3A_10] : memref<7x64xf32, #tpu.memory_space<vmem>>[vector<16xi32>, vector<16xi32>], vector<16xf32>,
        %add3A_635 = arith.constant 896 : i32
        %add3A_636 = arith.addi %multiple_of3A, %add3A_635 : i32
        %add3A_637 = arith.constant 16 : i32
        %add3A_638 = arith.addi %add3A_636, %add3A_637 : i32
        %swap3A_639 = arith.index_cast %add3A_638 : i32 to index
        %swap3A_640 = tpu.vector_load %arg8[%swap3A_639] {strides = array<i32>} : memref<32768xf32, #tpu.memory_space<vmem>>, vector<16xf32>,
        tpu.vector_store %arg8[%swap3A_639], %gather3A_634 {strides = array<i32>} : memref<32768xf32, #tpu.memory_space<vmem>>, vector<16xf32>,
        %gather3A_641 = tpu.vector_load_idx %arg5[%gather3A_626, %add3A_13] : memref<7x64xf32, #tpu.memory_space<vmem>>[vector<16xi32>, vector<16xi32>], vector<16xf32>,
        %add3A_642 = arith.constant 896 : i32
        %add3A_643 = arith.addi %multiple_of3A, %add3A_642 : i32
        %add3A_644 = arith.constant 32 : i32
        %add3A_645 = arith.addi %add3A_643, %add3A_644 : i32
        %swap3A_646 = arith.index_cast %add3A_645 : i32 to index
        %swap3A_647 = tpu.vector_load %arg8[%swap3A_646] {strides = array<i32>} : memref<32768xf32, #tpu.memory_space<vmem>>, vector<16xf32>,
        tpu.vector_store %arg8[%swap3A_646], %gather3A_641 {strides = array<i32>} : memref<32768xf32, #tpu.memory_space<vmem>>, vector<16xf32>,
        %gather3A_648 = tpu.vector_load_idx %arg5[%gather3A_626, %add3A_16] : memref<7x64xf32, #tpu.memory_space<vmem>>[vector<16xi32>, vector<16xi32>], vector<16xf32>,
        %add3A_649 = arith.constant 896 : i32
        %add3A_650 = arith.addi %multiple_of3A, %add3A_649 : i32
        %add3A_651 = arith.constant 48 : i32
        %add3A_652 = arith.addi %add3A_650, %add3A_651 : i32
        %swap3A_653 = arith.index_cast %add3A_652 : i32 to index
        %swap3A_654 = tpu.vector_load %arg8[%swap3A_653] {strides = array<i32>} : memref<32768xf32, #tpu.memory_space<vmem>>, vector<16xf32>,
        tpu.vector_store %arg8[%swap3A_653], %gather3A_648 {strides = array<i32>} : memref<32768xf32, #tpu.memory_space<vmem>>, vector<16xf32>,
        %broadcast_in_dim3A_655 = vector.shape_cast %broadcast_in_dim3A_47 : vector<16xi32> to vector<16x1xi32>
        %gather3A_656 = vector.shape_cast %broadcast_in_dim3A_655 : vector<16x1xi32> to vector<16xi32>
        %gather3A_657 = tpu.dynamic_gather %gather3A[%gather3A_656] in [0] : vector<16xi32>, vector<16xi32> -> vector<16xi32>
        %gather3A_658 = tpu.vector_load_idx %arg5[%gather3A_657, %add3A_7] : memref<7x64xf32, #tpu.memory_space<vmem>>[vector<16xi32>, vector<16xi32>], vector<16xf32>,
        %add3A_659 = arith.constant 960 : i32
        %add3A_660 = arith.addi %multiple_of3A, %add3A_659 : i32
        %add3A_661 = arith.constant 0 : i32
        %add3A_662 = arith.addi %add3A_660, %add3A_661 : i32
        %swap3A_663 = arith.index_cast %add3A_662 : i32 to index
        %swap3A_664 = tpu.vector_load %arg8[%swap3A_663] {strides = array<i32>} : memref<32768xf32, #tpu.memory_space<vmem>>, vector<16xf32>,
        tpu.vector_store %arg8[%swap3A_663], %gather3A_658 {strides = array<i32>} : memref<32768xf32, #tpu.memory_space<vmem>>, vector<16xf32>,
        %gather3A_665 = tpu.vector_load_idx %arg5[%gather3A_657, %add3A_10] : memref<7x64xf32, #tpu.memory_space<vmem>>[vector<16xi32>, vector<16xi32>], vector<16xf32>,
        %add3A_666 = arith.constant 960 : i32
        %add3A_667 = arith.addi %multiple_of3A, %add3A_666 : i32
        %add3A_668 = arith.constant 16 : i32
        %add3A_669 = arith.addi %add3A_667, %add3A_668 : i32
        %swap3A_670 = arith.index_cast %add3A_669 : i32 to index
        %swap3A_671 = tpu.vector_load %arg8[%swap3A_670] {strides = array<i32>} : memref<32768xf32, #tpu.memory_space<vmem>>, vector<16xf32>,
        tpu.vector_store %arg8[%swap3A_670], %gather3A_665 {strides = array<i32>} : memref<32768xf32, #tpu.memory_space<vmem>>, vector<16xf32>,
        %gather3A_672 = tpu.vector_load_idx %arg5[%gather3A_657, %add3A_13] : memref<7x64xf32, #tpu.memory_space<vmem>>[vector<16xi32>, vector<16xi32>], vector<16xf32>,
        %add3A_673 = arith.constant 960 : i32
        %add3A_674 = arith.addi %multiple_of3A, %add3A_673 : i32
        %add3A_675 = arith.constant 32 : i32
        %add3A_676 = arith.addi %add3A_674, %add3A_675 : i32
        %swap3A_677 = arith.index_cast %add3A_676 : i32 to index
        %swap3A_678 = tpu.vector_load %arg8[%swap3A_677] {strides = array<i32>} : memref<32768xf32, #tpu.memory_space<vmem>>, vector<16xf32>,
        tpu.vector_store %arg8[%swap3A_677], %gather3A_672 {strides = array<i32>} : memref<32768xf32, #tpu.memory_space<vmem>>, vector<16xf32>,
        %gather3A_679 = tpu.vector_load_idx %arg5[%gather3A_657, %add3A_16] : memref<7x64xf32, #tpu.memory_space<vmem>>[vector<16xi32>, vector<16xi32>], vector<16xf32>,
        %add3A_680 = arith.constant 960 : i32
        %add3A_681 = arith.addi %multiple_of3A, %add3A_680 : i32
        %add3A_682 = arith.constant 48 : i32
        %add3A_683 = arith.addi %add3A_681, %add3A_682 : i32
        %swap3A_684 = arith.index_cast %add3A_683 : i32 to index
        %swap3A_685 = tpu.vector_load %arg8[%swap3A_684] {strides = array<i32>} : memref<32768xf32, #tpu.memory_space<vmem>>, vector<16xf32>,
        tpu.vector_store %arg8[%swap3A_684], %gather3A_679 {strides = array<i32>} : memref<32768xf32, #tpu.memory_space<vmem>>, vector<16xf32>,
        %add3A_686 = arith.constant 16 : i32
        %add3A_687 = vector.broadcast %add3A_686 : i32 to vector<16xi32>
        %add3A_688 = arith.addi %scan3A_184, %add3A_687 : vector<16xi32>
        scf.yield %add3A_688 : vector<16xi32>
      }
      %scan3A_158 = arith.constant 32 : i32
      %mul3A_159 = arith.constant 64 : i32
      %mul3A_160 = arith.muli %add3A_152, %mul3A_159 : i32
      %dma_start3A_161 = tpu.memref_slice %arg4[%mul3A_160] : memref<209715200xf32, #tpu.memory_space<hbm>> -> memref<32768xf32, #tpu.memory_space<hbm>>
      %dma_start3A_162 = tpu.memref_slice %arg4[%mul3A_160] : memref<209715200xf32, #tpu.memory_space<hbm>> -> memref<32768xf32, #tpu.memory_space<hbm>>
      tpu.enqueue_dma source(%arg8 : memref<32768xf32, #tpu.memory_space<vmem>>) target(%dma_start3A_162 : memref<32768xf32, #tpu.memory_space<hbm>>) target_semaphore(%arg10 : memref<!tpu.dma_semaphore, #tpu.memory_space<semaphore_mem>>)
      %ge3A_163 = arith.constant 1 : i32
      %ge3A_164 = arith.cmpi sge, %add3A_125, %ge3A_163 : i32
      %convert_element_type3A_165 = arith.extui %ge3A_164 : i1 to i32
      %cond3A_166 = arith.constant 0 : i32
      %cond3A_167 = arith.cmpi ne, %convert_element_type3A_165, %cond3A_166 : i32
      scf.if %cond3A_167 {
        %mul3A_183 = arith.constant 64 : i32
        %mul3A_184 = arith.muli %add3A_128, %mul3A_183 : i32
        %dma_wait3A_185 = tpu.memref_slice %arg4[%mul3A_184] : memref<209715200xf32, #tpu.memory_space<hbm>> -> memref<32768xf32, #tpu.memory_space<hbm>>
        %dma_wait3A_186 = tpu.memref_slice %arg4[%mul3A_184] : memref<209715200xf32, #tpu.memory_space<hbm>> -> memref<32768xf32, #tpu.memory_space<hbm>>
        tpu.wait_dma2 semaphore(%arg11 : memref<!tpu.dma_semaphore, #tpu.memory_space<semaphore_mem>>) src(%arg9 : memref<32768xf32, #tpu.memory_space<vmem>>) dst(%dma_wait3A_186 : memref<32768xf32, #tpu.memory_space<hbm>>)
      } else {
      }
      %add3A_168 = arith.constant 512 : i32
      %add3A_169 = vector.broadcast %add3A_168 : i32 to vector<16xi32>
      %add3A_170 = arith.addi %iota3A, %add3A_169 : vector<16xi32>
      %add3A_171 = arith.constant 512 : i32
      %add3A_172 = arith.addi %add3A_128, %add3A_171 : i32
      %scan3A_173 = arith.constant 0 : i32
      %scan3A_174 = arith.constant 32 : i32
      %scan3A_175 = arith.addi %scan3A_173, %scan3A_174 : i32
      %scan3A_176 = arith.constant 1 : i32
      %scan3A_177 = scf.for %scan3A_183 = %scan3A_173 to %scan3A_175 step %scan3A_176 iter_args(%scan3A_184 = %add3A_170) -> (vector<16xi32>)  : i32 {
        %mul3A_185 = arith.constant 1024 : i32
        %mul3A_186 = arith.muli %scan3A_183, %mul3A_185 : i32
        %multiple_of3A = tpu.assume_multiple %mul3A_186, 8 : i32
        %shift_right_arithmetic3A = arith.constant 7 : i32
        %shift_right_arithmetic3A_187 = vector.broadcast %shift_right_arithmetic3A : i32 to vector<16xi32>
        %shift_right_arithmetic3A_188 = arith.shrsi %scan3A_184, %shift_right_arithmetic3A_187 : vector<16xi32>
        %and3A = arith.constant 127 : i32
        %and3A_189 = vector.broadcast %and3A : i32 to vector<16xi32>
        %and3A_190 = arith.andi %scan3A_184, %and3A_189 : vector<16xi32>
        %gather3A = tpu.vector_load_idx %arg7[%shift_right_arithmetic3A_188, %and3A_190] : memref<8x128xi32, #tpu.memory_space<vmem>>[vector<16xi32>, vector<16xi32>], vector<16xi32>,
        %broadcast_in_dim3A_191 = vector.shape_cast %broadcast_in_dim3A_17 : vector<16xi32> to vector<16x1xi32>
        %gather3A_192 = vector.shape_cast %broadcast_in_dim3A_191 : vector<16x1xi32> to vector<16xi32>
        %gather3A_193 = tpu.dynamic_gather %gather3A[%gather3A_192] in [0] : vector<16xi32>, vector<16xi32> -> vector<16xi32>
        %gather3A_194 = tpu.vector_load_idx %arg5[%gather3A_193, %add3A_7] : memref<7x64xf32, #tpu.memory_space<vmem>>[vector<16xi32>, vector<16xi32>], vector<16xf32>,
        %add3A_195 = arith.constant 0 : i32
        %add3A_196 = arith.addi %multiple_of3A, %add3A_195 : i32
        %add3A_197 = arith.constant 0 : i32
        %add3A_198 = arith.addi %add3A_196, %add3A_197 : i32
        %swap3A = arith.index_cast %add3A_198 : i32 to index
        %swap3A_199 = tpu.vector_load %arg9[%swap3A] {strides = array<i32>} : memref<32768xf32, #tpu.memory_space<vmem>>, vector<16xf32>,
        tpu.vector_store %arg9[%swap3A], %gather3A_194 {strides = array<i32>} : memref<32768xf32, #tpu.memory_space<vmem>>, vector<16xf32>,
        %gather3A_200 = tpu.vector_load_idx %arg5[%gather3A_193, %add3A_10] : memref<7x64xf32, #tpu.memory_space<vmem>>[vector<16xi32>, vector<16xi32>], vector<16xf32>,
        %add3A_201 = arith.constant 0 : i32
        %add3A_202 = arith.addi %multiple_of3A, %add3A_201 : i32
        %add3A_203 = arith.constant 16 : i32
        %add3A_204 = arith.addi %add3A_202, %add3A_203 : i32
        %swap3A_205 = arith.index_cast %add3A_204 : i32 to index
        %swap3A_206 = tpu.vector_load %arg9[%swap3A_205] {strides = array<i32>} : memref<32768xf32, #tpu.memory_space<vmem>>, vector<16xf32>,
        tpu.vector_store %arg9[%swap3A_205], %gather3A_200 {strides = array<i32>} : memref<32768xf32, #tpu.memory_space<vmem>>, vector<16xf32>,
        %gather3A_207 = tpu.vector_load_idx %arg5[%gather3A_193, %add3A_13] : memref<7x64xf32, #tpu.memory_space<vmem>>[vector<16xi32>, vector<16xi32>], vector<16xf32>,
        %add3A_208 = arith.constant 0 : i32
        %add3A_209 = arith.addi %multiple_of3A, %add3A_208 : i32
        %add3A_210 = arith.constant 32 : i32
        %add3A_211 = arith.addi %add3A_209, %add3A_210 : i32
        %swap3A_212 = arith.index_cast %add3A_211 : i32 to index
        %swap3A_213 = tpu.vector_load %arg9[%swap3A_212] {strides = array<i32>} : memref<32768xf32, #tpu.memory_space<vmem>>, vector<16xf32>,
        tpu.vector_store %arg9[%swap3A_212], %gather3A_207 {strides = array<i32>} : memref<32768xf32, #tpu.memory_space<vmem>>, vector<16xf32>,
        %gather3A_214 = tpu.vector_load_idx %arg5[%gather3A_193, %add3A_16] : memref<7x64xf32, #tpu.memory_space<vmem>>[vector<16xi32>, vector<16xi32>], vector<16xf32>,
        %add3A_215 = arith.constant 0 : i32
        %add3A_216 = arith.addi %multiple_of3A, %add3A_215 : i32
        %add3A_217 = arith.constant 48 : i32
        %add3A_218 = arith.addi %add3A_216, %add3A_217 : i32
        %swap3A_219 = arith.index_cast %add3A_218 : i32 to index
        %swap3A_220 = tpu.vector_load %arg9[%swap3A_219] {strides = array<i32>} : memref<32768xf32, #tpu.memory_space<vmem>>, vector<16xf32>,
        tpu.vector_store %arg9[%swap3A_219], %gather3A_214 {strides = array<i32>} : memref<32768xf32, #tpu.memory_space<vmem>>, vector<16xf32>,
        %broadcast_in_dim3A_221 = vector.shape_cast %broadcast_in_dim3A_19 : vector<16xi32> to vector<16x1xi32>
        %gather3A_222 = vector.shape_cast %broadcast_in_dim3A_221 : vector<16x1xi32> to vector<16xi32>
        %gather3A_223 = tpu.dynamic_gather %gather3A[%gather3A_222] in [0] : vector<16xi32>, vector<16xi32> -> vector<16xi32>
        %gather3A_224 = tpu.vector_load_idx %arg5[%gather3A_223, %add3A_7] : memref<7x64xf32, #tpu.memory_space<vmem>>[vector<16xi32>, vector<16xi32>], vector<16xf32>,
        %add3A_225 = arith.constant 64 : i32
        %add3A_226 = arith.addi %multiple_of3A, %add3A_225 : i32
        %add3A_227 = arith.constant 0 : i32
        %add3A_228 = arith.addi %add3A_226, %add3A_227 : i32
        %swap3A_229 = arith.index_cast %add3A_228 : i32 to index
        %swap3A_230 = tpu.vector_load %arg9[%swap3A_229] {strides = array<i32>} : memref<32768xf32, #tpu.memory_space<vmem>>, vector<16xf32>,
        tpu.vector_store %arg9[%swap3A_229], %gather3A_224 {strides = array<i32>} : memref<32768xf32, #tpu.memory_space<vmem>>, vector<16xf32>,
        %gather3A_231 = tpu.vector_load_idx %arg5[%gather3A_223, %add3A_10] : memref<7x64xf32, #tpu.memory_space<vmem>>[vector<16xi32>, vector<16xi32>], vector<16xf32>,
        %add3A_232 = arith.constant 64 : i32
        %add3A_233 = arith.addi %multiple_of3A, %add3A_232 : i32
        %add3A_234 = arith.constant 16 : i32
        %add3A_235 = arith.addi %add3A_233, %add3A_234 : i32
        %swap3A_236 = arith.index_cast %add3A_235 : i32 to index
        %swap3A_237 = tpu.vector_load %arg9[%swap3A_236] {strides = array<i32>} : memref<32768xf32, #tpu.memory_space<vmem>>, vector<16xf32>,
        tpu.vector_store %arg9[%swap3A_236], %gather3A_231 {strides = array<i32>} : memref<32768xf32, #tpu.memory_space<vmem>>, vector<16xf32>,
        %gather3A_238 = tpu.vector_load_idx %arg5[%gather3A_223, %add3A_13] : memref<7x64xf32, #tpu.memory_space<vmem>>[vector<16xi32>, vector<16xi32>], vector<16xf32>,
        %add3A_239 = arith.constant 64 : i32
        %add3A_240 = arith.addi %multiple_of3A, %add3A_239 : i32
        %add3A_241 = arith.constant 32 : i32
        %add3A_242 = arith.addi %add3A_240, %add3A_241 : i32
        %swap3A_243 = arith.index_cast %add3A_242 : i32 to index
        %swap3A_244 = tpu.vector_load %arg9[%swap3A_243] {strides = array<i32>} : memref<32768xf32, #tpu.memory_space<vmem>>, vector<16xf32>,
        tpu.vector_store %arg9[%swap3A_243], %gather3A_238 {strides = array<i32>} : memref<32768xf32, #tpu.memory_space<vmem>>, vector<16xf32>,
        %gather3A_245 = tpu.vector_load_idx %arg5[%gather3A_223, %add3A_16] : memref<7x64xf32, #tpu.memory_space<vmem>>[vector<16xi32>, vector<16xi32>], vector<16xf32>,
        %add3A_246 = arith.constant 64 : i32
        %add3A_247 = arith.addi %multiple_of3A, %add3A_246 : i32
        %add3A_248 = arith.constant 48 : i32
        %add3A_249 = arith.addi %add3A_247, %add3A_248 : i32
        %swap3A_250 = arith.index_cast %add3A_249 : i32 to index
        %swap3A_251 = tpu.vector_load %arg9[%swap3A_250] {strides = array<i32>} : memref<32768xf32, #tpu.memory_space<vmem>>, vector<16xf32>,
        tpu.vector_store %arg9[%swap3A_250], %gather3A_245 {strides = array<i32>} : memref<32768xf32, #tpu.memory_space<vmem>>, vector<16xf32>,
        %broadcast_in_dim3A_252 = vector.shape_cast %broadcast_in_dim3A_21 : vector<16xi32> to vector<16x1xi32>
        %gather3A_253 = vector.shape_cast %broadcast_in_dim3A_252 : vector<16x1xi32> to vector<16xi32>
        %gather3A_254 = tpu.dynamic_gather %gather3A[%gather3A_253] in [0] : vector<16xi32>, vector<16xi32> -> vector<16xi32>
        %gather3A_255 = tpu.vector_load_idx %arg5[%gather3A_254, %add3A_7] : memref<7x64xf32, #tpu.memory_space<vmem>>[vector<16xi32>, vector<16xi32>], vector<16xf32>,
        %add3A_256 = arith.constant 128 : i32
        %add3A_257 = arith.addi %multiple_of3A, %add3A_256 : i32
        %add3A_258 = arith.constant 0 : i32
        %add3A_259 = arith.addi %add3A_257, %add3A_258 : i32
        %swap3A_260 = arith.index_cast %add3A_259 : i32 to index
        %swap3A_261 = tpu.vector_load %arg9[%swap3A_260] {strides = array<i32>} : memref<32768xf32, #tpu.memory_space<vmem>>, vector<16xf32>,
        tpu.vector_store %arg9[%swap3A_260], %gather3A_255 {strides = array<i32>} : memref<32768xf32, #tpu.memory_space<vmem>>, vector<16xf32>,
        %gather3A_262 = tpu.vector_load_idx %arg5[%gather3A_254, %add3A_10] : memref<7x64xf32, #tpu.memory_space<vmem>>[vector<16xi32>, vector<16xi32>], vector<16xf32>,
        %add3A_263 = arith.constant 128 : i32
        %add3A_264 = arith.addi %multiple_of3A, %add3A_263 : i32
        %add3A_265 = arith.constant 16 : i32
        %add3A_266 = arith.addi %add3A_264, %add3A_265 : i32
        %swap3A_267 = arith.index_cast %add3A_266 : i32 to index
        %swap3A_268 = tpu.vector_load %arg9[%swap3A_267] {strides = array<i32>} : memref<32768xf32, #tpu.memory_space<vmem>>, vector<16xf32>,
        tpu.vector_store %arg9[%swap3A_267], %gather3A_262 {strides = array<i32>} : memref<32768xf32, #tpu.memory_space<vmem>>, vector<16xf32>,
        %gather3A_269 = tpu.vector_load_idx %arg5[%gather3A_254, %add3A_13] : memref<7x64xf32, #tpu.memory_space<vmem>>[vector<16xi32>, vector<16xi32>], vector<16xf32>,
        %add3A_270 = arith.constant 128 : i32
        %add3A_271 = arith.addi %multiple_of3A, %add3A_270 : i32
        %add3A_272 = arith.constant 32 : i32
        %add3A_273 = arith.addi %add3A_271, %add3A_272 : i32
        %swap3A_274 = arith.index_cast %add3A_273 : i32 to index
        %swap3A_275 = tpu.vector_load %arg9[%swap3A_274] {strides = array<i32>} : memref<32768xf32, #tpu.memory_space<vmem>>, vector<16xf32>,
        tpu.vector_store %arg9[%swap3A_274], %gather3A_269 {strides = array<i32>} : memref<32768xf32, #tpu.memory_space<vmem>>, vector<16xf32>,
        %gather3A_276 = tpu.vector_load_idx %arg5[%gather3A_254, %add3A_16] : memref<7x64xf32, #tpu.memory_space<vmem>>[vector<16xi32>, vector<16xi32>], vector<16xf32>,
        %add3A_277 = arith.constant 128 : i32
        %add3A_278 = arith.addi %multiple_of3A, %add3A_277 : i32
        %add3A_279 = arith.constant 48 : i32
        %add3A_280 = arith.addi %add3A_278, %add3A_279 : i32
        %swap3A_281 = arith.index_cast %add3A_280 : i32 to index
        %swap3A_282 = tpu.vector_load %arg9[%swap3A_281] {strides = array<i32>} : memref<32768xf32, #tpu.memory_space<vmem>>, vector<16xf32>,
        tpu.vector_store %arg9[%swap3A_281], %gather3A_276 {strides = array<i32>} : memref<32768xf32, #tpu.memory_space<vmem>>, vector<16xf32>,
        %broadcast_in_dim3A_283 = vector.shape_cast %broadcast_in_dim3A_23 : vector<16xi32> to vector<16x1xi32>
        %gather3A_284 = vector.shape_cast %broadcast_in_dim3A_283 : vector<16x1xi32> to vector<16xi32>
        %gather3A_285 = tpu.dynamic_gather %gather3A[%gather3A_284] in [0] : vector<16xi32>, vector<16xi32> -> vector<16xi32>
        %gather3A_286 = tpu.vector_load_idx %arg5[%gather3A_285, %add3A_7] : memref<7x64xf32, #tpu.memory_space<vmem>>[vector<16xi32>, vector<16xi32>], vector<16xf32>,
        %add3A_287 = arith.constant 192 : i32
        %add3A_288 = arith.addi %multiple_of3A, %add3A_287 : i32
        %add3A_289 = arith.constant 0 : i32
        %add3A_290 = arith.addi %add3A_288, %add3A_289 : i32
        %swap3A_291 = arith.index_cast %add3A_290 : i32 to index
        %swap3A_292 = tpu.vector_load %arg9[%swap3A_291] {strides = array<i32>} : memref<32768xf32, #tpu.memory_space<vmem>>, vector<16xf32>,
        tpu.vector_store %arg9[%swap3A_291], %gather3A_286 {strides = array<i32>} : memref<32768xf32, #tpu.memory_space<vmem>>, vector<16xf32>,
        %gather3A_293 = tpu.vector_load_idx %arg5[%gather3A_285, %add3A_10] : memref<7x64xf32, #tpu.memory_space<vmem>>[vector<16xi32>, vector<16xi32>], vector<16xf32>,
        %add3A_294 = arith.constant 192 : i32
        %add3A_295 = arith.addi %multiple_of3A, %add3A_294 : i32
        %add3A_296 = arith.constant 16 : i32
        %add3A_297 = arith.addi %add3A_295, %add3A_296 : i32
        %swap3A_298 = arith.index_cast %add3A_297 : i32 to index
        %swap3A_299 = tpu.vector_load %arg9[%swap3A_298] {strides = array<i32>} : memref<32768xf32, #tpu.memory_space<vmem>>, vector<16xf32>,
        tpu.vector_store %arg9[%swap3A_298], %gather3A_293 {strides = array<i32>} : memref<32768xf32, #tpu.memory_space<vmem>>, vector<16xf32>,
        %gather3A_300 = tpu.vector_load_idx %arg5[%gather3A_285, %add3A_13] : memref<7x64xf32, #tpu.memory_space<vmem>>[vector<16xi32>, vector<16xi32>], vector<16xf32>,
        %add3A_301 = arith.constant 192 : i32
        %add3A_302 = arith.addi %multiple_of3A, %add3A_301 : i32
        %add3A_303 = arith.constant 32 : i32
        %add3A_304 = arith.addi %add3A_302, %add3A_303 : i32
        %swap3A_305 = arith.index_cast %add3A_304 : i32 to index
        %swap3A_306 = tpu.vector_load %arg9[%swap3A_305] {strides = array<i32>} : memref<32768xf32, #tpu.memory_space<vmem>>, vector<16xf32>,
        tpu.vector_store %arg9[%swap3A_305], %gather3A_300 {strides = array<i32>} : memref<32768xf32, #tpu.memory_space<vmem>>, vector<16xf32>,
        %gather3A_307 = tpu.vector_load_idx %arg5[%gather3A_285, %add3A_16] : memref<7x64xf32, #tpu.memory_space<vmem>>[vector<16xi32>, vector<16xi32>], vector<16xf32>,
        %add3A_308 = arith.constant 192 : i32
        %add3A_309 = arith.addi %multiple_of3A, %add3A_308 : i32
        %add3A_310 = arith.constant 48 : i32
        %add3A_311 = arith.addi %add3A_309, %add3A_310 : i32
        %swap3A_312 = arith.index_cast %add3A_311 : i32 to index
        %swap3A_313 = tpu.vector_load %arg9[%swap3A_312] {strides = array<i32>} : memref<32768xf32, #tpu.memory_space<vmem>>, vector<16xf32>,
        tpu.vector_store %arg9[%swap3A_312], %gather3A_307 {strides = array<i32>} : memref<32768xf32, #tpu.memory_space<vmem>>, vector<16xf32>,
        %broadcast_in_dim3A_314 = vector.shape_cast %broadcast_in_dim3A_25 : vector<16xi32> to vector<16x1xi32>
        %gather3A_315 = vector.shape_cast %broadcast_in_dim3A_314 : vector<16x1xi32> to vector<16xi32>
        %gather3A_316 = tpu.dynamic_gather %gather3A[%gather3A_315] in [0] : vector<16xi32>, vector<16xi32> -> vector<16xi32>
        %gather3A_317 = tpu.vector_load_idx %arg5[%gather3A_316, %add3A_7] : memref<7x64xf32, #tpu.memory_space<vmem>>[vector<16xi32>, vector<16xi32>], vector<16xf32>,
        %add3A_318 = arith.constant 256 : i32
        %add3A_319 = arith.addi %multiple_of3A, %add3A_318 : i32
        %add3A_320 = arith.constant 0 : i32
        %add3A_321 = arith.addi %add3A_319, %add3A_320 : i32
        %swap3A_322 = arith.index_cast %add3A_321 : i32 to index
        %swap3A_323 = tpu.vector_load %arg9[%swap3A_322] {strides = array<i32>} : memref<32768xf32, #tpu.memory_space<vmem>>, vector<16xf32>,
        tpu.vector_store %arg9[%swap3A_322], %gather3A_317 {strides = array<i32>} : memref<32768xf32, #tpu.memory_space<vmem>>, vector<16xf32>,
        %gather3A_324 = tpu.vector_load_idx %arg5[%gather3A_316, %add3A_10] : memref<7x64xf32, #tpu.memory_space<vmem>>[vector<16xi32>, vector<16xi32>], vector<16xf32>,
        %add3A_325 = arith.constant 256 : i32
        %add3A_326 = arith.addi %multiple_of3A, %add3A_325 : i32
        %add3A_327 = arith.constant 16 : i32
        %add3A_328 = arith.addi %add3A_326, %add3A_327 : i32
        %swap3A_329 = arith.index_cast %add3A_328 : i32 to index
        %swap3A_330 = tpu.vector_load %arg9[%swap3A_329] {strides = array<i32>} : memref<32768xf32, #tpu.memory_space<vmem>>, vector<16xf32>,
        tpu.vector_store %arg9[%swap3A_329], %gather3A_324 {strides = array<i32>} : memref<32768xf32, #tpu.memory_space<vmem>>, vector<16xf32>,
        %gather3A_331 = tpu.vector_load_idx %arg5[%gather3A_316, %add3A_13] : memref<7x64xf32, #tpu.memory_space<vmem>>[vector<16xi32>, vector<16xi32>], vector<16xf32>,
        %add3A_332 = arith.constant 256 : i32
        %add3A_333 = arith.addi %multiple_of3A, %add3A_332 : i32
        %add3A_334 = arith.constant 32 : i32
        %add3A_335 = arith.addi %add3A_333, %add3A_334 : i32
        %swap3A_336 = arith.index_cast %add3A_335 : i32 to index
        %swap3A_337 = tpu.vector_load %arg9[%swap3A_336] {strides = array<i32>} : memref<32768xf32, #tpu.memory_space<vmem>>, vector<16xf32>,
        tpu.vector_store %arg9[%swap3A_336], %gather3A_331 {strides = array<i32>} : memref<32768xf32, #tpu.memory_space<vmem>>, vector<16xf32>,
        %gather3A_338 = tpu.vector_load_idx %arg5[%gather3A_316, %add3A_16] : memref<7x64xf32, #tpu.memory_space<vmem>>[vector<16xi32>, vector<16xi32>], vector<16xf32>,
        %add3A_339 = arith.constant 256 : i32
        %add3A_340 = arith.addi %multiple_of3A, %add3A_339 : i32
        %add3A_341 = arith.constant 48 : i32
        %add3A_342 = arith.addi %add3A_340, %add3A_341 : i32
        %swap3A_343 = arith.index_cast %add3A_342 : i32 to index
        %swap3A_344 = tpu.vector_load %arg9[%swap3A_343] {strides = array<i32>} : memref<32768xf32, #tpu.memory_space<vmem>>, vector<16xf32>,
        tpu.vector_store %arg9[%swap3A_343], %gather3A_338 {strides = array<i32>} : memref<32768xf32, #tpu.memory_space<vmem>>, vector<16xf32>,
        %broadcast_in_dim3A_345 = vector.shape_cast %broadcast_in_dim3A_27 : vector<16xi32> to vector<16x1xi32>
        %gather3A_346 = vector.shape_cast %broadcast_in_dim3A_345 : vector<16x1xi32> to vector<16xi32>
        %gather3A_347 = tpu.dynamic_gather %gather3A[%gather3A_346] in [0] : vector<16xi32>, vector<16xi32> -> vector<16xi32>
        %gather3A_348 = tpu.vector_load_idx %arg5[%gather3A_347, %add3A_7] : memref<7x64xf32, #tpu.memory_space<vmem>>[vector<16xi32>, vector<16xi32>], vector<16xf32>,
        %add3A_349 = arith.constant 320 : i32
        %add3A_350 = arith.addi %multiple_of3A, %add3A_349 : i32
        %add3A_351 = arith.constant 0 : i32
        %add3A_352 = arith.addi %add3A_350, %add3A_351 : i32
        %swap3A_353 = arith.index_cast %add3A_352 : i32 to index
        %swap3A_354 = tpu.vector_load %arg9[%swap3A_353] {strides = array<i32>} : memref<32768xf32, #tpu.memory_space<vmem>>, vector<16xf32>,
        tpu.vector_store %arg9[%swap3A_353], %gather3A_348 {strides = array<i32>} : memref<32768xf32, #tpu.memory_space<vmem>>, vector<16xf32>,
        %gather3A_355 = tpu.vector_load_idx %arg5[%gather3A_347, %add3A_10] : memref<7x64xf32, #tpu.memory_space<vmem>>[vector<16xi32>, vector<16xi32>], vector<16xf32>,
        %add3A_356 = arith.constant 320 : i32
        %add3A_357 = arith.addi %multiple_of3A, %add3A_356 : i32
        %add3A_358 = arith.constant 16 : i32
        %add3A_359 = arith.addi %add3A_357, %add3A_358 : i32
        %swap3A_360 = arith.index_cast %add3A_359 : i32 to index
        %swap3A_361 = tpu.vector_load %arg9[%swap3A_360] {strides = array<i32>} : memref<32768xf32, #tpu.memory_space<vmem>>, vector<16xf32>,
        tpu.vector_store %arg9[%swap3A_360], %gather3A_355 {strides = array<i32>} : memref<32768xf32, #tpu.memory_space<vmem>>, vector<16xf32>,
        %gather3A_362 = tpu.vector_load_idx %arg5[%gather3A_347, %add3A_13] : memref<7x64xf32, #tpu.memory_space<vmem>>[vector<16xi32>, vector<16xi32>], vector<16xf32>,
        %add3A_363 = arith.constant 320 : i32
        %add3A_364 = arith.addi %multiple_of3A, %add3A_363 : i32
        %add3A_365 = arith.constant 32 : i32
        %add3A_366 = arith.addi %add3A_364, %add3A_365 : i32
        %swap3A_367 = arith.index_cast %add3A_366 : i32 to index
        %swap3A_368 = tpu.vector_load %arg9[%swap3A_367] {strides = array<i32>} : memref<32768xf32, #tpu.memory_space<vmem>>, vector<16xf32>,
        tpu.vector_store %arg9[%swap3A_367], %gather3A_362 {strides = array<i32>} : memref<32768xf32, #tpu.memory_space<vmem>>, vector<16xf32>,
        %gather3A_369 = tpu.vector_load_idx %arg5[%gather3A_347, %add3A_16] : memref<7x64xf32, #tpu.memory_space<vmem>>[vector<16xi32>, vector<16xi32>], vector<16xf32>,
        %add3A_370 = arith.constant 320 : i32
        %add3A_371 = arith.addi %multiple_of3A, %add3A_370 : i32
        %add3A_372 = arith.constant 48 : i32
        %add3A_373 = arith.addi %add3A_371, %add3A_372 : i32
        %swap3A_374 = arith.index_cast %add3A_373 : i32 to index
        %swap3A_375 = tpu.vector_load %arg9[%swap3A_374] {strides = array<i32>} : memref<32768xf32, #tpu.memory_space<vmem>>, vector<16xf32>,
        tpu.vector_store %arg9[%swap3A_374], %gather3A_369 {strides = array<i32>} : memref<32768xf32, #tpu.memory_space<vmem>>, vector<16xf32>,
        %broadcast_in_dim3A_376 = vector.shape_cast %broadcast_in_dim3A_29 : vector<16xi32> to vector<16x1xi32>
        %gather3A_377 = vector.shape_cast %broadcast_in_dim3A_376 : vector<16x1xi32> to vector<16xi32>
        %gather3A_378 = tpu.dynamic_gather %gather3A[%gather3A_377] in [0] : vector<16xi32>, vector<16xi32> -> vector<16xi32>
        %gather3A_379 = tpu.vector_load_idx %arg5[%gather3A_378, %add3A_7] : memref<7x64xf32, #tpu.memory_space<vmem>>[vector<16xi32>, vector<16xi32>], vector<16xf32>,
        %add3A_380 = arith.constant 384 : i32
        %add3A_381 = arith.addi %multiple_of3A, %add3A_380 : i32
        %add3A_382 = arith.constant 0 : i32
        %add3A_383 = arith.addi %add3A_381, %add3A_382 : i32
        %swap3A_384 = arith.index_cast %add3A_383 : i32 to index
        %swap3A_385 = tpu.vector_load %arg9[%swap3A_384] {strides = array<i32>} : memref<32768xf32, #tpu.memory_space<vmem>>, vector<16xf32>,
        tpu.vector_store %arg9[%swap3A_384], %gather3A_379 {strides = array<i32>} : memref<32768xf32, #tpu.memory_space<vmem>>, vector<16xf32>,
        %gather3A_386 = tpu.vector_load_idx %arg5[%gather3A_378, %add3A_10] : memref<7x64xf32, #tpu.memory_space<vmem>>[vector<16xi32>, vector<16xi32>], vector<16xf32>,
        %add3A_387 = arith.constant 384 : i32
        %add3A_388 = arith.addi %multiple_of3A, %add3A_387 : i32
        %add3A_389 = arith.constant 16 : i32
        %add3A_390 = arith.addi %add3A_388, %add3A_389 : i32
        %swap3A_391 = arith.index_cast %add3A_390 : i32 to index
        %swap3A_392 = tpu.vector_load %arg9[%swap3A_391] {strides = array<i32>} : memref<32768xf32, #tpu.memory_space<vmem>>, vector<16xf32>,
        tpu.vector_store %arg9[%swap3A_391], %gather3A_386 {strides = array<i32>} : memref<32768xf32, #tpu.memory_space<vmem>>, vector<16xf32>,
        %gather3A_393 = tpu.vector_load_idx %arg5[%gather3A_378, %add3A_13] : memref<7x64xf32, #tpu.memory_space<vmem>>[vector<16xi32>, vector<16xi32>], vector<16xf32>,
        %add3A_394 = arith.constant 384 : i32
        %add3A_395 = arith.addi %multiple_of3A, %add3A_394 : i32
        %add3A_396 = arith.constant 32 : i32
        %add3A_397 = arith.addi %add3A_395, %add3A_396 : i32
        %swap3A_398 = arith.index_cast %add3A_397 : i32 to index
        %swap3A_399 = tpu.vector_load %arg9[%swap3A_398] {strides = array<i32>} : memref<32768xf32, #tpu.memory_space<vmem>>, vector<16xf32>,
        tpu.vector_store %arg9[%swap3A_398], %gather3A_393 {strides = array<i32>} : memref<32768xf32, #tpu.memory_space<vmem>>, vector<16xf32>,
        %gather3A_400 = tpu.vector_load_idx %arg5[%gather3A_378, %add3A_16] : memref<7x64xf32, #tpu.memory_space<vmem>>[vector<16xi32>, vector<16xi32>], vector<16xf32>,
        %add3A_401 = arith.constant 384 : i32
        %add3A_402 = arith.addi %multiple_of3A, %add3A_401 : i32
        %add3A_403 = arith.constant 48 : i32
        %add3A_404 = arith.addi %add3A_402, %add3A_403 : i32
        %swap3A_405 = arith.index_cast %add3A_404 : i32 to index
        %swap3A_406 = tpu.vector_load %arg9[%swap3A_405] {strides = array<i32>} : memref<32768xf32, #tpu.memory_space<vmem>>, vector<16xf32>,
        tpu.vector_store %arg9[%swap3A_405], %gather3A_400 {strides = array<i32>} : memref<32768xf32, #tpu.memory_space<vmem>>, vector<16xf32>,
        %broadcast_in_dim3A_407 = vector.shape_cast %broadcast_in_dim3A_31 : vector<16xi32> to vector<16x1xi32>
        %gather3A_408 = vector.shape_cast %broadcast_in_dim3A_407 : vector<16x1xi32> to vector<16xi32>
        %gather3A_409 = tpu.dynamic_gather %gather3A[%gather3A_408] in [0] : vector<16xi32>, vector<16xi32> -> vector<16xi32>
        %gather3A_410 = tpu.vector_load_idx %arg5[%gather3A_409, %add3A_7] : memref<7x64xf32, #tpu.memory_space<vmem>>[vector<16xi32>, vector<16xi32>], vector<16xf32>,
        %add3A_411 = arith.constant 448 : i32
        %add3A_412 = arith.addi %multiple_of3A, %add3A_411 : i32
        %add3A_413 = arith.constant 0 : i32
        %add3A_414 = arith.addi %add3A_412, %add3A_413 : i32
        %swap3A_415 = arith.index_cast %add3A_414 : i32 to index
        %swap3A_416 = tpu.vector_load %arg9[%swap3A_415] {strides = array<i32>} : memref<32768xf32, #tpu.memory_space<vmem>>, vector<16xf32>,
        tpu.vector_store %arg9[%swap3A_415], %gather3A_410 {strides = array<i32>} : memref<32768xf32, #tpu.memory_space<vmem>>, vector<16xf32>,
        %gather3A_417 = tpu.vector_load_idx %arg5[%gather3A_409, %add3A_10] : memref<7x64xf32, #tpu.memory_space<vmem>>[vector<16xi32>, vector<16xi32>], vector<16xf32>,
        %add3A_418 = arith.constant 448 : i32
        %add3A_419 = arith.addi %multiple_of3A, %add3A_418 : i32
        %add3A_420 = arith.constant 16 : i32
        %add3A_421 = arith.addi %add3A_419, %add3A_420 : i32
        %swap3A_422 = arith.index_cast %add3A_421 : i32 to index
        %swap3A_423 = tpu.vector_load %arg9[%swap3A_422] {strides = array<i32>} : memref<32768xf32, #tpu.memory_space<vmem>>, vector<16xf32>,
        tpu.vector_store %arg9[%swap3A_422], %gather3A_417 {strides = array<i32>} : memref<32768xf32, #tpu.memory_space<vmem>>, vector<16xf32>,
        %gather3A_424 = tpu.vector_load_idx %arg5[%gather3A_409, %add3A_13] : memref<7x64xf32, #tpu.memory_space<vmem>>[vector<16xi32>, vector<16xi32>], vector<16xf32>,
        %add3A_425 = arith.constant 448 : i32
        %add3A_426 = arith.addi %multiple_of3A, %add3A_425 : i32
        %add3A_427 = arith.constant 32 : i32
        %add3A_428 = arith.addi %add3A_426, %add3A_427 : i32
        %swap3A_429 = arith.index_cast %add3A_428 : i32 to index
        %swap3A_430 = tpu.vector_load %arg9[%swap3A_429] {strides = array<i32>} : memref<32768xf32, #tpu.memory_space<vmem>>, vector<16xf32>,
        tpu.vector_store %arg9[%swap3A_429], %gather3A_424 {strides = array<i32>} : memref<32768xf32, #tpu.memory_space<vmem>>, vector<16xf32>,
        %gather3A_431 = tpu.vector_load_idx %arg5[%gather3A_409, %add3A_16] : memref<7x64xf32, #tpu.memory_space<vmem>>[vector<16xi32>, vector<16xi32>], vector<16xf32>,
        %add3A_432 = arith.constant 448 : i32
        %add3A_433 = arith.addi %multiple_of3A, %add3A_432 : i32
        %add3A_434 = arith.constant 48 : i32
        %add3A_435 = arith.addi %add3A_433, %add3A_434 : i32
        %swap3A_436 = arith.index_cast %add3A_435 : i32 to index
        %swap3A_437 = tpu.vector_load %arg9[%swap3A_436] {strides = array<i32>} : memref<32768xf32, #tpu.memory_space<vmem>>, vector<16xf32>,
        tpu.vector_store %arg9[%swap3A_436], %gather3A_431 {strides = array<i32>} : memref<32768xf32, #tpu.memory_space<vmem>>, vector<16xf32>,
        %broadcast_in_dim3A_438 = vector.shape_cast %broadcast_in_dim3A_33 : vector<16xi32> to vector<16x1xi32>
        %gather3A_439 = vector.shape_cast %broadcast_in_dim3A_438 : vector<16x1xi32> to vector<16xi32>
        %gather3A_440 = tpu.dynamic_gather %gather3A[%gather3A_439] in [0] : vector<16xi32>, vector<16xi32> -> vector<16xi32>
        %gather3A_441 = tpu.vector_load_idx %arg5[%gather3A_440, %add3A_7] : memref<7x64xf32, #tpu.memory_space<vmem>>[vector<16xi32>, vector<16xi32>], vector<16xf32>,
        %add3A_442 = arith.constant 512 : i32
        %add3A_443 = arith.addi %multiple_of3A, %add3A_442 : i32
        %add3A_444 = arith.constant 0 : i32
        %add3A_445 = arith.addi %add3A_443, %add3A_444 : i32
        %swap3A_446 = arith.index_cast %add3A_445 : i32 to index
        %swap3A_447 = tpu.vector_load %arg9[%swap3A_446] {strides = array<i32>} : memref<32768xf32, #tpu.memory_space<vmem>>, vector<16xf32>,
        tpu.vector_store %arg9[%swap3A_446], %gather3A_441 {strides = array<i32>} : memref<32768xf32, #tpu.memory_space<vmem>>, vector<16xf32>,
        %gather3A_448 = tpu.vector_load_idx %arg5[%gather3A_440, %add3A_10] : memref<7x64xf32, #tpu.memory_space<vmem>>[vector<16xi32>, vector<16xi32>], vector<16xf32>,
        %add3A_449 = arith.constant 512 : i32
        %add3A_450 = arith.addi %multiple_of3A, %add3A_449 : i32
        %add3A_451 = arith.constant 16 : i32
        %add3A_452 = arith.addi %add3A_450, %add3A_451 : i32
        %swap3A_453 = arith.index_cast %add3A_452 : i32 to index
        %swap3A_454 = tpu.vector_load %arg9[%swap3A_453] {strides = array<i32>} : memref<32768xf32, #tpu.memory_space<vmem>>, vector<16xf32>,
        tpu.vector_store %arg9[%swap3A_453], %gather3A_448 {strides = array<i32>} : memref<32768xf32, #tpu.memory_space<vmem>>, vector<16xf32>,
        %gather3A_455 = tpu.vector_load_idx %arg5[%gather3A_440, %add3A_13] : memref<7x64xf32, #tpu.memory_space<vmem>>[vector<16xi32>, vector<16xi32>], vector<16xf32>,
        %add3A_456 = arith.constant 512 : i32
        %add3A_457 = arith.addi %multiple_of3A, %add3A_456 : i32
        %add3A_458 = arith.constant 32 : i32
        %add3A_459 = arith.addi %add3A_457, %add3A_458 : i32
        %swap3A_460 = arith.index_cast %add3A_459 : i32 to index
        %swap3A_461 = tpu.vector_load %arg9[%swap3A_460] {strides = array<i32>} : memref<32768xf32, #tpu.memory_space<vmem>>, vector<16xf32>,
        tpu.vector_store %arg9[%swap3A_460], %gather3A_455 {strides = array<i32>} : memref<32768xf32, #tpu.memory_space<vmem>>, vector<16xf32>,
        %gather3A_462 = tpu.vector_load_idx %arg5[%gather3A_440, %add3A_16] : memref<7x64xf32, #tpu.memory_space<vmem>>[vector<16xi32>, vector<16xi32>], vector<16xf32>,
        %add3A_463 = arith.constant 512 : i32
        %add3A_464 = arith.addi %multiple_of3A, %add3A_463 : i32
        %add3A_465 = arith.constant 48 : i32
        %add3A_466 = arith.addi %add3A_464, %add3A_465 : i32
        %swap3A_467 = arith.index_cast %add3A_466 : i32 to index
        %swap3A_468 = tpu.vector_load %arg9[%swap3A_467] {strides = array<i32>} : memref<32768xf32, #tpu.memory_space<vmem>>, vector<16xf32>,
        tpu.vector_store %arg9[%swap3A_467], %gather3A_462 {strides = array<i32>} : memref<32768xf32, #tpu.memory_space<vmem>>, vector<16xf32>,
        %broadcast_in_dim3A_469 = vector.shape_cast %broadcast_in_dim3A_35 : vector<16xi32> to vector<16x1xi32>
        %gather3A_470 = vector.shape_cast %broadcast_in_dim3A_469 : vector<16x1xi32> to vector<16xi32>
        %gather3A_471 = tpu.dynamic_gather %gather3A[%gather3A_470] in [0] : vector<16xi32>, vector<16xi32> -> vector<16xi32>
        %gather3A_472 = tpu.vector_load_idx %arg5[%gather3A_471, %add3A_7] : memref<7x64xf32, #tpu.memory_space<vmem>>[vector<16xi32>, vector<16xi32>], vector<16xf32>,
        %add3A_473 = arith.constant 576 : i32
        %add3A_474 = arith.addi %multiple_of3A, %add3A_473 : i32
        %add3A_475 = arith.constant 0 : i32
        %add3A_476 = arith.addi %add3A_474, %add3A_475 : i32
        %swap3A_477 = arith.index_cast %add3A_476 : i32 to index
        %swap3A_478 = tpu.vector_load %arg9[%swap3A_477] {strides = array<i32>} : memref<32768xf32, #tpu.memory_space<vmem>>, vector<16xf32>,
        tpu.vector_store %arg9[%swap3A_477], %gather3A_472 {strides = array<i32>} : memref<32768xf32, #tpu.memory_space<vmem>>, vector<16xf32>,
        %gather3A_479 = tpu.vector_load_idx %arg5[%gather3A_471, %add3A_10] : memref<7x64xf32, #tpu.memory_space<vmem>>[vector<16xi32>, vector<16xi32>], vector<16xf32>,
        %add3A_480 = arith.constant 576 : i32
        %add3A_481 = arith.addi %multiple_of3A, %add3A_480 : i32
        %add3A_482 = arith.constant 16 : i32
        %add3A_483 = arith.addi %add3A_481, %add3A_482 : i32
        %swap3A_484 = arith.index_cast %add3A_483 : i32 to index
        %swap3A_485 = tpu.vector_load %arg9[%swap3A_484] {strides = array<i32>} : memref<32768xf32, #tpu.memory_space<vmem>>, vector<16xf32>,
        tpu.vector_store %arg9[%swap3A_484], %gather3A_479 {strides = array<i32>} : memref<32768xf32, #tpu.memory_space<vmem>>, vector<16xf32>,
        %gather3A_486 = tpu.vector_load_idx %arg5[%gather3A_471, %add3A_13] : memref<7x64xf32, #tpu.memory_space<vmem>>[vector<16xi32>, vector<16xi32>], vector<16xf32>,
        %add3A_487 = arith.constant 576 : i32
        %add3A_488 = arith.addi %multiple_of3A, %add3A_487 : i32
        %add3A_489 = arith.constant 32 : i32
        %add3A_490 = arith.addi %add3A_488, %add3A_489 : i32
        %swap3A_491 = arith.index_cast %add3A_490 : i32 to index
        %swap3A_492 = tpu.vector_load %arg9[%swap3A_491] {strides = array<i32>} : memref<32768xf32, #tpu.memory_space<vmem>>, vector<16xf32>,
        tpu.vector_store %arg9[%swap3A_491], %gather3A_486 {strides = array<i32>} : memref<32768xf32, #tpu.memory_space<vmem>>, vector<16xf32>,
        %gather3A_493 = tpu.vector_load_idx %arg5[%gather3A_471, %add3A_16] : memref<7x64xf32, #tpu.memory_space<vmem>>[vector<16xi32>, vector<16xi32>], vector<16xf32>,
        %add3A_494 = arith.constant 576 : i32
        %add3A_495 = arith.addi %multiple_of3A, %add3A_494 : i32
        %add3A_496 = arith.constant 48 : i32
        %add3A_497 = arith.addi %add3A_495, %add3A_496 : i32
        %swap3A_498 = arith.index_cast %add3A_497 : i32 to index
        %swap3A_499 = tpu.vector_load %arg9[%swap3A_498] {strides = array<i32>} : memref<32768xf32, #tpu.memory_space<vmem>>, vector<16xf32>,
        tpu.vector_store %arg9[%swap3A_498], %gather3A_493 {strides = array<i32>} : memref<32768xf32, #tpu.memory_space<vmem>>, vector<16xf32>,
        %broadcast_in_dim3A_500 = vector.shape_cast %broadcast_in_dim3A_37 : vector<16xi32> to vector<16x1xi32>
        %gather3A_501 = vector.shape_cast %broadcast_in_dim3A_500 : vector<16x1xi32> to vector<16xi32>
        %gather3A_502 = tpu.dynamic_gather %gather3A[%gather3A_501] in [0] : vector<16xi32>, vector<16xi32> -> vector<16xi32>
        %gather3A_503 = tpu.vector_load_idx %arg5[%gather3A_502, %add3A_7] : memref<7x64xf32, #tpu.memory_space<vmem>>[vector<16xi32>, vector<16xi32>], vector<16xf32>,
        %add3A_504 = arith.constant 640 : i32
        %add3A_505 = arith.addi %multiple_of3A, %add3A_504 : i32
        %add3A_506 = arith.constant 0 : i32
        %add3A_507 = arith.addi %add3A_505, %add3A_506 : i32
        %swap3A_508 = arith.index_cast %add3A_507 : i32 to index
        %swap3A_509 = tpu.vector_load %arg9[%swap3A_508] {strides = array<i32>} : memref<32768xf32, #tpu.memory_space<vmem>>, vector<16xf32>,
        tpu.vector_store %arg9[%swap3A_508], %gather3A_503 {strides = array<i32>} : memref<32768xf32, #tpu.memory_space<vmem>>, vector<16xf32>,
        %gather3A_510 = tpu.vector_load_idx %arg5[%gather3A_502, %add3A_10] : memref<7x64xf32, #tpu.memory_space<vmem>>[vector<16xi32>, vector<16xi32>], vector<16xf32>,
        %add3A_511 = arith.constant 640 : i32
        %add3A_512 = arith.addi %multiple_of3A, %add3A_511 : i32
        %add3A_513 = arith.constant 16 : i32
        %add3A_514 = arith.addi %add3A_512, %add3A_513 : i32
        %swap3A_515 = arith.index_cast %add3A_514 : i32 to index
        %swap3A_516 = tpu.vector_load %arg9[%swap3A_515] {strides = array<i32>} : memref<32768xf32, #tpu.memory_space<vmem>>, vector<16xf32>,
        tpu.vector_store %arg9[%swap3A_515], %gather3A_510 {strides = array<i32>} : memref<32768xf32, #tpu.memory_space<vmem>>, vector<16xf32>,
        %gather3A_517 = tpu.vector_load_idx %arg5[%gather3A_502, %add3A_13] : memref<7x64xf32, #tpu.memory_space<vmem>>[vector<16xi32>, vector<16xi32>], vector<16xf32>,
        %add3A_518 = arith.constant 640 : i32
        %add3A_519 = arith.addi %multiple_of3A, %add3A_518 : i32
        %add3A_520 = arith.constant 32 : i32
        %add3A_521 = arith.addi %add3A_519, %add3A_520 : i32
        %swap3A_522 = arith.index_cast %add3A_521 : i32 to index
        %swap3A_523 = tpu.vector_load %arg9[%swap3A_522] {strides = array<i32>} : memref<32768xf32, #tpu.memory_space<vmem>>, vector<16xf32>,
        tpu.vector_store %arg9[%swap3A_522], %gather3A_517 {strides = array<i32>} : memref<32768xf32, #tpu.memory_space<vmem>>, vector<16xf32>,
        %gather3A_524 = tpu.vector_load_idx %arg5[%gather3A_502, %add3A_16] : memref<7x64xf32, #tpu.memory_space<vmem>>[vector<16xi32>, vector<16xi32>], vector<16xf32>,
        %add3A_525 = arith.constant 640 : i32
        %add3A_526 = arith.addi %multiple_of3A, %add3A_525 : i32
        %add3A_527 = arith.constant 48 : i32
        %add3A_528 = arith.addi %add3A_526, %add3A_527 : i32
        %swap3A_529 = arith.index_cast %add3A_528 : i32 to index
        %swap3A_530 = tpu.vector_load %arg9[%swap3A_529] {strides = array<i32>} : memref<32768xf32, #tpu.memory_space<vmem>>, vector<16xf32>,
        tpu.vector_store %arg9[%swap3A_529], %gather3A_524 {strides = array<i32>} : memref<32768xf32, #tpu.memory_space<vmem>>, vector<16xf32>,
        %broadcast_in_dim3A_531 = vector.shape_cast %broadcast_in_dim3A_39 : vector<16xi32> to vector<16x1xi32>
        %gather3A_532 = vector.shape_cast %broadcast_in_dim3A_531 : vector<16x1xi32> to vector<16xi32>
        %gather3A_533 = tpu.dynamic_gather %gather3A[%gather3A_532] in [0] : vector<16xi32>, vector<16xi32> -> vector<16xi32>
        %gather3A_534 = tpu.vector_load_idx %arg5[%gather3A_533, %add3A_7] : memref<7x64xf32, #tpu.memory_space<vmem>>[vector<16xi32>, vector<16xi32>], vector<16xf32>,
        %add3A_535 = arith.constant 704 : i32
        %add3A_536 = arith.addi %multiple_of3A, %add3A_535 : i32
        %add3A_537 = arith.constant 0 : i32
        %add3A_538 = arith.addi %add3A_536, %add3A_537 : i32
        %swap3A_539 = arith.index_cast %add3A_538 : i32 to index
        %swap3A_540 = tpu.vector_load %arg9[%swap3A_539] {strides = array<i32>} : memref<32768xf32, #tpu.memory_space<vmem>>, vector<16xf32>,
        tpu.vector_store %arg9[%swap3A_539], %gather3A_534 {strides = array<i32>} : memref<32768xf32, #tpu.memory_space<vmem>>, vector<16xf32>,
        %gather3A_541 = tpu.vector_load_idx %arg5[%gather3A_533, %add3A_10] : memref<7x64xf32, #tpu.memory_space<vmem>>[vector<16xi32>, vector<16xi32>], vector<16xf32>,
        %add3A_542 = arith.constant 704 : i32
        %add3A_543 = arith.addi %multiple_of3A, %add3A_542 : i32
        %add3A_544 = arith.constant 16 : i32
        %add3A_545 = arith.addi %add3A_543, %add3A_544 : i32
        %swap3A_546 = arith.index_cast %add3A_545 : i32 to index
        %swap3A_547 = tpu.vector_load %arg9[%swap3A_546] {strides = array<i32>} : memref<32768xf32, #tpu.memory_space<vmem>>, vector<16xf32>,
        tpu.vector_store %arg9[%swap3A_546], %gather3A_541 {strides = array<i32>} : memref<32768xf32, #tpu.memory_space<vmem>>, vector<16xf32>,
        %gather3A_548 = tpu.vector_load_idx %arg5[%gather3A_533, %add3A_13] : memref<7x64xf32, #tpu.memory_space<vmem>>[vector<16xi32>, vector<16xi32>], vector<16xf32>,
        %add3A_549 = arith.constant 704 : i32
        %add3A_550 = arith.addi %multiple_of3A, %add3A_549 : i32
        %add3A_551 = arith.constant 32 : i32
        %add3A_552 = arith.addi %add3A_550, %add3A_551 : i32
        %swap3A_553 = arith.index_cast %add3A_552 : i32 to index
        %swap3A_554 = tpu.vector_load %arg9[%swap3A_553] {strides = array<i32>} : memref<32768xf32, #tpu.memory_space<vmem>>, vector<16xf32>,
        tpu.vector_store %arg9[%swap3A_553], %gather3A_548 {strides = array<i32>} : memref<32768xf32, #tpu.memory_space<vmem>>, vector<16xf32>,
        %gather3A_555 = tpu.vector_load_idx %arg5[%gather3A_533, %add3A_16] : memref<7x64xf32, #tpu.memory_space<vmem>>[vector<16xi32>, vector<16xi32>], vector<16xf32>,
        %add3A_556 = arith.constant 704 : i32
        %add3A_557 = arith.addi %multiple_of3A, %add3A_556 : i32
        %add3A_558 = arith.constant 48 : i32
        %add3A_559 = arith.addi %add3A_557, %add3A_558 : i32
        %swap3A_560 = arith.index_cast %add3A_559 : i32 to index
        %swap3A_561 = tpu.vector_load %arg9[%swap3A_560] {strides = array<i32>} : memref<32768xf32, #tpu.memory_space<vmem>>, vector<16xf32>,
        tpu.vector_store %arg9[%swap3A_560], %gather3A_555 {strides = array<i32>} : memref<32768xf32, #tpu.memory_space<vmem>>, vector<16xf32>,
        %broadcast_in_dim3A_562 = vector.shape_cast %broadcast_in_dim3A_41 : vector<16xi32> to vector<16x1xi32>
        %gather3A_563 = vector.shape_cast %broadcast_in_dim3A_562 : vector<16x1xi32> to vector<16xi32>
        %gather3A_564 = tpu.dynamic_gather %gather3A[%gather3A_563] in [0] : vector<16xi32>, vector<16xi32> -> vector<16xi32>
        %gather3A_565 = tpu.vector_load_idx %arg5[%gather3A_564, %add3A_7] : memref<7x64xf32, #tpu.memory_space<vmem>>[vector<16xi32>, vector<16xi32>], vector<16xf32>,
        %add3A_566 = arith.constant 768 : i32
        %add3A_567 = arith.addi %multiple_of3A, %add3A_566 : i32
        %add3A_568 = arith.constant 0 : i32
        %add3A_569 = arith.addi %add3A_567, %add3A_568 : i32
        %swap3A_570 = arith.index_cast %add3A_569 : i32 to index
        %swap3A_571 = tpu.vector_load %arg9[%swap3A_570] {strides = array<i32>} : memref<32768xf32, #tpu.memory_space<vmem>>, vector<16xf32>,
        tpu.vector_store %arg9[%swap3A_570], %gather3A_565 {strides = array<i32>} : memref<32768xf32, #tpu.memory_space<vmem>>, vector<16xf32>,
        %gather3A_572 = tpu.vector_load_idx %arg5[%gather3A_564, %add3A_10] : memref<7x64xf32, #tpu.memory_space<vmem>>[vector<16xi32>, vector<16xi32>], vector<16xf32>,
        %add3A_573 = arith.constant 768 : i32
        %add3A_574 = arith.addi %multiple_of3A, %add3A_573 : i32
        %add3A_575 = arith.constant 16 : i32
        %add3A_576 = arith.addi %add3A_574, %add3A_575 : i32
        %swap3A_577 = arith.index_cast %add3A_576 : i32 to index
        %swap3A_578 = tpu.vector_load %arg9[%swap3A_577] {strides = array<i32>} : memref<32768xf32, #tpu.memory_space<vmem>>, vector<16xf32>,
        tpu.vector_store %arg9[%swap3A_577], %gather3A_572 {strides = array<i32>} : memref<32768xf32, #tpu.memory_space<vmem>>, vector<16xf32>,
        %gather3A_579 = tpu.vector_load_idx %arg5[%gather3A_564, %add3A_13] : memref<7x64xf32, #tpu.memory_space<vmem>>[vector<16xi32>, vector<16xi32>], vector<16xf32>,
        %add3A_580 = arith.constant 768 : i32
        %add3A_581 = arith.addi %multiple_of3A, %add3A_580 : i32
        %add3A_582 = arith.constant 32 : i32
        %add3A_583 = arith.addi %add3A_581, %add3A_582 : i32
        %swap3A_584 = arith.index_cast %add3A_583 : i32 to index
        %swap3A_585 = tpu.vector_load %arg9[%swap3A_584] {strides = array<i32>} : memref<32768xf32, #tpu.memory_space<vmem>>, vector<16xf32>,
        tpu.vector_store %arg9[%swap3A_584], %gather3A_579 {strides = array<i32>} : memref<32768xf32, #tpu.memory_space<vmem>>, vector<16xf32>,
        %gather3A_586 = tpu.vector_load_idx %arg5[%gather3A_564, %add3A_16] : memref<7x64xf32, #tpu.memory_space<vmem>>[vector<16xi32>, vector<16xi32>], vector<16xf32>,
        %add3A_587 = arith.constant 768 : i32
        %add3A_588 = arith.addi %multiple_of3A, %add3A_587 : i32
        %add3A_589 = arith.constant 48 : i32
        %add3A_590 = arith.addi %add3A_588, %add3A_589 : i32
        %swap3A_591 = arith.index_cast %add3A_590 : i32 to index
        %swap3A_592 = tpu.vector_load %arg9[%swap3A_591] {strides = array<i32>} : memref<32768xf32, #tpu.memory_space<vmem>>, vector<16xf32>,
        tpu.vector_store %arg9[%swap3A_591], %gather3A_586 {strides = array<i32>} : memref<32768xf32, #tpu.memory_space<vmem>>, vector<16xf32>,
        %broadcast_in_dim3A_593 = vector.shape_cast %broadcast_in_dim3A_43 : vector<16xi32> to vector<16x1xi32>
        %gather3A_594 = vector.shape_cast %broadcast_in_dim3A_593 : vector<16x1xi32> to vector<16xi32>
        %gather3A_595 = tpu.dynamic_gather %gather3A[%gather3A_594] in [0] : vector<16xi32>, vector<16xi32> -> vector<16xi32>
        %gather3A_596 = tpu.vector_load_idx %arg5[%gather3A_595, %add3A_7] : memref<7x64xf32, #tpu.memory_space<vmem>>[vector<16xi32>, vector<16xi32>], vector<16xf32>,
        %add3A_597 = arith.constant 832 : i32
        %add3A_598 = arith.addi %multiple_of3A, %add3A_597 : i32
        %add3A_599 = arith.constant 0 : i32
        %add3A_600 = arith.addi %add3A_598, %add3A_599 : i32
        %swap3A_601 = arith.index_cast %add3A_600 : i32 to index
        %swap3A_602 = tpu.vector_load %arg9[%swap3A_601] {strides = array<i32>} : memref<32768xf32, #tpu.memory_space<vmem>>, vector<16xf32>,
        tpu.vector_store %arg9[%swap3A_601], %gather3A_596 {strides = array<i32>} : memref<32768xf32, #tpu.memory_space<vmem>>, vector<16xf32>,
        %gather3A_603 = tpu.vector_load_idx %arg5[%gather3A_595, %add3A_10] : memref<7x64xf32, #tpu.memory_space<vmem>>[vector<16xi32>, vector<16xi32>], vector<16xf32>,
        %add3A_604 = arith.constant 832 : i32
        %add3A_605 = arith.addi %multiple_of3A, %add3A_604 : i32
        %add3A_606 = arith.constant 16 : i32
        %add3A_607 = arith.addi %add3A_605, %add3A_606 : i32
        %swap3A_608 = arith.index_cast %add3A_607 : i32 to index
        %swap3A_609 = tpu.vector_load %arg9[%swap3A_608] {strides = array<i32>} : memref<32768xf32, #tpu.memory_space<vmem>>, vector<16xf32>,
        tpu.vector_store %arg9[%swap3A_608], %gather3A_603 {strides = array<i32>} : memref<32768xf32, #tpu.memory_space<vmem>>, vector<16xf32>,
        %gather3A_610 = tpu.vector_load_idx %arg5[%gather3A_595, %add3A_13] : memref<7x64xf32, #tpu.memory_space<vmem>>[vector<16xi32>, vector<16xi32>], vector<16xf32>,
        %add3A_611 = arith.constant 832 : i32
        %add3A_612 = arith.addi %multiple_of3A, %add3A_611 : i32
        %add3A_613 = arith.constant 32 : i32
        %add3A_614 = arith.addi %add3A_612, %add3A_613 : i32
        %swap3A_615 = arith.index_cast %add3A_614 : i32 to index
        %swap3A_616 = tpu.vector_load %arg9[%swap3A_615] {strides = array<i32>} : memref<32768xf32, #tpu.memory_space<vmem>>, vector<16xf32>,
        tpu.vector_store %arg9[%swap3A_615], %gather3A_610 {strides = array<i32>} : memref<32768xf32, #tpu.memory_space<vmem>>, vector<16xf32>,
        %gather3A_617 = tpu.vector_load_idx %arg5[%gather3A_595, %add3A_16] : memref<7x64xf32, #tpu.memory_space<vmem>>[vector<16xi32>, vector<16xi32>], vector<16xf32>,
        %add3A_618 = arith.constant 832 : i32
        %add3A_619 = arith.addi %multiple_of3A, %add3A_618 : i32
        %add3A_620 = arith.constant 48 : i32
        %add3A_621 = arith.addi %add3A_619, %add3A_620 : i32
        %swap3A_622 = arith.index_cast %add3A_621 : i32 to index
        %swap3A_623 = tpu.vector_load %arg9[%swap3A_622] {strides = array<i32>} : memref<32768xf32, #tpu.memory_space<vmem>>, vector<16xf32>,
        tpu.vector_store %arg9[%swap3A_622], %gather3A_617 {strides = array<i32>} : memref<32768xf32, #tpu.memory_space<vmem>>, vector<16xf32>,
        %broadcast_in_dim3A_624 = vector.shape_cast %broadcast_in_dim3A_45 : vector<16xi32> to vector<16x1xi32>
        %gather3A_625 = vector.shape_cast %broadcast_in_dim3A_624 : vector<16x1xi32> to vector<16xi32>
        %gather3A_626 = tpu.dynamic_gather %gather3A[%gather3A_625] in [0] : vector<16xi32>, vector<16xi32> -> vector<16xi32>
        %gather3A_627 = tpu.vector_load_idx %arg5[%gather3A_626, %add3A_7] : memref<7x64xf32, #tpu.memory_space<vmem>>[vector<16xi32>, vector<16xi32>], vector<16xf32>,
        %add3A_628 = arith.constant 896 : i32
        %add3A_629 = arith.addi %multiple_of3A, %add3A_628 : i32
        %add3A_630 = arith.constant 0 : i32
        %add3A_631 = arith.addi %add3A_629, %add3A_630 : i32
        %swap3A_632 = arith.index_cast %add3A_631 : i32 to index
        %swap3A_633 = tpu.vector_load %arg9[%swap3A_632] {strides = array<i32>} : memref<32768xf32, #tpu.memory_space<vmem>>, vector<16xf32>,
        tpu.vector_store %arg9[%swap3A_632], %gather3A_627 {strides = array<i32>} : memref<32768xf32, #tpu.memory_space<vmem>>, vector<16xf32>,
        %gather3A_634 = tpu.vector_load_idx %arg5[%gather3A_626, %add3A_10] : memref<7x64xf32, #tpu.memory_space<vmem>>[vector<16xi32>, vector<16xi32>], vector<16xf32>,
        %add3A_635 = arith.constant 896 : i32
        %add3A_636 = arith.addi %multiple_of3A, %add3A_635 : i32
        %add3A_637 = arith.constant 16 : i32
        %add3A_638 = arith.addi %add3A_636, %add3A_637 : i32
        %swap3A_639 = arith.index_cast %add3A_638 : i32 to index
        %swap3A_640 = tpu.vector_load %arg9[%swap3A_639] {strides = array<i32>} : memref<32768xf32, #tpu.memory_space<vmem>>, vector<16xf32>,
        tpu.vector_store %arg9[%swap3A_639], %gather3A_634 {strides = array<i32>} : memref<32768xf32, #tpu.memory_space<vmem>>, vector<16xf32>,
        %gather3A_641 = tpu.vector_load_idx %arg5[%gather3A_626, %add3A_13] : memref<7x64xf32, #tpu.memory_space<vmem>>[vector<16xi32>, vector<16xi32>], vector<16xf32>,
        %add3A_642 = arith.constant 896 : i32
        %add3A_643 = arith.addi %multiple_of3A, %add3A_642 : i32
        %add3A_644 = arith.constant 32 : i32
        %add3A_645 = arith.addi %add3A_643, %add3A_644 : i32
        %swap3A_646 = arith.index_cast %add3A_645 : i32 to index
        %swap3A_647 = tpu.vector_load %arg9[%swap3A_646] {strides = array<i32>} : memref<32768xf32, #tpu.memory_space<vmem>>, vector<16xf32>,
        tpu.vector_store %arg9[%swap3A_646], %gather3A_641 {strides = array<i32>} : memref<32768xf32, #tpu.memory_space<vmem>>, vector<16xf32>,
        %gather3A_648 = tpu.vector_load_idx %arg5[%gather3A_626, %add3A_16] : memref<7x64xf32, #tpu.memory_space<vmem>>[vector<16xi32>, vector<16xi32>], vector<16xf32>,
        %add3A_649 = arith.constant 896 : i32
        %add3A_650 = arith.addi %multiple_of3A, %add3A_649 : i32
        %add3A_651 = arith.constant 48 : i32
        %add3A_652 = arith.addi %add3A_650, %add3A_651 : i32
        %swap3A_653 = arith.index_cast %add3A_652 : i32 to index
        %swap3A_654 = tpu.vector_load %arg9[%swap3A_653] {strides = array<i32>} : memref<32768xf32, #tpu.memory_space<vmem>>, vector<16xf32>,
        tpu.vector_store %arg9[%swap3A_653], %gather3A_648 {strides = array<i32>} : memref<32768xf32, #tpu.memory_space<vmem>>, vector<16xf32>,
        %broadcast_in_dim3A_655 = vector.shape_cast %broadcast_in_dim3A_47 : vector<16xi32> to vector<16x1xi32>
        %gather3A_656 = vector.shape_cast %broadcast_in_dim3A_655 : vector<16x1xi32> to vector<16xi32>
        %gather3A_657 = tpu.dynamic_gather %gather3A[%gather3A_656] in [0] : vector<16xi32>, vector<16xi32> -> vector<16xi32>
        %gather3A_658 = tpu.vector_load_idx %arg5[%gather3A_657, %add3A_7] : memref<7x64xf32, #tpu.memory_space<vmem>>[vector<16xi32>, vector<16xi32>], vector<16xf32>,
        %add3A_659 = arith.constant 960 : i32
        %add3A_660 = arith.addi %multiple_of3A, %add3A_659 : i32
        %add3A_661 = arith.constant 0 : i32
        %add3A_662 = arith.addi %add3A_660, %add3A_661 : i32
        %swap3A_663 = arith.index_cast %add3A_662 : i32 to index
        %swap3A_664 = tpu.vector_load %arg9[%swap3A_663] {strides = array<i32>} : memref<32768xf32, #tpu.memory_space<vmem>>, vector<16xf32>,
        tpu.vector_store %arg9[%swap3A_663], %gather3A_658 {strides = array<i32>} : memref<32768xf32, #tpu.memory_space<vmem>>, vector<16xf32>,
        %gather3A_665 = tpu.vector_load_idx %arg5[%gather3A_657, %add3A_10] : memref<7x64xf32, #tpu.memory_space<vmem>>[vector<16xi32>, vector<16xi32>], vector<16xf32>,
        %add3A_666 = arith.constant 960 : i32
        %add3A_667 = arith.addi %multiple_of3A, %add3A_666 : i32
        %add3A_668 = arith.constant 16 : i32
        %add3A_669 = arith.addi %add3A_667, %add3A_668 : i32
        %swap3A_670 = arith.index_cast %add3A_669 : i32 to index
        %swap3A_671 = tpu.vector_load %arg9[%swap3A_670] {strides = array<i32>} : memref<32768xf32, #tpu.memory_space<vmem>>, vector<16xf32>,
        tpu.vector_store %arg9[%swap3A_670], %gather3A_665 {strides = array<i32>} : memref<32768xf32, #tpu.memory_space<vmem>>, vector<16xf32>,
        %gather3A_672 = tpu.vector_load_idx %arg5[%gather3A_657, %add3A_13] : memref<7x64xf32, #tpu.memory_space<vmem>>[vector<16xi32>, vector<16xi32>], vector<16xf32>,
        %add3A_673 = arith.constant 960 : i32
        %add3A_674 = arith.addi %multiple_of3A, %add3A_673 : i32
        %add3A_675 = arith.constant 32 : i32
        %add3A_676 = arith.addi %add3A_674, %add3A_675 : i32
        %swap3A_677 = arith.index_cast %add3A_676 : i32 to index
        %swap3A_678 = tpu.vector_load %arg9[%swap3A_677] {strides = array<i32>} : memref<32768xf32, #tpu.memory_space<vmem>>, vector<16xf32>,
        tpu.vector_store %arg9[%swap3A_677], %gather3A_672 {strides = array<i32>} : memref<32768xf32, #tpu.memory_space<vmem>>, vector<16xf32>,
        %gather3A_679 = tpu.vector_load_idx %arg5[%gather3A_657, %add3A_16] : memref<7x64xf32, #tpu.memory_space<vmem>>[vector<16xi32>, vector<16xi32>], vector<16xf32>,
        %add3A_680 = arith.constant 960 : i32
        %add3A_681 = arith.addi %multiple_of3A, %add3A_680 : i32
        %add3A_682 = arith.constant 48 : i32
        %add3A_683 = arith.addi %add3A_681, %add3A_682 : i32
        %swap3A_684 = arith.index_cast %add3A_683 : i32 to index
        %swap3A_685 = tpu.vector_load %arg9[%swap3A_684] {strides = array<i32>} : memref<32768xf32, #tpu.memory_space<vmem>>, vector<16xf32>,
        tpu.vector_store %arg9[%swap3A_684], %gather3A_679 {strides = array<i32>} : memref<32768xf32, #tpu.memory_space<vmem>>, vector<16xf32>,
        %add3A_686 = arith.constant 16 : i32
        %add3A_687 = vector.broadcast %add3A_686 : i32 to vector<16xi32>
        %add3A_688 = arith.addi %scan3A_184, %add3A_687 : vector<16xi32>
        scf.yield %add3A_688 : vector<16xi32>
      }
      %scan3A_178 = arith.constant 32 : i32
      %mul3A_179 = arith.constant 64 : i32
      %mul3A_180 = arith.muli %add3A_172, %mul3A_179 : i32
      %dma_start3A_181 = tpu.memref_slice %arg4[%mul3A_180] : memref<209715200xf32, #tpu.memory_space<hbm>> -> memref<32768xf32, #tpu.memory_space<hbm>>
      %dma_start3A_182 = tpu.memref_slice %arg4[%mul3A_180] : memref<209715200xf32, #tpu.memory_space<hbm>> -> memref<32768xf32, #tpu.memory_space<hbm>>
      tpu.enqueue_dma source(%arg9 : memref<32768xf32, #tpu.memory_space<vmem>>) target(%dma_start3A_182 : memref<32768xf32, #tpu.memory_space<hbm>>) target_semaphore(%arg11 : memref<!tpu.dma_semaphore, #tpu.memory_space<semaphore_mem>>)
    }
    %scan3A_56 = arith.constant 50 : i32
    %mul3A_57 = arith.constant 64 : i32
    %mul3A_58 = arith.muli %mul3A_4, %mul3A_57 : i32
    %dma_wait3A = tpu.memref_slice %arg4[%mul3A_58] : memref<209715200xf32, #tpu.memory_space<hbm>> -> memref<32768xf32, #tpu.memory_space<hbm>>
    %dma_wait3A_59 = tpu.memref_slice %arg4[%mul3A_58] : memref<209715200xf32, #tpu.memory_space<hbm>> -> memref<32768xf32, #tpu.memory_space<hbm>>
    tpu.wait_dma2 semaphore(%arg10 : memref<!tpu.dma_semaphore, #tpu.memory_space<semaphore_mem>>) src(%arg8 : memref<32768xf32, #tpu.memory_space<vmem>>) dst(%dma_wait3A_59 : memref<32768xf32, #tpu.memory_space<hbm>>)
    %mul3A_60 = arith.constant 64 : i32
    %mul3A_61 = arith.muli %mul3A_4, %mul3A_60 : i32
    %dma_wait3A_62 = tpu.memref_slice %arg4[%mul3A_61] : memref<209715200xf32, #tpu.memory_space<hbm>> -> memref<32768xf32, #tpu.memory_space<hbm>>
    %dma_wait3A_63 = tpu.memref_slice %arg4[%mul3A_61] : memref<209715200xf32, #tpu.memory_space<hbm>> -> memref<32768xf32, #tpu.memory_space<hbm>>
    tpu.wait_dma2 semaphore(%arg11 : memref<!tpu.dma_semaphore, #tpu.memory_space<semaphore_mem>>) src(%arg9 : memref<32768xf32, #tpu.memory_space<vmem>>) dst(%dma_wait3A_63 : memref<32768xf32, #tpu.memory_space<hbm>>)
    return
  }
}

</mosaic_0001>

<sc_bundles>
// kernel: kernel.3.cloned.1.call-start
scs
__scs_entry_jumppad:
0x0: {  	(pc) =	sbr.rel $0x88, $3  }
0x1: {  	(tag) =	ssettag $0x0;
	lr =	simm.s32 $0x1  }
0x2: {  	[smem:$0x3F9F] =	sst lr;
	_ =	strace $0xD0000000  }
0x3: {  	_ = 	snop  }
0x4: {  	_ = 	snop  }
0x5: {  	_ = 	snop  }
0x6: {  	_ = 	snop  }
0x7: {  	_ = 	snop  }
__scs_overlays_trampoline_lowered:
0x8: {  	[smem:$0x3FAE] =	sst s0  }
0x9: {  	[smem:$0x3FAF] =	sst s1  }
0xa: {  	[smem:$0x3FB0] =	sst s2  }
0xb: {  	[smem:$0x3FB1] =	sst s3  }
0xc: {  	[smem:$0x3FB2] =	sst s4  }
0xd: {  	[smem:$0x3FB3] =	sst s5  }
0xe: {  	[smem:$0x3FB4] =	sst s6  }
0xf: {  	[smem:$0x3FB5] =	sst s7  }
0x10: {  	[smem:$0x3FB6] =	sst s8  }
0x11: {  	[smem:$0x3FB7] =	sst s9;
	s0 =	simm.s32 @!p0 $0x0  }
0x12: {  	s1 =	sld [smem:$0x3F9D];
	s0 =	simm.s32 @p0 $0x1  }
0x13: {  	[smem:$0x3FB8] =	sst s0;
	s0 =	simm.s32 @!p1 $0x0  }
0x14: {  	s2 =	sld [smem:$0x3F9C];
	s0 =	simm.s32 @p1 $0x1  }
0x15: {  	[smem:$0x3FB9] =	sst s0;
	s0 =	simm.s32 @!p2 $0x0  }
0x16: {  	s3 =	sld [smem:$0x3FDB];
	s0 =	simm.s32 @p2 $0x1  }
0x17: {  	s4 =	simm.s32 $0x1BF5;
	[smem:$0x3FBB] =	sst s0  }
0x18: {  	s0 =	sld [smem:$0x3F9E];
	_ =	swait.ge [sflag:s4], $0x0  }
0x19: {  	s7 =	sld [smem:$0x3F9F]  }
0x1a: {  	s8 =	sadd.s32 $0xFFFFE003, lr  }
0x1b: {  	s9 =	sadd.s32 $0xFFFFFEF7, lr;
	s5 =	simm.s32 $0xFFFFFFFF;
	p2 =	slt.u32 s8, $0xFFFFF086  }
0x1c: {  	p1 =	slt.u32 s9, $0xF7A;
	s5 =	simm.s32 @!p2 $0x0  }
0x1d: {  	s5 =	simm.s32 @p1 $0x1;
	p0 =	seq.s32 s7, s2  }
0x1e: {  	s7 =	smul.u32 @!p0 $0xF7A, s2;
	p2 =	seq.s32 @!p0 s5, $0x0  }
0x1f: {  	s9 =	smul.u32 $0xF7A, s1;
	s8 =	simm.s32 @!p0 $0x1BF5;
	p2 =	por !p2, p0  }
0x20: {  	[sflag:s8] =	ssyncset.s32 @!p0 $0xFFFFF086;
	s6 =	sadd.s32 @!p0 s3, s7;
	s7 =	simm.s32 @!p0 $0x108  }
0x21: {  	s3 =	sadd.s32 s3, s9;
	s6 =	sadd.s32 @!p0 $0x88, s6;
	s7 =	simm.s32 @p2 $0x1082  }
0x22: {  	[simem:s7], [sflag:s8] =	dma.local @!p0 [hbm:s6], $0xF7A  }
0x23: {  	s9 =	sor.u32 $0xD0000000, s2;
	s6 =	simm.s32 $0x108;
	_ =	swait.ge @!p0 [sflag:s8], $0x0  }
0x24: {  	s3 =	sadd.s32 $0x88, s3;
	s6 =	simm.s32 @!p1 $0x1082;
	[sflag:s4] =	ssyncset.s32 $0xFFFFF086  }
0x25: {  	[simem:s6], [sflag:s4] =	dma.local [hbm:s3], $0xF7A  }
0x26: {  	[smem:$0x3F9F] =	sst s1;
	(tag) =	ssettag s2;
	_ =	strace s9  }
0x27: {  	s1 =	sld [smem:$0x3FAF]  }
0x28: {  	s2 =	sld [smem:$0x3FB0]  }
0x29: {  	s4 =	sld [smem:$0x3FB2]  }
0x2a: {  	p0 =	seq.s32 s5, $0x0;
	s5 =	sld [smem:$0x3FB3]  }
0x2b: {  	s6 =	sld [smem:$0x3FB4]  }
0x2c: {  	s7 =	sld [smem:$0x3FB5]  }
0x2d: {  	s3 =	simm.s32 $0x108;
	s8 =	sld [smem:$0x3FB6]  }
0x2e: {  	s3 =	simm.s32 @!p0 $0x1082;
	s9 =	sld [smem:$0x3FB7]  }
0x2f: {  	lr =	sadd.s32 s0, s3;
	s0 =	sld [smem:$0x3FAE]  }
0x30: {  	s3 =	sld [smem:$0x3FB1]  }
0x31: {  	[smem:$0x3FBA] =	sst s10  }
0x32: {  	s10 =	sld [smem:$0x3FB8];
	_ =	sdelay $0x3  }
0x33: {  	p0 =	seq.s32 s10, $0x1;
	s10 =	sld [smem:$0x3FBA];
	_ =	sdelay $0x3  }
0x34: {  	[smem:$0x3FBA] =	sst s10  }
0x35: {  	s10 =	sld [smem:$0x3FB9];
	_ =	sdelay $0x3  }
0x36: {  	p1 =	seq.s32 s10, $0x1;
	s10 =	sld [smem:$0x3FBA];
	_ =	sdelay $0x3  }
0x37: {  	[smem:$0x3FBA] =	sst s10  }
0x38: {  	s10 =	sld [smem:$0x3FBB]  }
0x39: {  	_ = 	snop;
	(pc) =	sbr.ind lr, $3  }
0x3a: {  	_ = 	snop  }
0x3b: {  	_ = 	snop  }
0x3c: {  	p2 =	seq.s32 s10, $0x1;
	s10 =	sld [smem:$0x3FBA]  }
0x3d: {  	_ =	shalt  }
0x3e: {  	_ =	shalt  }
0x3f: {  	_ =	shalt  }
0x40: {  	_ =	shalt  }
0x41: {  	_ =	shalt  }
0x42: {  	_ =	shalt  }
0x43: {  	_ =	shalt  }
0x44: {  	_ =	shalt  }
0x45: {  	_ =	shalt  }
0x46: {  	_ =	shalt  }
0x47: {  	_ =	shalt  }
0x48: {  	_ =	shalt  }
0x49: {  	_ =	shalt  }
0x4a: {  	_ =	shalt  }
0x4b: {  	_ =	shalt  }
0x4c: {  	_ =	shalt  }
0x4d: {  	_ =	shalt  }
0x4e: {  	_ =	shalt  }
0x4f: {  	_ =	shalt  }
0x50: {  	_ =	shalt  }
0x51: {  	_ =	shalt  }
0x52: {  	_ =	shalt  }
0x53: {  	_ =	shalt  }
0x54: {  	_ =	shalt  }
0x55: {  	_ =	shalt  }
0x56: {  	_ =	shalt  }
0x57: {  	_ =	shalt  }
0x58: {  	_ =	shalt  }
0x59: {  	_ =	shalt  }
0x5a: {  	_ =	shalt  }
0x5b: {  	_ =	shalt  }
0x5c: {  	_ =	shalt  }
0x5d: {  	_ =	shalt  }
0x5e: {  	_ =	shalt  }
0x5f: {  	_ =	shalt  }
0x60: {  	_ =	shalt  }
0x61: {  	_ =	shalt  }
0x62: {  	_ =	shalt  }
0x63: {  	_ =	shalt  }
0x64: {  	_ =	shalt  }
0x65: {  	_ =	shalt  }
0x66: {  	_ =	shalt  }
0x67: {  	_ =	shalt  }
0x68: {  	_ =	shalt  }
0x69: {  	_ =	shalt  }
0x6a: {  	_ =	shalt  }
0x6b: {  	_ =	shalt  }
0x6c: {  	_ =	shalt  }
0x6d: {  	_ =	shalt  }
0x6e: {  	_ =	shalt  }
0x6f: {  	_ =	shalt  }
0x70: {  	_ =	shalt  }
0x71: {  	_ =	shalt  }
0x72: {  	_ =	shalt  }
0x73: {  	_ =	shalt  }
0x74: {  	_ =	shalt  }
0x75: {  	_ =	shalt  }
0x76: {  	_ =	shalt  }
0x77: {  	_ =	shalt  }
0x78: {  	_ =	shalt  }
0x79: {  	_ =	shalt  }
0x7a: {  	_ =	shalt  }
0x7b: {  	_ =	shalt  }
0x7c: {  	_ =	shalt  }
0x7d: {  	_ =	shalt  }
0x7e: {  	_ =	shalt  }
0x7f: {  	_ =	shalt  }
0x80: {  	_ =	shalt  }
0x81: {  	_ =	shalt  }
0x82: {  	_ =	shalt  }
0x83: {  	_ =	shalt  }
0x84: {  	_ =	shalt  }
0x85: {  	_ =	shalt  }
0x86: {  	_ =	shalt  }
0x87: {  	_ =	shalt  }
.Lfunc_end0:
.L_simem_size_0:
called_computation.1_lowered:
.L_overlay_start_0:
0x88: {  	s2 =	sld [smem:$0x3FD9]  }
0x89: {  	s3 =	sld [smem:$0x3FFE];
	_ =	sdelay $0x1  }
0x8a: {  	s1 =	srdreg.scid  }
0x8b: {  	s0 =	sand.u32 $0x1, s1  }
0x8c: {  	s17 =	sshll.u32 s0, $0xA;
	s2 =	sadd.s32 s3, s2  }
0x8d: {  	s2 =	sadd.s32 s2, s17  }
0x8e: {  	[smem:$0x3FC6] =	sst s2  }
0x8f: {  	_ = 	snop  }
0x90: {  	s2 =	sld [smem:$0x3FC8]  }
0x91: {  	s18 =	sld [smem:$0x3FD0];
	(tm) =	ssettm $0x1  }
0x92: {  	s4 =	sld [smem:$0x3FFB];
	_ =	sdelay $0x3  }
0x93: {  	_ =	strace s4  }
0x94: {  	s4 =	sld [smem:$0x3FFC];
	_ =	sdelay $0x3  }
0x95: {  	_ =	strace s4  }
0x96: {  	s4 =	sld [smem:$0x3FFD];
	_ =	sdelay $0x3  }
0x97: {  	_ =	strace s4  }
0x98: {  	_ =	strace $0x8FFFFFFF  }
0x99: {  	s19 =	sld [smem:$0x3FDB];
	_ =	sdelay $0x1  }
0x9a: {  	s5 =	simm.s32 $_scs_section_size  }
0x9b: {  	s6 =	simm.s32 $_size__tile_overlayer_lowered;
	s7 =	simm.s32 $_tile_overlayer_lowered  }
0x9c: {  	s22 =	simm.s32 $0x1BFF;
	s21 =	sshll.u32 s7, $0x1;
	s4 =	sadd.s32 s5, s19  }
0x9d: {  	s8 =	simm.s32 $0x0;
	s20 =	sshll.u32 s6, $0x1;
	s6 =	sadd.s32 s21, s4  }
0x9e: {  	[timem:s8], [sflag:s22] =	dma.local [hbm:s6], s20  }
0x9f: {  	_ =	swait.ge [sflag:s22], s20  }
0xa0: {  	s5 =	ssub.s32 $0x0, s20;
	[sflag:s22] =	ssyncset.done $0x0  }
0xa1: {  	[sflag:s22] =	ssyncadd.s32 s5;
	_ =	sdelay $0x1  }
0xa2: {  	s23 =	simm.s32 $0x1B8B  }
0xa3: {  	_ =	swait.ge [sflag:s23], $0x1  }
0xa4: {  	[sflag:s23] =	ssyncset.done $0x0  }
0xa5: {  	s25 =	simm.s32 $0x1B8E;
	s24 =	sld [smem:$0x3FFE];
	[sflag:s23] =	ssyncadd.s32 $0xFFFFFFFF  }
0xa6: {  	s26 =	simm.s32 $execute0_lowered;
	[smem:$0x3FD2] =	sst s25  }
0xa7: {  	s6 =	sshll.u32 s26, $0x1;
	_ =	strace $0x80000046;
	[dreg:$0x1] =	wrdreg $0xFFFFFFFF  }
0xa8: {  	s28 =	simm.s32 $_size_execute0_lowered;
	s4 =	sadd.s32 s4, s6;
	[dreg:$0x0] =	wrdreg $0x0  }
0xa9: {  	s6 =	sshll.u32 s28, $0x1;
	[dreg:$0x2] =	wrdreg s4  }
0xaa: {  	[dreg:$0x3] =	wrdreg s6  }
0xab: {  	[dreg:$0x4] =	wrdreg $0xC0  }
0xac: {  	_ =	task [dreg:s8], $0x5FFFF  }
0xad: {  	[dreg:$0x1] =	wrdreg $0xFFFFFFFF  }
0xae: {  	[dreg:$0x0] =	wrdreg $0x60  }
0xaf: {  	[dreg:$0x2] =	wrdreg s24  }
0xb0: {  	[dreg:$0x3] =	wrdreg s2  }
0xb1: {  	[dreg:$0x4] =	wrdreg s18  }
0xb2: {  	[dreg:$0x5] =	wrdreg $0x9  }
0xb3: {  	_ =	task.clear_ibuf [dreg:s8], $0x6FFFF;
	_ =	strace $0x90000046  }
0xb4: {  	s29 =	simm.s32 $0x9;
	_ =	strace $0x80000048  }
0xb5: {  	_ =	swait.ge [sflag:s29], $0x1  }
0xb6: {  	[sflag:s29] =	ssyncadd.s32 $0xFFFFFFFF  }
0xb7: {  	_ =	strace $0x90000048  }
0xb8: {  	_ =	sfence  }
0xb9: {  	s30 =	sld [smem:$0x0];
	_ =	sdelay $0x2  }
0xba: {  	s31 =	sshll.u32 s1, $0xD;
	s1 =	sshrl.u32 s1, $0x2  }
0xbb: {  	s3 =	sand.u32 $0x4000, s31;
	s1 =	sadd.s32 s1, s30  }
0xbc: {  	s0 =	sor.u32 s3, s0;
	s1 =	sshll.u32 s1, $0x11  }
0xbd: {  	s0 =	sor.u32 s1, s0  }
0xbe: {  	s0 =	sadd.s32 $0x8F2B, s0  }
0xbf: {  	[sflag:s0] =	ssyncadd.remote.s32 $0x1  }
0xc0: {  	_ =	sfence.sel $0xFFFF  }
0xc1: {  	[dreg:$0x0] =	wrdreg $0xFFFFFFFF;
	(pc) =	sbr.abs _section_cstart, $3  }
0xc2: {  	[dreg:$0x1] =	wrdreg $0xFFFFFFFF  }
0xc3: {  	_ =	task.clear_ibuf [dreg:s8], $0x2FFFF;
	_ =	strace $0x9FFFFFFF  }
0xc4: {  	(tm) =	ssettm $0x7FFFFFFF  }
0xc5: {  	_ =	shalt  }
tec
execute0_lowered:
.L_overlay_start_1:
0x0: {  	(tag) =	ssettag $0x1  }
0x1: {  	s5 =	rddreg [dreg:$0x0]  }
0x2: {  	s2 =	rddreg [dreg:$0x1]  }
0x3: {  	s3 =	rddreg [dreg:$0x2]  }
0x4: {  	s0 =	rddreg [dreg:$0x3]  }
0x5: {  	s6 =	srdreg.scid;
	s1 =	stileid.u32  }
0x6: {  	s4 =	simm.s32 $0x0;
	s12 =	simm.s32 $0x5;
	s13 =	simm.s32 $0x400  }
0x7: {  	s14 =	simm.s32 $0x3;
	s15 =	simm.s32 $0x800;
	s16 =	simm.s32 $0xC00  }
0x8: {  	v0 =	vimm.s32 $0x0;
	v1 =	vimm.s32 $0x7;
	v2 =	vlaneseq.u32;
	s17 =	simm.s32 $0x8C00;
	s18 =	simm.s32 $0x4;
	s19 =	simm.s32 $0x1  }
0x9: {  	v6 =	vimm.s32 $0x1;
	v7 =	vimm.s32 $0x2;
	v8 =	vimm.s32 $0x3;
	s20 =	simm.s32 $0x2;
	s6 =	sand.u32 $0x1, s6;
	s7 =	sshll.u32 s1, $0x1  }
0xa: {  	v9 =	vimm.s32 $0x4;
	v10 =	vimm.s32 $0x5;
	v11 =	vimm.s32 $0x6;
	s21 =	simm.s32 $0x0;
	[smem:$0x7FF] =	sst s4;
	s9 =	sor.u32 s6, s7  }
0xb: {  	v12 =	vimm.s32 $0x8;
	v13 =	vimm.s32 $0x9;
	v14 =	vimm.s32 $0xA;
	s5 =	sadd.s32 $0x800, s5;
	s8 =	ssub.s32 $0x2, s6;
	s7 =	smul.u32 $0x3200, s9  }
0xc: {  	v15 =	vimm.s32 $0xB;
	v16 =	vimm.s32 $0xC;
	v17 =	vimm.s32 $0xD;
	_ =	strace $0x80000047;
	s31 =	sshrl.u32 s8, $0x1;
	s6 =	smul.u32 $0x64, s9  }
0xd: {  	v18 =	vimm.s32 $0xE;
	v19 =	vimm.s32 $0xF;
	v3 =	vor.u32 $0x10, v2;
	s11 =	ssub.s32 s8, s31;
	s8 =	smul.u32 $0xC8000, s9;
	s9 =	sadd.s32 $0x1000, s3  }
0xe: {  	v4 =	vor.u32 $0x20, v2;
	v5 =	vor.u32 $0x30, v2;
	v20 =	vor.u32 $0x200, v2;
	s7 =	sadd.s32 s5, s7;
	s10 =	sor.u32 $0x2, s6;
	s11 =	smax.u32 s11, $0x1  }
.LBB2_1:
0xf: {  	[tilespmem:s4], [sflag:$0x5] =	stream.linear.gather [hbm4b:s2+s4], $0x380, $0x38;
	[tilespmem:$0x10C00] =	vst v63  }
0x10: {  	_ =	swait.ge [sflag:s12], $0x380  }
0x11: {  	[sflag:s12] =	ssyncset.done $0x0  }
0x12: {  	s22 =	simm.s32 $0x0;
	[sflag:s12] =	ssyncadd.s32 $0xFFFFFC80  }
0x13: {  	[tilespmem:s13], [sflag:$0x3] =	stream.linear.gather [hbm4b:s7+s4], $0x400, $0x38;
	[tilespmem:$0x10C00] =	vst v63  }
.LBB2_2:
0x14: {  	s23 =	sshllo.u32 s22, $0x1  }
0x15: {  	s24 =	sadd.s32 s6, s23  }
0x16: {  	_ =	swait.ge [sflag:s14], $0x400;
	s24 =	sshll.u32 s24, $0x7  }
0x17: {  	p0 =	seq.s32 s22, $0x0;
	[sflag:s14] =	ssyncset.done $0x0;
	s24 =	sand.u32 $0x1FFFFF80, s24  }
0x18: {  	s25 =	simm.s32 @!p0 $0x1;
	[sflag:s14] =	ssyncadd.s32 $0xFFFFFC00;
	s24 =	sadd.s32 s5, s24  }
0x19: {  	[tilespmem:s15], [sflag:$0x4] =	stream.linear.gather [hbm4b:s24+s4], $0x400, $0x38;
	[tilespmem:$0x10C00] =	vst v63  }
0x1a: {  	_ =	swait.ge @!p0 [sflag:s25], $0x8000  }
0x1b: {  	[sflag:s25] =	ssyncset.done @!p0 $0x0  }
0x1c: {  	v21 =	vlaneseq.u32;
	s24 =	sshll.u32 s22, $0x1;
	[sflag:s25] =	ssyncadd.s32 @!p0 $0xFFFF8000;
	s25 =	simm.s32 $0x0  }
.LBB2_3:
0x1d: {  	_ =	sdelay $0x3  }
0x1e: {  	v22 =	vld.idx.msk [tilespmem:v21+s13+$0x0], $0xffff;
	_ =	sdelay $0x4  }
0x1f: {  	v23 =	vperm.xlane v22, v0;
	_ =	sdelay $0x1  }
0x20: {  	v23 =	vshll.u32 v23, $0x7  }
0x21: {  	v24 =	vor.u32 v2, v23;
	_ =	sdelay $0x4  }
0x22: {  	v24 =	vld.idx.msk [tilespmem:v24+s4+$0x0], $0xffff  }
0x23: {  	v25 =	vor.u32 v3, v23;
	_ =	sdelay $0x2  }
0x24: {  	s26 =	sshra.s32 s25, $0x2  }
0x25: {  	[tilespmem:s26+$0xC00] =	vst v24  }
0x26: {  	v24 =	vld.idx.msk [tilespmem:v25+s4+$0x0], $0xffff  }
0x27: {  	v40 =	vor.u32 v4, v23;
	_ =	sdelay $0x3  }
0x28: {  	[tilespmem:s26+$0xC10] =	vst v24  }
0x29: {  	v24 =	vld.idx.msk [tilespmem:v40+s4+$0x0], $0xffff  }
0x2a: {  	v23 =	vor.u32 v5, v23;
	_ =	sdelay $0x2  }
0x2b: {  	v41 =	vperm.xlane v22, v6  }
0x2c: {  	[tilespmem:s26+$0xC20] =	vst v24  }
0x2d: {  	v42 =	vshll.u32 v41, $0x7;
	v23 =	vld.idx.msk [tilespmem:v23+s4+$0x0], $0xffff  }
0x2e: {  	v25 =	vor.u32 v2, v42;
	_ =	sdelay $0x3  }
0x2f: {  	[tilespmem:s26+$0xC30] =	vst v23  }
0x30: {  	v23 =	vld.idx.msk [tilespmem:v25+s4+$0x0], $0xffff  }
0x31: {  	v43 =	vor.u32 v3, v42;
	_ =	sdelay $0x3  }
0x32: {  	[tilespmem:s26+$0xC40] =	vst v23  }
0x33: {  	v23 =	vld.idx.msk [tilespmem:v43+s4+$0x0], $0xffff  }
0x34: {  	v44 =	vor.u32 v4, v42;
	_ =	sdelay $0x3  }
0x35: {  	[tilespmem:s26+$0xC50] =	vst v23  }
0x36: {  	v23 =	vld.idx.msk [tilespmem:v44+s4+$0x0], $0xffff  }
0x37: {  	v24 =	vor.u32 v5, v42;
	_ =	sdelay $0x2  }
0x38: {  	v45 =	vperm.xlane v22, v7  }
0x39: {  	[tilespmem:s26+$0xC60] =	vst v23  }
0x3a: {  	v46 =	vshll.u32 v45, $0x7;
	v23 =	vld.idx.msk [tilespmem:v24+s4+$0x0], $0xffff  }
0x3b: {  	v25 =	vor.u32 v2, v46;
	_ =	sdelay $0x3  }
0x3c: {  	[tilespmem:s26+$0xC70] =	vst v23  }
0x3d: {  	v23 =	vld.idx.msk [tilespmem:v25+s4+$0x0], $0xffff  }
0x3e: {  	v47 =	vor.u32 v3, v46;
	_ =	sdelay $0x3  }
0x3f: {  	[tilespmem:s26+$0xC80] =	vst v23  }
0x40: {  	v23 =	vld.idx.msk [tilespmem:v47+s4+$0x0], $0xffff  }
0x41: {  	v48 =	vor.u32 v4, v46;
	_ =	sdelay $0x3  }
0x42: {  	[tilespmem:s26+$0xC90] =	vst v23  }
0x43: {  	v23 =	vld.idx.msk [tilespmem:v48+s4+$0x0], $0xffff  }
0x44: {  	v24 =	vor.u32 v5, v46;
	_ =	sdelay $0x2  }
0x45: {  	v49 =	vperm.xlane v22, v8  }
0x46: {  	[tilespmem:s26+$0xCA0] =	vst v23  }
0x47: {  	v50 =	vshll.u32 v49, $0x7;
	v23 =	vld.idx.msk [tilespmem:v24+s4+$0x0], $0xffff  }
0x48: {  	v25 =	vor.u32 v2, v50;
	_ =	sdelay $0x3  }
0x49: {  	[tilespmem:s26+$0xCB0] =	vst v23  }
0x4a: {  	v23 =	vld.idx.msk [tilespmem:v25+s4+$0x0], $0xffff  }
0x4b: {  	v51 =	vor.u32 v3, v50;
	_ =	sdelay $0x3  }
0x4c: {  	[tilespmem:s26+$0xCC0] =	vst v23  }
0x4d: {  	v23 =	vld.idx.msk [tilespmem:v51+s4+$0x0], $0xffff  }
0x4e: {  	v52 =	vor.u32 v4, v50;
	_ =	sdelay $0x3  }
0x4f: {  	[tilespmem:s26+$0xCD0] =	vst v23  }
0x50: {  	v23 =	vld.idx.msk [tilespmem:v52+s4+$0x0], $0xffff  }
0x51: {  	v24 =	vor.u32 v5, v50;
	_ =	sdelay $0x2  }
0x52: {  	v53 =	vperm.xlane v22, v9  }
0x53: {  	[tilespmem:s26+$0xCE0] =	vst v23  }
0x54: {  	v54 =	vshll.u32 v53, $0x7;
	v23 =	vld.idx.msk [tilespmem:v24+s4+$0x0], $0xffff  }
0x55: {  	v25 =	vor.u32 v2, v54;
	_ =	sdelay $0x3  }
0x56: {  	[tilespmem:s26+$0xCF0] =	vst v23  }
0x57: {  	v23 =	vld.idx.msk [tilespmem:v25+s4+$0x0], $0xffff  }
0x58: {  	v55 =	vor.u32 v3, v54;
	_ =	sdelay $0x3  }
0x59: {  	[tilespmem:s26+$0xD00] =	vst v23  }
0x5a: {  	v23 =	vld.idx.msk [tilespmem:v55+s4+$0x0], $0xffff  }
0x5b: {  	v56 =	vor.u32 v4, v54;
	_ =	sdelay $0x3  }
0x5c: {  	[tilespmem:s26+$0xD10] =	vst v23  }
0x5d: {  	v23 =	vld.idx.msk [tilespmem:v56+s4+$0x0], $0xffff  }
0x5e: {  	v24 =	vor.u32 v5, v54;
	_ =	sdelay $0x2  }
0x5f: {  	v57 =	vperm.xlane v22, v10  }
0x60: {  	[tilespmem:s26+$0xD20] =	vst v23  }
0x61: {  	v58 =	vshll.u32 v57, $0x7;
	v23 =	vld.idx.msk [tilespmem:v24+s4+$0x0], $0xffff  }
0x62: {  	v25 =	vor.u32 v2, v58;
	_ =	sdelay $0x3  }
0x63: {  	[tilespmem:s26+$0xD30] =	vst v23  }
0x64: {  	v23 =	vld.idx.msk [tilespmem:v25+s4+$0x0], $0xffff  }
0x65: {  	v59 =	vor.u32 v3, v58;
	_ =	sdelay $0x3  }
0x66: {  	[tilespmem:s26+$0xD40] =	vst v23  }
0x67: {  	v23 =	vld.idx.msk [tilespmem:v59+s4+$0x0], $0xffff  }
0x68: {  	v60 =	vor.u32 v4, v58;
	_ =	sdelay $0x3  }
0x69: {  	[tilespmem:s26+$0xD50] =	vst v23  }
0x6a: {  	v23 =	vld.idx.msk [tilespmem:v60+s4+$0x0], $0xffff  }
0x6b: {  	v24 =	vor.u32 v5, v58;
	_ =	sdelay $0x2  }
0x6c: {  	v61 =	vperm.xlane v22, v11  }
0x6d: {  	[tilespmem:s26+$0xD60] =	vst v23  }
0x6e: {  	v62 =	vshll.u32 v61, $0x7;
	v23 =	vld.idx.msk [tilespmem:v24+s4+$0x0], $0xffff  }
0x6f: {  	v25 =	vor.u32 v2, v62;
	_ =	sdelay $0x3  }
0x70: {  	[tilespmem:s26+$0xD70] =	vst v23  }
0x71: {  	v23 =	vld.idx.msk [tilespmem:v25+s4+$0x0], $0xffff  }
0x72: {  	v63 =	vor.u32 v3, v62;
	_ =	sdelay $0x3  }
0x73: {  	[tilespmem:s26+$0xD80] =	vst v23  }
0x74: {  	v23 =	vld.idx.msk [tilespmem:v63+s4+$0x0], $0xffff  }
0x75: {  	v28 =	vor.u32 v4, v62;
	_ =	sdelay $0x3  }
0x76: {  	[tilespmem:s26+$0xD90] =	vst v23  }
0x77: {  	v23 =	vld.idx.msk [tilespmem:v28+s4+$0x0], $0xffff  }
0x78: {  	v24 =	vor.u32 v5, v62;
	_ =	sdelay $0x2  }
0x79: {  	v29 =	vperm.xlane v22, v1  }
0x7a: {  	[tilespmem:s26+$0xDA0] =	vst v23  }
0x7b: {  	v30 =	vshll.u32 v29, $0x7;
	v23 =	vld.idx.msk [tilespmem:v24+s4+$0x0], $0xffff  }
0x7c: {  	v25 =	vor.u32 v2, v30;
	_ =	sdelay $0x3  }
0x7d: {  	[tilespmem:s26+$0xDB0] =	vst v23  }
0x7e: {  	v23 =	vld.idx.msk [tilespmem:v25+s4+$0x0], $0xffff  }
0x7f: {  	v31 =	vor.u32 v3, v30;
	_ =	sdelay $0x3  }
0x80: {  	[tilespmem:s26+$0xDC0] =	vst v23  }
0x81: {  	v23 =	vld.idx.msk [tilespmem:v31+s4+$0x0], $0xffff  }
0x82: {  	v32 =	vor.u32 v4, v30;
	_ =	sdelay $0x3  }
0x83: {  	[tilespmem:s26+$0xDD0] =	vst v23  }
0x84: {  	v23 =	vld.idx.msk [tilespmem:v32+s4+$0x0], $0xffff  }
0x85: {  	v24 =	vor.u32 v5, v30;
	_ =	sdelay $0x2  }
0x86: {  	v33 =	vperm.xlane v22, v12  }
0x87: {  	[tilespmem:s26+$0xDE0] =	vst v23  }
0x88: {  	v34 =	vshll.u32 v33, $0x7;
	v23 =	vld.idx.msk [tilespmem:v24+s4+$0x0], $0xffff  }
0x89: {  	v25 =	vor.u32 v2, v34;
	_ =	sdelay $0x3  }
0x8a: {  	[tilespmem:s26+$0xDF0] =	vst v23  }
0x8b: {  	v23 =	vld.idx.msk [tilespmem:v25+s4+$0x0], $0xffff  }
0x8c: {  	v35 =	vor.u32 v3, v34;
	_ =	sdelay $0x3  }
0x8d: {  	[tilespmem:s26+$0xE00] =	vst v23  }
0x8e: {  	v23 =	vld.idx.msk [tilespmem:v35+s4+$0x0], $0xffff  }
0x8f: {  	v36 =	vor.u32 v4, v34;
	_ =	sdelay $0x3  }
0x90: {  	[tilespmem:s26+$0xE10] =	vst v23  }
0x91: {  	v23 =	vld.idx.msk [tilespmem:v36+s4+$0x0], $0xffff  }
0x92: {  	v24 =	vor.u32 v5, v34;
	_ =	sdelay $0x2  }
0x93: {  	v37 =	vperm.xlane v22, v13  }
0x94: {  	[tilespmem:s26+$0xE20] =	vst v23  }
0x95: {  	v38 =	vshll.u32 v37, $0x7;
	v23 =	vld.idx.msk [tilespmem:v24+s4+$0x0], $0xffff  }
0x96: {  	v25 =	vor.u32 v2, v38;
	_ =	sdelay $0x3  }
0x97: {  	[tilespmem:s26+$0xE30] =	vst v23  }
0x98: {  	v23 =	vld.idx.msk [tilespmem:v25+s4+$0x0], $0xffff  }
0x99: {  	v39 =	vor.u32 v3, v38;
	_ =	sdelay $0x3  }
0x9a: {  	[tilespmem:s26+$0xE40] =	vst v23  }
0x9b: {  	v23 =	vld.idx.msk [tilespmem:v39+s4+$0x0], $0xffff  }
0x9c: {  	v40 =	vor.u32 v4, v38;
	_ =	sdelay $0x3  }
0x9d: {  	[tilespmem:s26+$0xE50] =	vst v23  }
0x9e: {  	v23 =	vld.idx.msk [tilespmem:v40+s4+$0x0], $0xffff  }
0x9f: {  	v24 =	vor.u32 v5, v38;
	_ =	sdelay $0x2  }
0xa0: {  	v41 =	vperm.xlane v22, v14  }
0xa1: {  	[tilespmem:s26+$0xE60] =	vst v23  }
0xa2: {  	v42 =	vshll.u32 v41, $0x7;
	v23 =	vld.idx.msk [tilespmem:v24+s4+$0x0], $0xffff  }
0xa3: {  	v25 =	vor.u32 v2, v42;
	_ =	sdelay $0x3  }
0xa4: {  	[tilespmem:s26+$0xE70] =	vst v23  }
0xa5: {  	v23 =	vld.idx.msk [tilespmem:v25+s4+$0x0], $0xffff  }
0xa6: {  	v43 =	vor.u32 v3, v42;
	_ =	sdelay $0x3  }
0xa7: {  	[tilespmem:s26+$0xE80] =	vst v23  }
0xa8: {  	v23 =	vld.idx.msk [tilespmem:v43+s4+$0x0], $0xffff  }
0xa9: {  	v44 =	vor.u32 v4, v42;
	_ =	sdelay $0x3  }
0xaa: {  	[tilespmem:s26+$0xE90] =	vst v23  }
0xab: {  	v23 =	vld.idx.msk [tilespmem:v44+s4+$0x0], $0xffff  }
0xac: {  	v24 =	vor.u32 v5, v42;
	_ =	sdelay $0x2  }
0xad: {  	v45 =	vperm.xlane v22, v15  }
0xae: {  	[tilespmem:s26+$0xEA0] =	vst v23  }
0xaf: {  	v46 =	vshll.u32 v45, $0x7;
	v23 =	vld.idx.msk [tilespmem:v24+s4+$0x0], $0xffff  }
0xb0: {  	v25 =	vor.u32 v2, v46;
	_ =	sdelay $0x3  }
0xb1: {  	[tilespmem:s26+$0xEB0] =	vst v23  }
0xb2: {  	v23 =	vld.idx.msk [tilespmem:v25+s4+$0x0], $0xffff  }
0xb3: {  	v47 =	vor.u32 v3, v46;
	_ =	sdelay $0x3  }
0xb4: {  	[tilespmem:s26+$0xEC0] =	vst v23  }
0xb5: {  	v23 =	vld.idx.msk [tilespmem:v47+s4+$0x0], $0xffff  }
0xb6: {  	v48 =	vor.u32 v4, v46;
	_ =	sdelay $0x3  }
0xb7: {  	[tilespmem:s26+$0xED0] =	vst v23  }
0xb8: {  	v23 =	vld.idx.msk [tilespmem:v48+s4+$0x0], $0xffff  }
0xb9: {  	v24 =	vor.u32 v5, v46;
	_ =	sdelay $0x2  }
0xba: {  	v49 =	vperm.xlane v22, v16  }
0xbb: {  	[tilespmem:s26+$0xEE0] =	vst v23  }
0xbc: {  	v50 =	vshll.u32 v49, $0x7;
	v23 =	vld.idx.msk [tilespmem:v24+s4+$0x0], $0xffff  }
0xbd: {  	v25 =	vor.u32 v2, v50;
	_ =	sdelay $0x3  }
0xbe: {  	[tilespmem:s26+$0xEF0] =	vst v23  }
0xbf: {  	v23 =	vld.idx.msk [tilespmem:v25+s4+$0x0], $0xffff  }
0xc0: {  	v51 =	vor.u32 v3, v50;
	_ =	sdelay $0x3  }
0xc1: {  	[tilespmem:s26+$0xF00] =	vst v23  }
0xc2: {  	v23 =	vld.idx.msk [tilespmem:v51+s4+$0x0], $0xffff  }
0xc3: {  	v52 =	vor.u32 v4, v50;
	_ =	sdelay $0x3  }
0xc4: {  	[tilespmem:s26+$0xF10] =	vst v23  }
0xc5: {  	v23 =	vld.idx.msk [tilespmem:v52+s4+$0x0], $0xffff  }
0xc6: {  	v24 =	vor.u32 v5, v50;
	_ =	sdelay $0x2  }
0xc7: {  	v53 =	vperm.xlane v22, v17  }
0xc8: {  	[tilespmem:s26+$0xF20] =	vst v23  }
0xc9: {  	v54 =	vshll.u32 v53, $0x7;
	v23 =	vld.idx.msk [tilespmem:v24+s4+$0x0], $0xffff  }
0xca: {  	v25 =	vor.u32 v2, v54;
	_ =	sdelay $0x3  }
0xcb: {  	[tilespmem:s26+$0xF30] =	vst v23  }
0xcc: {  	v23 =	vld.idx.msk [tilespmem:v25+s4+$0x0], $0xffff  }
0xcd: {  	v55 =	vor.u32 v3, v54;
	_ =	sdelay $0x3  }
0xce: {  	[tilespmem:s26+$0xF40] =	vst v23  }
0xcf: {  	v23 =	vld.idx.msk [tilespmem:v55+s4+$0x0], $0xffff  }
0xd0: {  	v56 =	vor.u32 v4, v54;
	_ =	sdelay $0x3  }
0xd1: {  	[tilespmem:s26+$0xF50] =	vst v23  }
0xd2: {  	v23 =	vld.idx.msk [tilespmem:v56+s4+$0x0], $0xffff  }
0xd3: {  	v24 =	vor.u32 v5, v54;
	_ =	sdelay $0x2  }
0xd4: {  	v57 =	vperm.xlane v22, v18  }
0xd5: {  	[tilespmem:s26+$0xF60] =	vst v23  }
0xd6: {  	v58 =	vshll.u32 v57, $0x7;
	v23 =	vld.idx.msk [tilespmem:v24+s4+$0x0], $0xffff  }
0xd7: {  	v25 =	vor.u32 v2, v58;
	_ =	sdelay $0x3  }
0xd8: {  	[tilespmem:s26+$0xF70] =	vst v23  }
0xd9: {  	v23 =	vld.idx.msk [tilespmem:v25+s4+$0x0], $0xffff  }
0xda: {  	v59 =	vor.u32 v3, v58;
	_ =	sdelay $0x3  }
0xdb: {  	[tilespmem:s26+$0xF80] =	vst v23  }
0xdc: {  	v23 =	vld.idx.msk [tilespmem:v59+s4+$0x0], $0xffff  }
0xdd: {  	v60 =	vor.u32 v4, v58;
	_ =	sdelay $0x3  }
0xde: {  	[tilespmem:s26+$0xF90] =	vst v23  }
0xdf: {  	v23 =	vld.idx.msk [tilespmem:v60+s4+$0x0], $0xffff  }
0xe0: {  	v24 =	vor.u32 v5, v58;
	_ =	sdelay $0x2  }
0xe1: {  	v22 =	vperm.xlane v22, v19  }
0xe2: {  	[tilespmem:s26+$0xFA0] =	vst v23  }
0xe3: {  	v22 =	vshll.u32 v22, $0x7;
	v23 =	vld.idx.msk [tilespmem:v24+s4+$0x0], $0xffff  }
0xe4: {  	v61 =	vor.u32 v2, v22;
	_ =	sdelay $0x3  }
0xe5: {  	[tilespmem:s26+$0xFB0] =	vst v23  }
0xe6: {  	v23 =	vld.idx.msk [tilespmem:v61+s4+$0x0], $0xffff  }
0xe7: {  	v62 =	vor.u32 v3, v22;
	_ =	sdelay $0x3  }
0xe8: {  	[tilespmem:s26+$0xFC0] =	vst v23  }
0xe9: {  	v23 =	vld.idx.msk [tilespmem:v62+s4+$0x0], $0xffff  }
0xea: {  	v63 =	vor.u32 v4, v22;
	_ =	sdelay $0x3  }
0xeb: {  	[tilespmem:s26+$0xFD0] =	vst v23  }
0xec: {  	v23 =	vld.idx.msk [tilespmem:v63+s4+$0x0], $0xffff  }
0xed: {  	v22 =	vor.u32 v5, v22;
	_ =	sdelay $0x3  }
0xee: {  	[tilespmem:s26+$0xFE0] =	vst v23  }
0xef: {  	p1 =	sne.s32 s25, $0x1F000;
	v22 =	vld.idx.msk [tilespmem:v22+s4+$0x0], $0xffff  }
.Ltmp0:
0xf0: {  	_ = 	snop;
	(pc) =	sbr.rel @p1 .LBB2_3-.Ltmp0, $2  }
0xf1: {  	_ =	sdelay $0x2  }
0xf2: {  	v21 =	vadd.s32 $0x10, v21;
	s25 =	sadd.s32 $0x1000, s25;
	[tilespmem:s26+$0xFF0] =	vst v22  }
0xf3: {  	s25 =	sshll.u32 s22, $0xE  }
0xf4: {  	s25 =	sadd.s32 s8, s25  }
0xf5: {  	s26 =	sadd.s32 s3, s25  }
0xf6: {  	[hbm4b:s26+s4] =	stream.linear.scatter [tilespmem:s16], [sflag:$0x1], $0x8000, $0x38;
	[tilespmem:$0x10C00] =	vst v63  }
0xf7: {  	s26 =	simm.s32 @!p0 $0x2  }
0xf8: {  	_ =	swait.ge @!p0 [sflag:s26], $0x8000  }
0xf9: {  	[sflag:s26] =	ssyncset.done @!p0 $0x0  }
0xfa: {  	v21 =	vmov v20;
	[sflag:s26] =	ssyncadd.s32 @!p0 $0xFFFF8000;
	s26 =	simm.s32 $0x0  }
.LBB2_5:
0xfb: {  	_ =	sdelay $0x3  }
0xfc: {  	v22 =	vld.idx.msk [tilespmem:v21+s13+$0x0], $0xffff;
	_ =	sdelay $0x4  }
0xfd: {  	v23 =	vperm.xlane v22, v0;
	_ =	sdelay $0x1  }
0xfe: {  	v23 =	vshll.u32 v23, $0x7  }
0xff: {  	v24 =	vor.u32 v2, v23;
	_ =	sdelay $0x4  }
0x100: {  	v24 =	vld.idx.msk [tilespmem:v24+s4+$0x0], $0xffff  }
0x101: {  	v25 =	vor.u32 v3, v23;
	_ =	sdelay $0x2  }
0x102: {  	s28 =	sshra.s32 s26, $0x2  }
0x103: {  	[tilespmem:s28+$0x8C00] =	vst v24  }
0x104: {  	v24 =	vld.idx.msk [tilespmem:v25+s4+$0x0], $0xffff  }
0x105: {  	v40 =	vor.u32 v4, v23;
	_ =	sdelay $0x3  }
0x106: {  	[tilespmem:s28+$0x8C10] =	vst v24  }
0x107: {  	v24 =	vld.idx.msk [tilespmem:v40+s4+$0x0], $0xffff  }
0x108: {  	v23 =	vor.u32 v5, v23;
	_ =	sdelay $0x2  }
0x109: {  	v41 =	vperm.xlane v22, v6  }
0x10a: {  	[tilespmem:s28+$0x8C20] =	vst v24  }
0x10b: {  	v42 =	vshll.u32 v41, $0x7;
	v23 =	vld.idx.msk [tilespmem:v23+s4+$0x0], $0xffff  }
0x10c: {  	v25 =	vor.u32 v2, v42;
	_ =	sdelay $0x3  }
0x10d: {  	[tilespmem:s28+$0x8C30] =	vst v23  }
0x10e: {  	v23 =	vld.idx.msk [tilespmem:v25+s4+$0x0], $0xffff  }
0x10f: {  	v43 =	vor.u32 v3, v42;
	_ =	sdelay $0x3  }
0x110: {  	[tilespmem:s28+$0x8C40] =	vst v23  }
0x111: {  	v23 =	vld.idx.msk [tilespmem:v43+s4+$0x0], $0xffff  }
0x112: {  	v44 =	vor.u32 v4, v42;
	_ =	sdelay $0x3  }
0x113: {  	[tilespmem:s28+$0x8C50] =	vst v23  }
0x114: {  	v23 =	vld.idx.msk [tilespmem:v44+s4+$0x0], $0xffff  }
0x115: {  	v24 =	vor.u32 v5, v42;
	_ =	sdelay $0x2  }
0x116: {  	v45 =	vperm.xlane v22, v7  }
0x117: {  	[tilespmem:s28+$0x8C60] =	vst v23  }
0x118: {  	v46 =	vshll.u32 v45, $0x7;
	v23 =	vld.idx.msk [tilespmem:v24+s4+$0x0], $0xffff  }
0x119: {  	v25 =	vor.u32 v2, v46;
	_ =	sdelay $0x3  }
0x11a: {  	[tilespmem:s28+$0x8C70] =	vst v23  }
0x11b: {  	v23 =	vld.idx.msk [tilespmem:v25+s4+$0x0], $0xffff  }
0x11c: {  	v47 =	vor.u32 v3, v46;
	_ =	sdelay $0x3  }
0x11d: {  	[tilespmem:s28+$0x8C80] =	vst v23  }
0x11e: {  	v23 =	vld.idx.msk [tilespmem:v47+s4+$0x0], $0xffff  }
0x11f: {  	v48 =	vor.u32 v4, v46;
	_ =	sdelay $0x3  }
0x120: {  	[tilespmem:s28+$0x8C90] =	vst v23  }
0x121: {  	v23 =	vld.idx.msk [tilespmem:v48+s4+$0x0], $0xffff  }
0x122: {  	v24 =	vor.u32 v5, v46;
	_ =	sdelay $0x2  }
0x123: {  	v49 =	vperm.xlane v22, v8  }
0x124: {  	[tilespmem:s28+$0x8CA0] =	vst v23  }
0x125: {  	v50 =	vshll.u32 v49, $0x7;
	v23 =	vld.idx.msk [tilespmem:v24+s4+$0x0], $0xffff  }
0x126: {  	v25 =	vor.u32 v2, v50;
	_ =	sdelay $0x3  }
0x127: {  	[tilespmem:s28+$0x8CB0] =	vst v23  }
0x128: {  	v23 =	vld.idx.msk [tilespmem:v25+s4+$0x0], $0xffff  }
0x129: {  	v51 =	vor.u32 v3, v50;
	_ =	sdelay $0x3  }
0x12a: {  	[tilespmem:s28+$0x8CC0] =	vst v23  }
0x12b: {  	v23 =	vld.idx.msk [tilespmem:v51+s4+$0x0], $0xffff  }
0x12c: {  	v52 =	vor.u32 v4, v50;
	_ =	sdelay $0x3  }
0x12d: {  	[tilespmem:s28+$0x8CD0] =	vst v23  }
0x12e: {  	v23 =	vld.idx.msk [tilespmem:v52+s4+$0x0], $0xffff  }
0x12f: {  	v24 =	vor.u32 v5, v50;
	_ =	sdelay $0x2  }
0x130: {  	v53 =	vperm.xlane v22, v9  }
0x131: {  	[tilespmem:s28+$0x8CE0] =	vst v23  }
0x132: {  	v54 =	vshll.u32 v53, $0x7;
	v23 =	vld.idx.msk [tilespmem:v24+s4+$0x0], $0xffff  }
0x133: {  	v25 =	vor.u32 v2, v54;
	_ =	sdelay $0x3  }
0x134: {  	[tilespmem:s28+$0x8CF0] =	vst v23  }
0x135: {  	v23 =	vld.idx.msk [tilespmem:v25+s4+$0x0], $0xffff  }
0x136: {  	v55 =	vor.u32 v3, v54;
	_ =	sdelay $0x3  }
0x137: {  	[tilespmem:s28+$0x8D00] =	vst v23  }
0x138: {  	v23 =	vld.idx.msk [tilespmem:v55+s4+$0x0], $0xffff  }
0x139: {  	v56 =	vor.u32 v4, v54;
	_ =	sdelay $0x3  }
0x13a: {  	[tilespmem:s28+$0x8D10] =	vst v23  }
0x13b: {  	v23 =	vld.idx.msk [tilespmem:v56+s4+$0x0], $0xffff  }
0x13c: {  	v24 =	vor.u32 v5, v54;
	_ =	sdelay $0x2  }
0x13d: {  	v57 =	vperm.xlane v22, v10  }
0x13e: {  	[tilespmem:s28+$0x8D20] =	vst v23  }
0x13f: {  	v58 =	vshll.u32 v57, $0x7;
	v23 =	vld.idx.msk [tilespmem:v24+s4+$0x0], $0xffff  }
0x140: {  	v25 =	vor.u32 v2, v58;
	_ =	sdelay $0x3  }
0x141: {  	[tilespmem:s28+$0x8D30] =	vst v23  }
0x142: {  	v23 =	vld.idx.msk [tilespmem:v25+s4+$0x0], $0xffff  }
0x143: {  	v59 =	vor.u32 v3, v58;
	_ =	sdelay $0x3  }
0x144: {  	[tilespmem:s28+$0x8D40] =	vst v23  }
0x145: {  	v23 =	vld.idx.msk [tilespmem:v59+s4+$0x0], $0xffff  }
0x146: {  	v60 =	vor.u32 v4, v58;
	_ =	sdelay $0x3  }
0x147: {  	[tilespmem:s28+$0x8D50] =	vst v23  }
0x148: {  	v23 =	vld.idx.msk [tilespmem:v60+s4+$0x0], $0xffff  }
0x149: {  	v24 =	vor.u32 v5, v58;
	_ =	sdelay $0x2  }
0x14a: {  	v61 =	vperm.xlane v22, v11  }
0x14b: {  	[tilespmem:s28+$0x8D60] =	vst v23  }
0x14c: {  	v62 =	vshll.u32 v61, $0x7;
	v23 =	vld.idx.msk [tilespmem:v24+s4+$0x0], $0xffff  }
0x14d: {  	v25 =	vor.u32 v2, v62;
	_ =	sdelay $0x3  }
0x14e: {  	[tilespmem:s28+$0x8D70] =	vst v23  }
0x14f: {  	v23 =	vld.idx.msk [tilespmem:v25+s4+$0x0], $0xffff  }
0x150: {  	v63 =	vor.u32 v3, v62;
	_ =	sdelay $0x3  }
0x151: {  	[tilespmem:s28+$0x8D80] =	vst v23  }
0x152: {  	v23 =	vld.idx.msk [tilespmem:v63+s4+$0x0], $0xffff  }
0x153: {  	v28 =	vor.u32 v4, v62;
	_ =	sdelay $0x3  }
0x154: {  	[tilespmem:s28+$0x8D90] =	vst v23  }
0x155: {  	v23 =	vld.idx.msk [tilespmem:v28+s4+$0x0], $0xffff  }
0x156: {  	v24 =	vor.u32 v5, v62;
	_ =	sdelay $0x2  }
0x157: {  	v29 =	vperm.xlane v22, v1  }
0x158: {  	[tilespmem:s28+$0x8DA0] =	vst v23  }
0x159: {  	v30 =	vshll.u32 v29, $0x7;
	v23 =	vld.idx.msk [tilespmem:v24+s4+$0x0], $0xffff  }
0x15a: {  	v25 =	vor.u32 v2, v30;
	_ =	sdelay $0x3  }
0x15b: {  	[tilespmem:s28+$0x8DB0] =	vst v23  }
0x15c: {  	v23 =	vld.idx.msk [tilespmem:v25+s4+$0x0], $0xffff  }
0x15d: {  	v31 =	vor.u32 v3, v30;
	_ =	sdelay $0x3  }
0x15e: {  	[tilespmem:s28+$0x8DC0] =	vst v23  }
0x15f: {  	v23 =	vld.idx.msk [tilespmem:v31+s4+$0x0], $0xffff  }
0x160: {  	v32 =	vor.u32 v4, v30;
	_ =	sdelay $0x3  }
0x161: {  	[tilespmem:s28+$0x8DD0] =	vst v23  }
0x162: {  	v23 =	vld.idx.msk [tilespmem:v32+s4+$0x0], $0xffff  }
0x163: {  	v24 =	vor.u32 v5, v30;
	_ =	sdelay $0x2  }
0x164: {  	v33 =	vperm.xlane v22, v12  }
0x165: {  	[tilespmem:s28+$0x8DE0] =	vst v23  }
0x166: {  	v34 =	vshll.u32 v33, $0x7;
	v23 =	vld.idx.msk [tilespmem:v24+s4+$0x0], $0xffff  }
0x167: {  	v25 =	vor.u32 v2, v34;
	_ =	sdelay $0x3  }
0x168: {  	[tilespmem:s28+$0x8DF0] =	vst v23  }
0x169: {  	v23 =	vld.idx.msk [tilespmem:v25+s4+$0x0], $0xffff  }
0x16a: {  	v35 =	vor.u32 v3, v34;
	_ =	sdelay $0x3  }
0x16b: {  	[tilespmem:s28+$0x8E00] =	vst v23  }
0x16c: {  	v23 =	vld.idx.msk [tilespmem:v35+s4+$0x0], $0xffff  }
0x16d: {  	v36 =	vor.u32 v4, v34;
	_ =	sdelay $0x3  }
0x16e: {  	[tilespmem:s28+$0x8E10] =	vst v23  }
0x16f: {  	v23 =	vld.idx.msk [tilespmem:v36+s4+$0x0], $0xffff  }
0x170: {  	v24 =	vor.u32 v5, v34;
	_ =	sdelay $0x2  }
0x171: {  	v37 =	vperm.xlane v22, v13  }
0x172: {  	[tilespmem:s28+$0x8E20] =	vst v23  }
0x173: {  	v38 =	vshll.u32 v37, $0x7;
	v23 =	vld.idx.msk [tilespmem:v24+s4+$0x0], $0xffff  }
0x174: {  	v25 =	vor.u32 v2, v38;
	_ =	sdelay $0x3  }
0x175: {  	[tilespmem:s28+$0x8E30] =	vst v23  }
0x176: {  	v23 =	vld.idx.msk [tilespmem:v25+s4+$0x0], $0xffff  }
0x177: {  	v39 =	vor.u32 v3, v38;
	_ =	sdelay $0x3  }
0x178: {  	[tilespmem:s28+$0x8E40] =	vst v23  }
0x179: {  	v23 =	vld.idx.msk [tilespmem:v39+s4+$0x0], $0xffff  }
0x17a: {  	v40 =	vor.u32 v4, v38;
	_ =	sdelay $0x3  }
0x17b: {  	[tilespmem:s28+$0x8E50] =	vst v23  }
0x17c: {  	v23 =	vld.idx.msk [tilespmem:v40+s4+$0x0], $0xffff  }
0x17d: {  	v24 =	vor.u32 v5, v38;
	_ =	sdelay $0x2  }
0x17e: {  	v41 =	vperm.xlane v22, v14  }
0x17f: {  	[tilespmem:s28+$0x8E60] =	vst v23  }
0x180: {  	v42 =	vshll.u32 v41, $0x7;
	v23 =	vld.idx.msk [tilespmem:v24+s4+$0x0], $0xffff  }
0x181: {  	v25 =	vor.u32 v2, v42;
	_ =	sdelay $0x3  }
0x182: {  	[tilespmem:s28+$0x8E70] =	vst v23  }
0x183: {  	v23 =	vld.idx.msk [tilespmem:v25+s4+$0x0], $0xffff  }
0x184: {  	v43 =	vor.u32 v3, v42;
	_ =	sdelay $0x3  }
0x185: {  	[tilespmem:s28+$0x8E80] =	vst v23  }
0x186: {  	v23 =	vld.idx.msk [tilespmem:v43+s4+$0x0], $0xffff  }
0x187: {  	v44 =	vor.u32 v4, v42;
	_ =	sdelay $0x3  }
0x188: {  	[tilespmem:s28+$0x8E90] =	vst v23  }
0x189: {  	v23 =	vld.idx.msk [tilespmem:v44+s4+$0x0], $0xffff  }
0x18a: {  	v24 =	vor.u32 v5, v42;
	_ =	sdelay $0x2  }
0x18b: {  	v45 =	vperm.xlane v22, v15  }
0x18c: {  	[tilespmem:s28+$0x8EA0] =	vst v23  }
0x18d: {  	v46 =	vshll.u32 v45, $0x7;
	v23 =	vld.idx.msk [tilespmem:v24+s4+$0x0], $0xffff  }
0x18e: {  	v25 =	vor.u32 v2, v46;
	_ =	sdelay $0x3  }
0x18f: {  	[tilespmem:s28+$0x8EB0] =	vst v23  }
0x190: {  	v23 =	vld.idx.msk [tilespmem:v25+s4+$0x0], $0xffff  }
0x191: {  	v47 =	vor.u32 v3, v46;
	_ =	sdelay $0x3  }
0x192: {  	[tilespmem:s28+$0x8EC0] =	vst v23  }
0x193: {  	v23 =	vld.idx.msk [tilespmem:v47+s4+$0x0], $0xffff  }
0x194: {  	v48 =	vor.u32 v4, v46;
	_ =	sdelay $0x3  }
0x195: {  	[tilespmem:s28+$0x8ED0] =	vst v23  }
0x196: {  	v23 =	vld.idx.msk [tilespmem:v48+s4+$0x0], $0xffff  }
0x197: {  	v24 =	vor.u32 v5, v46;
	_ =	sdelay $0x2  }
0x198: {  	v49 =	vperm.xlane v22, v16  }
0x199: {  	[tilespmem:s28+$0x8EE0] =	vst v23  }
0x19a: {  	v50 =	vshll.u32 v49, $0x7;
	v23 =	vld.idx.msk [tilespmem:v24+s4+$0x0], $0xffff  }
0x19b: {  	v25 =	vor.u32 v2, v50;
	_ =	sdelay $0x3  }
0x19c: {  	[tilespmem:s28+$0x8EF0] =	vst v23  }
0x19d: {  	v23 =	vld.idx.msk [tilespmem:v25+s4+$0x0], $0xffff  }
0x19e: {  	v51 =	vor.u32 v3, v50;
	_ =	sdelay $0x3  }
0x19f: {  	[tilespmem:s28+$0x8F00] =	vst v23  }
0x1a0: {  	v23 =	vld.idx.msk [tilespmem:v51+s4+$0x0], $0xffff  }
0x1a1: {  	v52 =	vor.u32 v4, v50;
	_ =	sdelay $0x3  }
0x1a2: {  	[tilespmem:s28+$0x8F10] =	vst v23  }
0x1a3: {  	v23 =	vld.idx.msk [tilespmem:v52+s4+$0x0], $0xffff  }
0x1a4: {  	v24 =	vor.u32 v5, v50;
	_ =	sdelay $0x2  }
0x1a5: {  	v53 =	vperm.xlane v22, v17  }
0x1a6: {  	[tilespmem:s28+$0x8F20] =	vst v23  }
0x1a7: {  	v54 =	vshll.u32 v53, $0x7;
	v23 =	vld.idx.msk [tilespmem:v24+s4+$0x0], $0xffff  }
0x1a8: {  	v25 =	vor.u32 v2, v54;
	_ =	sdelay $0x3  }
0x1a9: {  	[tilespmem:s28+$0x8F30] =	vst v23  }
0x1aa: {  	v23 =	vld.idx.msk [tilespmem:v25+s4+$0x0], $0xffff  }
0x1ab: {  	v55 =	vor.u32 v3, v54;
	_ =	sdelay $0x3  }
0x1ac: {  	[tilespmem:s28+$0x8F40] =	vst v23  }
0x1ad: {  	v23 =	vld.idx.msk [tilespmem:v55+s4+$0x0], $0xffff  }
0x1ae: {  	v56 =	vor.u32 v4, v54;
	_ =	sdelay $0x3  }
0x1af: {  	[tilespmem:s28+$0x8F50] =	vst v23  }
0x1b0: {  	v23 =	vld.idx.msk [tilespmem:v56+s4+$0x0], $0xffff  }
0x1b1: {  	v24 =	vor.u32 v5, v54;
	_ =	sdelay $0x2  }
0x1b2: {  	v57 =	vperm.xlane v22, v18  }
0x1b3: {  	[tilespmem:s28+$0x8F60] =	vst v23  }
0x1b4: {  	v58 =	vshll.u32 v57, $0x7;
	v23 =	vld.idx.msk [tilespmem:v24+s4+$0x0], $0xffff  }
0x1b5: {  	v25 =	vor.u32 v2, v58;
	_ =	sdelay $0x3  }
0x1b6: {  	[tilespmem:s28+$0x8F70] =	vst v23  }
0x1b7: {  	v23 =	vld.idx.msk [tilespmem:v25+s4+$0x0], $0xffff  }
0x1b8: {  	v59 =	vor.u32 v3, v58;
	_ =	sdelay $0x3  }
0x1b9: {  	[tilespmem:s28+$0x8F80] =	vst v23  }
0x1ba: {  	v23 =	vld.idx.msk [tilespmem:v59+s4+$0x0], $0xffff  }
0x1bb: {  	v60 =	vor.u32 v4, v58;
	_ =	sdelay $0x3  }
0x1bc: {  	[tilespmem:s28+$0x8F90] =	vst v23  }
0x1bd: {  	v23 =	vld.idx.msk [tilespmem:v60+s4+$0x0], $0xffff  }
0x1be: {  	v24 =	vor.u32 v5, v58;
	_ =	sdelay $0x2  }
0x1bf: {  	v22 =	vperm.xlane v22, v19  }
0x1c0: {  	[tilespmem:s28+$0x8FA0] =	vst v23  }
0x1c1: {  	v22 =	vshll.u32 v22, $0x7;
	v23 =	vld.idx.msk [tilespmem:v24+s4+$0x0], $0xffff  }
0x1c2: {  	v61 =	vor.u32 v2, v22;
	_ =	sdelay $0x3  }
0x1c3: {  	[tilespmem:s28+$0x8FB0] =	vst v23  }
0x1c4: {  	v23 =	vld.idx.msk [tilespmem:v61+s4+$0x0], $0xffff  }
0x1c5: {  	v62 =	vor.u32 v3, v22;
	_ =	sdelay $0x3  }
0x1c6: {  	[tilespmem:s28+$0x8FC0] =	vst v23  }
0x1c7: {  	v23 =	vld.idx.msk [tilespmem:v62+s4+$0x0], $0xffff  }
0x1c8: {  	v63 =	vor.u32 v4, v22;
	_ =	sdelay $0x3  }
0x1c9: {  	[tilespmem:s28+$0x8FD0] =	vst v23  }
0x1ca: {  	v23 =	vld.idx.msk [tilespmem:v63+s4+$0x0], $0xffff  }
0x1cb: {  	v22 =	vor.u32 v5, v22;
	_ =	sdelay $0x3  }
0x1cc: {  	[tilespmem:s28+$0x8FE0] =	vst v23  }
0x1cd: {  	p0 =	sne.s32 s26, $0x1F000;
	v22 =	vld.idx.msk [tilespmem:v22+s4+$0x0], $0xffff  }
.Ltmp1:
0x1ce: {  	_ = 	snop;
	(pc) =	sbr.rel @p0 .LBB2_5-.Ltmp1, $2  }
0x1cf: {  	_ =	sdelay $0x2  }
0x1d0: {  	v21 =	vadd.s32 $0x10, v21;
	s26 =	sadd.s32 $0x1000, s26;
	[tilespmem:s28+$0x8FF0] =	vst v22  }
0x1d1: {  	s25 =	sadd.s32 s25, s9;
	p0 =	seq.s32 s22, $0x31  }
0x1d2: {  	[hbm4b:s25+s4] =	stream.linear.scatter [tilespmem:s17], [sflag:$0x2], $0x8000, $0x38;
	[tilespmem:$0x10C00] =	vst v63  }
0x1d3: {  	s24 =	sadd.s32 @!p0 s24, s10  }
0x1d4: {  	_ =	swait.ge [sflag:s18], $0x400;
	s24 =	sshll.u32 @!p0 s24, $0x7  }
0x1d5: {  	s25 =	simm.s32 @!p0 $0x0;
	[sflag:s18] =	ssyncset.done $0x0;
	s24 =	sand.u32 @!p0 $0x1FFFFF00, s24  }
0x1d6: {  	s26 =	simm.s32 @!p0 $0x400;
	[sflag:s18] =	ssyncadd.s32 $0xFFFFFC00;
	s24 =	sadd.s32 @!p0 s5, s24  }
0x1d7: {  	[tilespmem:s26], [sflag:$0x3] =	stream.linear.gather @!p0 [hbm4b:s24+s25], $0x400, $0x38;
	[tilespmem:$0x10C00] =	vst v63  }
0x1d8: {  	_ =	swait.ge [sflag:s19], $0x8000  }
0x1d9: {  	[sflag:s19] =	ssyncset.done $0x0  }
0x1da: {  	v21 =	vlaneseq.u32;
	s24 =	simm.s32 $0x0;
	[sflag:s19] =	ssyncadd.s32 $0xFFFF8000  }
.LBB2_7:
0x1db: {  	_ =	sdelay $0x3  }
0x1dc: {  	v22 =	vld.idx.msk [tilespmem:v21+s15+$0x0], $0xffff;
	_ =	sdelay $0x4  }
0x1dd: {  	v23 =	vperm.xlane v22, v0;
	_ =	sdelay $0x1  }
0x1de: {  	v23 =	vshll.u32 v23, $0x7  }
0x1df: {  	v24 =	vor.u32 v2, v23;
	_ =	sdelay $0x4  }
0x1e0: {  	v24 =	vld.idx.msk [tilespmem:v24+s4+$0x0], $0xffff  }
0x1e1: {  	v25 =	vor.u32 v3, v23;
	_ =	sdelay $0x2  }
0x1e2: {  	s25 =	sshra.s32 s24, $0x2  }
0x1e3: {  	[tilespmem:s25+$0xC00] =	vst v24  }
0x1e4: {  	v24 =	vld.idx.msk [tilespmem:v25+s4+$0x0], $0xffff  }
0x1e5: {  	v40 =	vor.u32 v4, v23;
	_ =	sdelay $0x3  }
0x1e6: {  	[tilespmem:s25+$0xC10] =	vst v24  }
0x1e7: {  	v24 =	vld.idx.msk [tilespmem:v40+s4+$0x0], $0xffff  }
0x1e8: {  	v23 =	vor.u32 v5, v23;
	_ =	sdelay $0x2  }
0x1e9: {  	v41 =	vperm.xlane v22, v6  }
0x1ea: {  	[tilespmem:s25+$0xC20] =	vst v24  }
0x1eb: {  	v42 =	vshll.u32 v41, $0x7;
	v23 =	vld.idx.msk [tilespmem:v23+s4+$0x0], $0xffff  }
0x1ec: {  	v25 =	vor.u32 v2, v42;
	_ =	sdelay $0x3  }
0x1ed: {  	[tilespmem:s25+$0xC30] =	vst v23  }
0x1ee: {  	v23 =	vld.idx.msk [tilespmem:v25+s4+$0x0], $0xffff  }
0x1ef: {  	v43 =	vor.u32 v3, v42;
	_ =	sdelay $0x3  }
0x1f0: {  	[tilespmem:s25+$0xC40] =	vst v23  }
0x1f1: {  	v23 =	vld.idx.msk [tilespmem:v43+s4+$0x0], $0xffff  }
0x1f2: {  	v44 =	vor.u32 v4, v42;
	_ =	sdelay $0x3  }
0x1f3: {  	[tilespmem:s25+$0xC50] =	vst v23  }
0x1f4: {  	v23 =	vld.idx.msk [tilespmem:v44+s4+$0x0], $0xffff  }
0x1f5: {  	v24 =	vor.u32 v5, v42;
	_ =	sdelay $0x2  }
0x1f6: {  	v45 =	vperm.xlane v22, v7  }
0x1f7: {  	[tilespmem:s25+$0xC60] =	vst v23  }
0x1f8: {  	v46 =	vshll.u32 v45, $0x7;
	v23 =	vld.idx.msk [tilespmem:v24+s4+$0x0], $0xffff  }
0x1f9: {  	v25 =	vor.u32 v2, v46;
	_ =	sdelay $0x3  }
0x1fa: {  	[tilespmem:s25+$0xC70] =	vst v23  }
0x1fb: {  	v23 =	vld.idx.msk [tilespmem:v25+s4+$0x0], $0xffff  }
0x1fc: {  	v47 =	vor.u32 v3, v46;
	_ =	sdelay $0x3  }
0x1fd: {  	[tilespmem:s25+$0xC80] =	vst v23  }
0x1fe: {  	v23 =	vld.idx.msk [tilespmem:v47+s4+$0x0], $0xffff  }
0x1ff: {  	v48 =	vor.u32 v4, v46;
	_ =	sdelay $0x3  }
0x200: {  	[tilespmem:s25+$0xC90] =	vst v23  }
0x201: {  	v23 =	vld.idx.msk [tilespmem:v48+s4+$0x0], $0xffff  }
0x202: {  	v24 =	vor.u32 v5, v46;
	_ =	sdelay $0x2  }
0x203: {  	v49 =	vperm.xlane v22, v8  }
0x204: {  	[tilespmem:s25+$0xCA0] =	vst v23  }
0x205: {  	v50 =	vshll.u32 v49, $0x7;
	v23 =	vld.idx.msk [tilespmem:v24+s4+$0x0], $0xffff  }
0x206: {  	v25 =	vor.u32 v2, v50;
	_ =	sdelay $0x3  }
0x207: {  	[tilespmem:s25+$0xCB0] =	vst v23  }
0x208: {  	v23 =	vld.idx.msk [tilespmem:v25+s4+$0x0], $0xffff  }
0x209: {  	v51 =	vor.u32 v3, v50;
	_ =	sdelay $0x3  }
0x20a: {  	[tilespmem:s25+$0xCC0] =	vst v23  }
0x20b: {  	v23 =	vld.idx.msk [tilespmem:v51+s4+$0x0], $0xffff  }
0x20c: {  	v52 =	vor.u32 v4, v50;
	_ =	sdelay $0x3  }
0x20d: {  	[tilespmem:s25+$0xCD0] =	vst v23  }
0x20e: {  	v23 =	vld.idx.msk [tilespmem:v52+s4+$0x0], $0xffff  }
0x20f: {  	v24 =	vor.u32 v5, v50;
	_ =	sdelay $0x2  }
0x210: {  	v53 =	vperm.xlane v22, v9  }
0x211: {  	[tilespmem:s25+$0xCE0] =	vst v23  }
0x212: {  	v54 =	vshll.u32 v53, $0x7;
	v23 =	vld.idx.msk [tilespmem:v24+s4+$0x0], $0xffff  }
0x213: {  	v25 =	vor.u32 v2, v54;
	_ =	sdelay $0x3  }
0x214: {  	[tilespmem:s25+$0xCF0] =	vst v23  }
0x215: {  	v23 =	vld.idx.msk [tilespmem:v25+s4+$0x0], $0xffff  }
0x216: {  	v55 =	vor.u32 v3, v54;
	_ =	sdelay $0x3  }
0x217: {  	[tilespmem:s25+$0xD00] =	vst v23  }
0x218: {  	v23 =	vld.idx.msk [tilespmem:v55+s4+$0x0], $0xffff  }
0x219: {  	v56 =	vor.u32 v4, v54;
	_ =	sdelay $0x3  }
0x21a: {  	[tilespmem:s25+$0xD10] =	vst v23  }
0x21b: {  	v23 =	vld.idx.msk [tilespmem:v56+s4+$0x0], $0xffff  }
0x21c: {  	v24 =	vor.u32 v5, v54;
	_ =	sdelay $0x2  }
0x21d: {  	v57 =	vperm.xlane v22, v10  }
0x21e: {  	[tilespmem:s25+$0xD20] =	vst v23  }
0x21f: {  	v58 =	vshll.u32 v57, $0x7;
	v23 =	vld.idx.msk [tilespmem:v24+s4+$0x0], $0xffff  }
0x220: {  	v25 =	vor.u32 v2, v58;
	_ =	sdelay $0x3  }
0x221: {  	[tilespmem:s25+$0xD30] =	vst v23  }
0x222: {  	v23 =	vld.idx.msk [tilespmem:v25+s4+$0x0], $0xffff  }
0x223: {  	v59 =	vor.u32 v3, v58;
	_ =	sdelay $0x3  }
0x224: {  	[tilespmem:s25+$0xD40] =	vst v23  }
0x225: {  	v23 =	vld.idx.msk [tilespmem:v59+s4+$0x0], $0xffff  }
0x226: {  	v60 =	vor.u32 v4, v58;
	_ =	sdelay $0x3  }
0x227: {  	[tilespmem:s25+$0xD50] =	vst v23  }
0x228: {  	v23 =	vld.idx.msk [tilespmem:v60+s4+$0x0], $0xffff  }
0x229: {  	v24 =	vor.u32 v5, v58;
	_ =	sdelay $0x2  }
0x22a: {  	v61 =	vperm.xlane v22, v11  }
0x22b: {  	[tilespmem:s25+$0xD60] =	vst v23  }
0x22c: {  	v62 =	vshll.u32 v61, $0x7;
	v23 =	vld.idx.msk [tilespmem:v24+s4+$0x0], $0xffff  }
0x22d: {  	v25 =	vor.u32 v2, v62;
	_ =	sdelay $0x3  }
0x22e: {  	[tilespmem:s25+$0xD70] =	vst v23  }
0x22f: {  	v23 =	vld.idx.msk [tilespmem:v25+s4+$0x0], $0xffff  }
0x230: {  	v63 =	vor.u32 v3, v62;
	_ =	sdelay $0x3  }
0x231: {  	[tilespmem:s25+$0xD80] =	vst v23  }
0x232: {  	v23 =	vld.idx.msk [tilespmem:v63+s4+$0x0], $0xffff  }
0x233: {  	v28 =	vor.u32 v4, v62;
	_ =	sdelay $0x3  }
0x234: {  	[tilespmem:s25+$0xD90] =	vst v23  }
0x235: {  	v23 =	vld.idx.msk [tilespmem:v28+s4+$0x0], $0xffff  }
0x236: {  	v24 =	vor.u32 v5, v62;
	_ =	sdelay $0x2  }
0x237: {  	v29 =	vperm.xlane v22, v1  }
0x238: {  	[tilespmem:s25+$0xDA0] =	vst v23  }
0x239: {  	v30 =	vshll.u32 v29, $0x7;
	v23 =	vld.idx.msk [tilespmem:v24+s4+$0x0], $0xffff  }
0x23a: {  	v25 =	vor.u32 v2, v30;
	_ =	sdelay $0x3  }
0x23b: {  	[tilespmem:s25+$0xDB0] =	vst v23  }
0x23c: {  	v23 =	vld.idx.msk [tilespmem:v25+s4+$0x0], $0xffff  }
0x23d: {  	v31 =	vor.u32 v3, v30;
	_ =	sdelay $0x3  }
0x23e: {  	[tilespmem:s25+$0xDC0] =	vst v23  }
0x23f: {  	v23 =	vld.idx.msk [tilespmem:v31+s4+$0x0], $0xffff  }
0x240: {  	v32 =	vor.u32 v4, v30;
	_ =	sdelay $0x3  }
0x241: {  	[tilespmem:s25+$0xDD0] =	vst v23  }
0x242: {  	v23 =	vld.idx.msk [tilespmem:v32+s4+$0x0], $0xffff  }
0x243: {  	v24 =	vor.u32 v5, v30;
	_ =	sdelay $0x2  }
0x244: {  	v33 =	vperm.xlane v22, v12  }
0x245: {  	[tilespmem:s25+$0xDE0] =	vst v23  }
0x246: {  	v34 =	vshll.u32 v33, $0x7;
	v23 =	vld.idx.msk [tilespmem:v24+s4+$0x0], $0xffff  }
0x247: {  	v25 =	vor.u32 v2, v34;
	_ =	sdelay $0x3  }
0x248: {  	[tilespmem:s25+$0xDF0] =	vst v23  }
0x249: {  	v23 =	vld.idx.msk [tilespmem:v25+s4+$0x0], $0xffff  }
0x24a: {  	v35 =	vor.u32 v3, v34;
	_ =	sdelay $0x3  }
0x24b: {  	[tilespmem:s25+$0xE00] =	vst v23  }
0x24c: {  	v23 =	vld.idx.msk [tilespmem:v35+s4+$0x0], $0xffff  }
0x24d: {  	v36 =	vor.u32 v4, v34;
	_ =	sdelay $0x3  }
0x24e: {  	[tilespmem:s25+$0xE10] =	vst v23  }
0x24f: {  	v23 =	vld.idx.msk [tilespmem:v36+s4+$0x0], $0xffff  }
0x250: {  	v24 =	vor.u32 v5, v34;
	_ =	sdelay $0x2  }
0x251: {  	v37 =	vperm.xlane v22, v13  }
0x252: {  	[tilespmem:s25+$0xE20] =	vst v23  }
0x253: {  	v38 =	vshll.u32 v37, $0x7;
	v23 =	vld.idx.msk [tilespmem:v24+s4+$0x0], $0xffff  }
0x254: {  	v25 =	vor.u32 v2, v38;
	_ =	sdelay $0x3  }
0x255: {  	[tilespmem:s25+$0xE30] =	vst v23  }
0x256: {  	v23 =	vld.idx.msk [tilespmem:v25+s4+$0x0], $0xffff  }
0x257: {  	v39 =	vor.u32 v3, v38;
	_ =	sdelay $0x3  }
0x258: {  	[tilespmem:s25+$0xE40] =	vst v23  }
0x259: {  	v23 =	vld.idx.msk [tilespmem:v39+s4+$0x0], $0xffff  }
0x25a: {  	v40 =	vor.u32 v4, v38;
	_ =	sdelay $0x3  }
0x25b: {  	[tilespmem:s25+$0xE50] =	vst v23  }
0x25c: {  	v23 =	vld.idx.msk [tilespmem:v40+s4+$0x0], $0xffff  }
0x25d: {  	v24 =	vor.u32 v5, v38;
	_ =	sdelay $0x2  }
0x25e: {  	v41 =	vperm.xlane v22, v14  }
0x25f: {  	[tilespmem:s25+$0xE60] =	vst v23  }
0x260: {  	v42 =	vshll.u32 v41, $0x7;
	v23 =	vld.idx.msk [tilespmem:v24+s4+$0x0], $0xffff  }
0x261: {  	v25 =	vor.u32 v2, v42;
	_ =	sdelay $0x3  }
0x262: {  	[tilespmem:s25+$0xE70] =	vst v23  }
0x263: {  	v23 =	vld.idx.msk [tilespmem:v25+s4+$0x0], $0xffff  }
0x264: {  	v43 =	vor.u32 v3, v42;
	_ =	sdelay $0x3  }
0x265: {  	[tilespmem:s25+$0xE80] =	vst v23  }
0x266: {  	v23 =	vld.idx.msk [tilespmem:v43+s4+$0x0], $0xffff  }
0x267: {  	v44 =	vor.u32 v4, v42;
	_ =	sdelay $0x3  }
0x268: {  	[tilespmem:s25+$0xE90] =	vst v23  }
0x269: {  	v23 =	vld.idx.msk [tilespmem:v44+s4+$0x0], $0xffff  }
0x26a: {  	v24 =	vor.u32 v5, v42;
	_ =	sdelay $0x2  }
0x26b: {  	v45 =	vperm.xlane v22, v15  }
0x26c: {  	[tilespmem:s25+$0xEA0] =	vst v23  }
0x26d: {  	v46 =	vshll.u32 v45, $0x7;
	v23 =	vld.idx.msk [tilespmem:v24+s4+$0x0], $0xffff  }
0x26e: {  	v25 =	vor.u32 v2, v46;
	_ =	sdelay $0x3  }
0x26f: {  	[tilespmem:s25+$0xEB0] =	vst v23  }
0x270: {  	v23 =	vld.idx.msk [tilespmem:v25+s4+$0x0], $0xffff  }
0x271: {  	v47 =	vor.u32 v3, v46;
	_ =	sdelay $0x3  }
0x272: {  	[tilespmem:s25+$0xEC0] =	vst v23  }
0x273: {  	v23 =	vld.idx.msk [tilespmem:v47+s4+$0x0], $0xffff  }
0x274: {  	v48 =	vor.u32 v4, v46;
	_ =	sdelay $0x3  }
0x275: {  	[tilespmem:s25+$0xED0] =	vst v23  }
0x276: {  	v23 =	vld.idx.msk [tilespmem:v48+s4+$0x0], $0xffff  }
0x277: {  	v24 =	vor.u32 v5, v46;
	_ =	sdelay $0x2  }
0x278: {  	v49 =	vperm.xlane v22, v16  }
0x279: {  	[tilespmem:s25+$0xEE0] =	vst v23  }
0x27a: {  	v50 =	vshll.u32 v49, $0x7;
	v23 =	vld.idx.msk [tilespmem:v24+s4+$0x0], $0xffff  }
0x27b: {  	v25 =	vor.u32 v2, v50;
	_ =	sdelay $0x3  }
0x27c: {  	[tilespmem:s25+$0xEF0] =	vst v23  }
0x27d: {  	v23 =	vld.idx.msk [tilespmem:v25+s4+$0x0], $0xffff  }
0x27e: {  	v51 =	vor.u32 v3, v50;
	_ =	sdelay $0x3  }
0x27f: {  	[tilespmem:s25+$0xF00] =	vst v23  }
0x280: {  	v23 =	vld.idx.msk [tilespmem:v51+s4+$0x0], $0xffff  }
0x281: {  	v52 =	vor.u32 v4, v50;
	_ =	sdelay $0x3  }
0x282: {  	[tilespmem:s25+$0xF10] =	vst v23  }
0x283: {  	v23 =	vld.idx.msk [tilespmem:v52+s4+$0x0], $0xffff  }
0x284: {  	v24 =	vor.u32 v5, v50;
	_ =	sdelay $0x2  }
0x285: {  	v53 =	vperm.xlane v22, v17  }
0x286: {  	[tilespmem:s25+$0xF20] =	vst v23  }
0x287: {  	v54 =	vshll.u32 v53, $0x7;
	v23 =	vld.idx.msk [tilespmem:v24+s4+$0x0], $0xffff  }
0x288: {  	v25 =	vor.u32 v2, v54;
	_ =	sdelay $0x3  }
0x289: {  	[tilespmem:s25+$0xF30] =	vst v23  }
0x28a: {  	v23 =	vld.idx.msk [tilespmem:v25+s4+$0x0], $0xffff  }
0x28b: {  	v55 =	vor.u32 v3, v54;
	_ =	sdelay $0x3  }
0x28c: {  	[tilespmem:s25+$0xF40] =	vst v23  }
0x28d: {  	v23 =	vld.idx.msk [tilespmem:v55+s4+$0x0], $0xffff  }
0x28e: {  	v56 =	vor.u32 v4, v54;
	_ =	sdelay $0x3  }
0x28f: {  	[tilespmem:s25+$0xF50] =	vst v23  }
0x290: {  	v23 =	vld.idx.msk [tilespmem:v56+s4+$0x0], $0xffff  }
0x291: {  	v24 =	vor.u32 v5, v54;
	_ =	sdelay $0x2  }
0x292: {  	v57 =	vperm.xlane v22, v18  }
0x293: {  	[tilespmem:s25+$0xF60] =	vst v23  }
0x294: {  	v58 =	vshll.u32 v57, $0x7;
	v23 =	vld.idx.msk [tilespmem:v24+s4+$0x0], $0xffff  }
0x295: {  	v25 =	vor.u32 v2, v58;
	_ =	sdelay $0x3  }
0x296: {  	[tilespmem:s25+$0xF70] =	vst v23  }
0x297: {  	v23 =	vld.idx.msk [tilespmem:v25+s4+$0x0], $0xffff  }
0x298: {  	v59 =	vor.u32 v3, v58;
	_ =	sdelay $0x3  }
0x299: {  	[tilespmem:s25+$0xF80] =	vst v23  }
0x29a: {  	v23 =	vld.idx.msk [tilespmem:v59+s4+$0x0], $0xffff  }
0x29b: {  	v60 =	vor.u32 v4, v58;
	_ =	sdelay $0x3  }
0x29c: {  	[tilespmem:s25+$0xF90] =	vst v23  }
0x29d: {  	v23 =	vld.idx.msk [tilespmem:v60+s4+$0x0], $0xffff  }
0x29e: {  	v24 =	vor.u32 v5, v58;
	_ =	sdelay $0x2  }
0x29f: {  	v22 =	vperm.xlane v22, v19  }
0x2a0: {  	[tilespmem:s25+$0xFA0] =	vst v23  }
0x2a1: {  	v22 =	vshll.u32 v22, $0x7;
	v23 =	vld.idx.msk [tilespmem:v24+s4+$0x0], $0xffff  }
0x2a2: {  	v61 =	vor.u32 v2, v22;
	_ =	sdelay $0x3  }
0x2a3: {  	[tilespmem:s25+$0xFB0] =	vst v23  }
0x2a4: {  	v23 =	vld.idx.msk [tilespmem:v61+s4+$0x0], $0xffff  }
0x2a5: {  	v62 =	vor.u32 v3, v22;
	_ =	sdelay $0x3  }
0x2a6: {  	[tilespmem:s25+$0xFC0] =	vst v23  }
0x2a7: {  	v23 =	vld.idx.msk [tilespmem:v62+s4+$0x0], $0xffff  }
0x2a8: {  	v63 =	vor.u32 v4, v22;
	_ =	sdelay $0x3  }
0x2a9: {  	[tilespmem:s25+$0xFD0] =	vst v23  }
0x2aa: {  	v23 =	vld.idx.msk [tilespmem:v63+s4+$0x0], $0xffff  }
0x2ab: {  	v22 =	vor.u32 v5, v22;
	_ =	sdelay $0x3  }
0x2ac: {  	[tilespmem:s25+$0xFE0] =	vst v23  }
0x2ad: {  	p0 =	sne.s32 s24, $0x1F000;
	v22 =	vld.idx.msk [tilespmem:v22+s4+$0x0], $0xffff  }
.Ltmp2:
0x2ae: {  	_ = 	snop;
	(pc) =	sbr.rel @p0 .LBB2_7-.Ltmp2, $2  }
0x2af: {  	_ =	sdelay $0x2  }
0x2b0: {  	v21 =	vadd.s32 $0x10, v21;
	s24 =	sadd.s32 $0x1000, s24;
	[tilespmem:s25+$0xFF0] =	vst v22  }
0x2b1: {  	s23 =	sshll.u32 s23, $0xD  }
0x2b2: {  	s23 =	sadd.s32 s8, s23  }
0x2b3: {  	s24 =	simm.s32 $0x0;
	s25 =	sadd.s32 s3, s23  }
0x2b4: {  	[hbm4b:s25+s24] =	stream.linear.scatter [tilespmem:s16], [sflag:$0x1], $0x8000, $0x38;
	[tilespmem:$0x10C00] =	vst v63  }
0x2b5: {  	_ =	swait.ge [sflag:s20], $0x8000  }
0x2b6: {  	[sflag:s20] =	ssyncset.done $0x0  }
0x2b7: {  	v21 =	vor.u32 $0x200, v2;
	[sflag:s20] =	ssyncadd.s32 $0xFFFF8000  }
.LBB2_9:
0x2b8: {  	_ =	sdelay $0x3  }
0x2b9: {  	v22 =	vld.idx.msk [tilespmem:v21+s15+$0x0], $0xffff;
	_ =	sdelay $0x4  }
0x2ba: {  	v23 =	vperm.xlane v22, v0;
	_ =	sdelay $0x1  }
0x2bb: {  	v23 =	vshll.u32 v23, $0x7  }
0x2bc: {  	v24 =	vor.u32 v2, v23;
	_ =	sdelay $0x4  }
0x2bd: {  	v24 =	vld.idx.msk [tilespmem:v24+s4+$0x0], $0xffff  }
0x2be: {  	v25 =	vor.u32 v3, v23;
	_ =	sdelay $0x2  }
0x2bf: {  	s25 =	sshra.s32 s24, $0x2  }
0x2c0: {  	[tilespmem:s25+$0x8C00] =	vst v24  }
0x2c1: {  	v24 =	vld.idx.msk [tilespmem:v25+s4+$0x0], $0xffff  }
0x2c2: {  	v40 =	vor.u32 v4, v23;
	_ =	sdelay $0x3  }
0x2c3: {  	[tilespmem:s25+$0x8C10] =	vst v24  }
0x2c4: {  	v24 =	vld.idx.msk [tilespmem:v40+s4+$0x0], $0xffff  }
0x2c5: {  	v23 =	vor.u32 v5, v23;
	_ =	sdelay $0x2  }
0x2c6: {  	v41 =	vperm.xlane v22, v6  }
0x2c7: {  	[tilespmem:s25+$0x8C20] =	vst v24  }
0x2c8: {  	v42 =	vshll.u32 v41, $0x7;
	v23 =	vld.idx.msk [tilespmem:v23+s4+$0x0], $0xffff  }
0x2c9: {  	v25 =	vor.u32 v2, v42;
	_ =	sdelay $0x3  }
0x2ca: {  	[tilespmem:s25+$0x8C30] =	vst v23  }
0x2cb: {  	v23 =	vld.idx.msk [tilespmem:v25+s4+$0x0], $0xffff  }
0x2cc: {  	v43 =	vor.u32 v3, v42;
	_ =	sdelay $0x3  }
0x2cd: {  	[tilespmem:s25+$0x8C40] =	vst v23  }
0x2ce: {  	v23 =	vld.idx.msk [tilespmem:v43+s4+$0x0], $0xffff  }
0x2cf: {  	v44 =	vor.u32 v4, v42;
	_ =	sdelay $0x3  }
0x2d0: {  	[tilespmem:s25+$0x8C50] =	vst v23  }
0x2d1: {  	v23 =	vld.idx.msk [tilespmem:v44+s4+$0x0], $0xffff  }
0x2d2: {  	v24 =	vor.u32 v5, v42;
	_ =	sdelay $0x2  }
0x2d3: {  	v45 =	vperm.xlane v22, v7  }
0x2d4: {  	[tilespmem:s25+$0x8C60] =	vst v23  }
0x2d5: {  	v46 =	vshll.u32 v45, $0x7;
	v23 =	vld.idx.msk [tilespmem:v24+s4+$0x0], $0xffff  }
0x2d6: {  	v25 =	vor.u32 v2, v46;
	_ =	sdelay $0x3  }
0x2d7: {  	[tilespmem:s25+$0x8C70] =	vst v23  }
0x2d8: {  	v23 =	vld.idx.msk [tilespmem:v25+s4+$0x0], $0xffff  }
0x2d9: {  	v47 =	vor.u32 v3, v46;
	_ =	sdelay $0x3  }
0x2da: {  	[tilespmem:s25+$0x8C80] =	vst v23  }
0x2db: {  	v23 =	vld.idx.msk [tilespmem:v47+s4+$0x0], $0xffff  }
0x2dc: {  	v48 =	vor.u32 v4, v46;
	_ =	sdelay $0x3  }
0x2dd: {  	[tilespmem:s25+$0x8C90] =	vst v23  }
0x2de: {  	v23 =	vld.idx.msk [tilespmem:v48+s4+$0x0], $0xffff  }
0x2df: {  	v24 =	vor.u32 v5, v46;
	_ =	sdelay $0x2  }
0x2e0: {  	v49 =	vperm.xlane v22, v8  }
0x2e1: {  	[tilespmem:s25+$0x8CA0] =	vst v23  }
0x2e2: {  	v50 =	vshll.u32 v49, $0x7;
	v23 =	vld.idx.msk [tilespmem:v24+s4+$0x0], $0xffff  }
0x2e3: {  	v25 =	vor.u32 v2, v50;
	_ =	sdelay $0x3  }
0x2e4: {  	[tilespmem:s25+$0x8CB0] =	vst v23  }
0x2e5: {  	v23 =	vld.idx.msk [tilespmem:v25+s4+$0x0], $0xffff  }
0x2e6: {  	v51 =	vor.u32 v3, v50;
	_ =	sdelay $0x3  }
0x2e7: {  	[tilespmem:s25+$0x8CC0] =	vst v23  }
0x2e8: {  	v23 =	vld.idx.msk [tilespmem:v51+s4+$0x0], $0xffff  }
0x2e9: {  	v52 =	vor.u32 v4, v50;
	_ =	sdelay $0x3  }
0x2ea: {  	[tilespmem:s25+$0x8CD0] =	vst v23  }
0x2eb: {  	v23 =	vld.idx.msk [tilespmem:v52+s4+$0x0], $0xffff  }
0x2ec: {  	v24 =	vor.u32 v5, v50;
	_ =	sdelay $0x2  }
0x2ed: {  	v53 =	vperm.xlane v22, v9  }
0x2ee: {  	[tilespmem:s25+$0x8CE0] =	vst v23  }
0x2ef: {  	v54 =	vshll.u32 v53, $0x7;
	v23 =	vld.idx.msk [tilespmem:v24+s4+$0x0], $0xffff  }
0x2f0: {  	v25 =	vor.u32 v2, v54;
	_ =	sdelay $0x3  }
0x2f1: {  	[tilespmem:s25+$0x8CF0] =	vst v23  }
0x2f2: {  	v23 =	vld.idx.msk [tilespmem:v25+s4+$0x0], $0xffff  }
0x2f3: {  	v55 =	vor.u32 v3, v54;
	_ =	sdelay $0x3  }
0x2f4: {  	[tilespmem:s25+$0x8D00] =	vst v23  }
0x2f5: {  	v23 =	vld.idx.msk [tilespmem:v55+s4+$0x0], $0xffff  }
0x2f6: {  	v56 =	vor.u32 v4, v54;
	_ =	sdelay $0x3  }
0x2f7: {  	[tilespmem:s25+$0x8D10] =	vst v23  }
0x2f8: {  	v23 =	vld.idx.msk [tilespmem:v56+s4+$0x0], $0xffff  }
0x2f9: {  	v24 =	vor.u32 v5, v54;
	_ =	sdelay $0x2  }
0x2fa: {  	v57 =	vperm.xlane v22, v10  }
0x2fb: {  	[tilespmem:s25+$0x8D20] =	vst v23  }
0x2fc: {  	v58 =	vshll.u32 v57, $0x7;
	v23 =	vld.idx.msk [tilespmem:v24+s4+$0x0], $0xffff  }
0x2fd: {  	v25 =	vor.u32 v2, v58;
	_ =	sdelay $0x3  }
0x2fe: {  	[tilespmem:s25+$0x8D30] =	vst v23  }
0x2ff: {  	v23 =	vld.idx.msk [tilespmem:v25+s4+$0x0], $0xffff  }
0x300: {  	v59 =	vor.u32 v3, v58;
	_ =	sdelay $0x3  }
0x301: {  	[tilespmem:s25+$0x8D40] =	vst v23  }
0x302: {  	v23 =	vld.idx.msk [tilespmem:v59+s4+$0x0], $0xffff  }
0x303: {  	v60 =	vor.u32 v4, v58;
	_ =	sdelay $0x3  }
0x304: {  	[tilespmem:s25+$0x8D50] =	vst v23  }
0x305: {  	v23 =	vld.idx.msk [tilespmem:v60+s4+$0x0], $0xffff  }
0x306: {  	v24 =	vor.u32 v5, v58;
	_ =	sdelay $0x2  }
0x307: {  	v61 =	vperm.xlane v22, v11  }
0x308: {  	[tilespmem:s25+$0x8D60] =	vst v23  }
0x309: {  	v62 =	vshll.u32 v61, $0x7;
	v23 =	vld.idx.msk [tilespmem:v24+s4+$0x0], $0xffff  }
0x30a: {  	v25 =	vor.u32 v2, v62;
	_ =	sdelay $0x3  }
0x30b: {  	[tilespmem:s25+$0x8D70] =	vst v23  }
0x30c: {  	v23 =	vld.idx.msk [tilespmem:v25+s4+$0x0], $0xffff  }
0x30d: {  	v63 =	vor.u32 v3, v62;
	_ =	sdelay $0x3  }
0x30e: {  	[tilespmem:s25+$0x8D80] =	vst v23  }
0x30f: {  	v23 =	vld.idx.msk [tilespmem:v63+s4+$0x0], $0xffff  }
0x310: {  	v28 =	vor.u32 v4, v62;
	_ =	sdelay $0x3  }
0x311: {  	[tilespmem:s25+$0x8D90] =	vst v23  }
0x312: {  	v23 =	vld.idx.msk [tilespmem:v28+s4+$0x0], $0xffff  }
0x313: {  	v24 =	vor.u32 v5, v62;
	_ =	sdelay $0x2  }
0x314: {  	v29 =	vperm.xlane v22, v1  }
0x315: {  	[tilespmem:s25+$0x8DA0] =	vst v23  }
0x316: {  	v30 =	vshll.u32 v29, $0x7;
	v23 =	vld.idx.msk [tilespmem:v24+s4+$0x0], $0xffff  }
0x317: {  	v25 =	vor.u32 v2, v30;
	_ =	sdelay $0x3  }
0x318: {  	[tilespmem:s25+$0x8DB0] =	vst v23  }
0x319: {  	v23 =	vld.idx.msk [tilespmem:v25+s4+$0x0], $0xffff  }
0x31a: {  	v31 =	vor.u32 v3, v30;
	_ =	sdelay $0x3  }
0x31b: {  	[tilespmem:s25+$0x8DC0] =	vst v23  }
0x31c: {  	v23 =	vld.idx.msk [tilespmem:v31+s4+$0x0], $0xffff  }
0x31d: {  	v32 =	vor.u32 v4, v30;
	_ =	sdelay $0x3  }
0x31e: {  	[tilespmem:s25+$0x8DD0] =	vst v23  }
0x31f: {  	v23 =	vld.idx.msk [tilespmem:v32+s4+$0x0], $0xffff  }
0x320: {  	v24 =	vor.u32 v5, v30;
	_ =	sdelay $0x2  }
0x321: {  	v33 =	vperm.xlane v22, v12  }
0x322: {  	[tilespmem:s25+$0x8DE0] =	vst v23  }
0x323: {  	v34 =	vshll.u32 v33, $0x7;
	v23 =	vld.idx.msk [tilespmem:v24+s4+$0x0], $0xffff  }
0x324: {  	v25 =	vor.u32 v2, v34;
	_ =	sdelay $0x3  }
0x325: {  	[tilespmem:s25+$0x8DF0] =	vst v23  }
0x326: {  	v23 =	vld.idx.msk [tilespmem:v25+s4+$0x0], $0xffff  }
0x327: {  	v35 =	vor.u32 v3, v34;
	_ =	sdelay $0x3  }
0x328: {  	[tilespmem:s25+$0x8E00] =	vst v23  }
0x329: {  	v23 =	vld.idx.msk [tilespmem:v35+s4+$0x0], $0xffff  }
0x32a: {  	v36 =	vor.u32 v4, v34;
	_ =	sdelay $0x3  }
0x32b: {  	[tilespmem:s25+$0x8E10] =	vst v23  }
0x32c: {  	v23 =	vld.idx.msk [tilespmem:v36+s4+$0x0], $0xffff  }
0x32d: {  	v24 =	vor.u32 v5, v34;
	_ =	sdelay $0x2  }
0x32e: {  	v37 =	vperm.xlane v22, v13  }
0x32f: {  	[tilespmem:s25+$0x8E20] =	vst v23  }
0x330: {  	v38 =	vshll.u32 v37, $0x7;
	v23 =	vld.idx.msk [tilespmem:v24+s4+$0x0], $0xffff  }
0x331: {  	v25 =	vor.u32 v2, v38;
	_ =	sdelay $0x3  }
0x332: {  	[tilespmem:s25+$0x8E30] =	vst v23  }
0x333: {  	v23 =	vld.idx.msk [tilespmem:v25+s4+$0x0], $0xffff  }
0x334: {  	v39 =	vor.u32 v3, v38;
	_ =	sdelay $0x3  }
0x335: {  	[tilespmem:s25+$0x8E40] =	vst v23  }
0x336: {  	v23 =	vld.idx.msk [tilespmem:v39+s4+$0x0], $0xffff  }
0x337: {  	v40 =	vor.u32 v4, v38;
	_ =	sdelay $0x3  }
0x338: {  	[tilespmem:s25+$0x8E50] =	vst v23  }
0x339: {  	v23 =	vld.idx.msk [tilespmem:v40+s4+$0x0], $0xffff  }
0x33a: {  	v24 =	vor.u32 v5, v38;
	_ =	sdelay $0x2  }
0x33b: {  	v41 =	vperm.xlane v22, v14  }
0x33c: {  	[tilespmem:s25+$0x8E60] =	vst v23  }
0x33d: {  	v42 =	vshll.u32 v41, $0x7;
	v23 =	vld.idx.msk [tilespmem:v24+s4+$0x0], $0xffff  }
0x33e: {  	v25 =	vor.u32 v2, v42;
	_ =	sdelay $0x3  }
0x33f: {  	[tilespmem:s25+$0x8E70] =	vst v23  }
0x340: {  	v23 =	vld.idx.msk [tilespmem:v25+s4+$0x0], $0xffff  }
0x341: {  	v43 =	vor.u32 v3, v42;
	_ =	sdelay $0x3  }
0x342: {  	[tilespmem:s25+$0x8E80] =	vst v23  }
0x343: {  	v23 =	vld.idx.msk [tilespmem:v43+s4+$0x0], $0xffff  }
0x344: {  	v44 =	vor.u32 v4, v42;
	_ =	sdelay $0x3  }
0x345: {  	[tilespmem:s25+$0x8E90] =	vst v23  }
0x346: {  	v23 =	vld.idx.msk [tilespmem:v44+s4+$0x0], $0xffff  }
0x347: {  	v24 =	vor.u32 v5, v42;
	_ =	sdelay $0x2  }
0x348: {  	v45 =	vperm.xlane v22, v15  }
0x349: {  	[tilespmem:s25+$0x8EA0] =	vst v23  }
0x34a: {  	v46 =	vshll.u32 v45, $0x7;
	v23 =	vld.idx.msk [tilespmem:v24+s4+$0x0], $0xffff  }
0x34b: {  	v25 =	vor.u32 v2, v46;
	_ =	sdelay $0x3  }
0x34c: {  	[tilespmem:s25+$0x8EB0] =	vst v23  }
0x34d: {  	v23 =	vld.idx.msk [tilespmem:v25+s4+$0x0], $0xffff  }
0x34e: {  	v47 =	vor.u32 v3, v46;
	_ =	sdelay $0x3  }
0x34f: {  	[tilespmem:s25+$0x8EC0] =	vst v23  }
0x350: {  	v23 =	vld.idx.msk [tilespmem:v47+s4+$0x0], $0xffff  }
0x351: {  	v48 =	vor.u32 v4, v46;
	_ =	sdelay $0x3  }
0x352: {  	[tilespmem:s25+$0x8ED0] =	vst v23  }
0x353: {  	v23 =	vld.idx.msk [tilespmem:v48+s4+$0x0], $0xffff  }
0x354: {  	v24 =	vor.u32 v5, v46;
	_ =	sdelay $0x2  }
0x355: {  	v49 =	vperm.xlane v22, v16  }
0x356: {  	[tilespmem:s25+$0x8EE0] =	vst v23  }
0x357: {  	v50 =	vshll.u32 v49, $0x7;
	v23 =	vld.idx.msk [tilespmem:v24+s4+$0x0], $0xffff  }
0x358: {  	v25 =	vor.u32 v2, v50;
	_ =	sdelay $0x3  }
0x359: {  	[tilespmem:s25+$0x8EF0] =	vst v23  }
0x35a: {  	v23 =	vld.idx.msk [tilespmem:v25+s4+$0x0], $0xffff  }
0x35b: {  	v51 =	vor.u32 v3, v50;
	_ =	sdelay $0x3  }
0x35c: {  	[tilespmem:s25+$0x8F00] =	vst v23  }
0x35d: {  	v23 =	vld.idx.msk [tilespmem:v51+s4+$0x0], $0xffff  }
0x35e: {  	v52 =	vor.u32 v4, v50;
	_ =	sdelay $0x3  }
0x35f: {  	[tilespmem:s25+$0x8F10] =	vst v23  }
0x360: {  	v23 =	vld.idx.msk [tilespmem:v52+s4+$0x0], $0xffff  }
0x361: {  	v24 =	vor.u32 v5, v50;
	_ =	sdelay $0x2  }
0x362: {  	v53 =	vperm.xlane v22, v17  }
0x363: {  	[tilespmem:s25+$0x8F20] =	vst v23  }
0x364: {  	v54 =	vshll.u32 v53, $0x7;
	v23 =	vld.idx.msk [tilespmem:v24+s4+$0x0], $0xffff  }
0x365: {  	v25 =	vor.u32 v2, v54;
	_ =	sdelay $0x3  }
0x366: {  	[tilespmem:s25+$0x8F30] =	vst v23  }
0x367: {  	v23 =	vld.idx.msk [tilespmem:v25+s4+$0x0], $0xffff  }
0x368: {  	v55 =	vor.u32 v3, v54;
	_ =	sdelay $0x3  }
0x369: {  	[tilespmem:s25+$0x8F40] =	vst v23  }
0x36a: {  	v23 =	vld.idx.msk [tilespmem:v55+s4+$0x0], $0xffff  }
0x36b: {  	v56 =	vor.u32 v4, v54;
	_ =	sdelay $0x3  }
0x36c: {  	[tilespmem:s25+$0x8F50] =	vst v23  }
0x36d: {  	v23 =	vld.idx.msk [tilespmem:v56+s4+$0x0], $0xffff  }
0x36e: {  	v24 =	vor.u32 v5, v54;
	_ =	sdelay $0x2  }
0x36f: {  	v57 =	vperm.xlane v22, v18  }
0x370: {  	[tilespmem:s25+$0x8F60] =	vst v23  }
0x371: {  	v58 =	vshll.u32 v57, $0x7;
	v23 =	vld.idx.msk [tilespmem:v24+s4+$0x0], $0xffff  }
0x372: {  	v25 =	vor.u32 v2, v58;
	_ =	sdelay $0x3  }
0x373: {  	[tilespmem:s25+$0x8F70] =	vst v23  }
0x374: {  	v23 =	vld.idx.msk [tilespmem:v25+s4+$0x0], $0xffff  }
0x375: {  	v59 =	vor.u32 v3, v58;
	_ =	sdelay $0x3  }
0x376: {  	[tilespmem:s25+$0x8F80] =	vst v23  }
0x377: {  	v23 =	vld.idx.msk [tilespmem:v59+s4+$0x0], $0xffff  }
0x378: {  	v60 =	vor.u32 v4, v58;
	_ =	sdelay $0x3  }
0x379: {  	[tilespmem:s25+$0x8F90] =	vst v23  }
0x37a: {  	v23 =	vld.idx.msk [tilespmem:v60+s4+$0x0], $0xffff  }
0x37b: {  	v24 =	vor.u32 v5, v58;
	_ =	sdelay $0x2  }
0x37c: {  	v22 =	vperm.xlane v22, v19  }
0x37d: {  	[tilespmem:s25+$0x8FA0] =	vst v23  }
0x37e: {  	v22 =	vshll.u32 v22, $0x7;
	v23 =	vld.idx.msk [tilespmem:v24+s4+$0x0], $0xffff  }
0x37f: {  	v61 =	vor.u32 v2, v22;
	_ =	sdelay $0x3  }
0x380: {  	[tilespmem:s25+$0x8FB0] =	vst v23  }
0x381: {  	v23 =	vld.idx.msk [tilespmem:v61+s4+$0x0], $0xffff  }
0x382: {  	v62 =	vor.u32 v3, v22;
	_ =	sdelay $0x3  }
0x383: {  	[tilespmem:s25+$0x8FC0] =	vst v23  }
0x384: {  	v23 =	vld.idx.msk [tilespmem:v62+s4+$0x0], $0xffff  }
0x385: {  	v63 =	vor.u32 v4, v22;
	_ =	sdelay $0x3  }
0x386: {  	[tilespmem:s25+$0x8FD0] =	vst v23  }
0x387: {  	v23 =	vld.idx.msk [tilespmem:v63+s4+$0x0], $0xffff  }
0x388: {  	v22 =	vor.u32 v5, v22;
	_ =	sdelay $0x3  }
0x389: {  	[tilespmem:s25+$0x8FE0] =	vst v23  }
0x38a: {  	p0 =	sne.s32 s24, $0x1F000;
	v22 =	vld.idx.msk [tilespmem:v22+s4+$0x0], $0xffff  }
.Ltmp3:
0x38b: {  	_ = 	snop;
	(pc) =	sbr.rel @p0 .LBB2_9-.Ltmp3, $2  }
0x38c: {  	_ =	sdelay $0x2  }
0x38d: {  	v21 =	vadd.s32 $0x10, v21;
	s24 =	sadd.s32 $0x1000, s24;
	[tilespmem:s25+$0x8FF0] =	vst v22  }
0x38e: {  	s22 =	sadd.s32 $0x1, s22  }
0x38f: {  	p0 =	sne.s32 s22, $0x32  }
.Ltmp4:
0x390: {  	_ = 	snop;
	(pc) =	sbr.rel @p0 .LBB2_2-.Ltmp4, $3  }
0x391: {  	_ =	sdelay $0x1  }
0x392: {  	s23 =	sadd.s32 s23, s9  }
0x393: {  	[hbm4b:s23+s4] =	stream.linear.scatter [tilespmem:s17], [sflag:$0x2], $0x8000, $0x38;
	[tilespmem:$0x10C00] =	vst v63  }
0x394: {  	s21 =	sadd.s32 $0x1, s21  }
0x395: {  	_ =	swait.ge [sflag:s19], $0x8000;
	p0 =	sne.s32 s21, s11  }
.Ltmp5:
0x396: {  	[sflag:s19] =	ssyncset.done $0x0;
	(pc) =	sbr.rel @p0 .LBB2_1-.Ltmp5, $4  }
0x397: {  	[sflag:s19] =	ssyncadd.s32 $0xFFFF8000  }
0x398: {  	_ =	swait.ge [sflag:s20], $0x8000  }
0x399: {  	[sflag:s20] =	ssyncset.done $0x0  }
0x39a: {  	[sflag:s20] =	ssyncadd.s32 $0xFFFF8000  }
0x39b: {  	_ =	sfence.sel $0x180000  }
0x39c: {  	[bflag:$0x0] =	sbarrier.arrive $0xFFFF  }
0x39d: {  	p0 =	sne.s32 s1, $0x0;
	_ =	strace $0x90000047  }
0x39e: {  	s0 =	sadd.s32 @!p0 $0x100000, s0;
	[bflag:$0x2] =	sbarrier.arrive $0xFFFF  }
0x39f: {  	[sflag:s0] =	ssyncadd.tile.s32 @!p0 $0x1;
	_ =	shalt  }
.Lfunc_end2:
_tile_overlayer_lowered:
.L_overlay_start_2:
0x3a0: {  	(tag) =	ssettag $0x2  }
0x3a1: {  	s0 =	rddreg [dreg:$0x0];
	s2 =	stileid.u32  }
0x3a2: {  	s1 =	rddreg [dreg:$0x1];
	p0 =	sne.s32 s2, $0x0  }
0x3a3: {  	s3 =	rddreg [dreg:$0x2];
	[bflag:$0x3] =	sbarrier.arrive $0xFFFF;
	s2 =	simm.s32 @!p0 $0x1C05  }
0x3a4: {  	[timem:s3], [sflag:s2] =	dma.local @!p0 [hbm:s0], s1  }
0x3a5: {  	s0 =	simm.s32 @!p0 $0x5  }
0x3a6: {  	_ =	swait.ge @!p0 [sflag:s0], s1  }
0x3a7: {  	s1 =	ssub.s32 @!p0 $0x0, s1;
	[sflag:s0] =	ssyncset.done @!p0 $0x0  }
0x3a8: {  	[sflag:s0] =	ssyncadd.s32 @!p0 s1  }
0x3a9: {  	[bflag:$0x3] =	sbarrier.arrive $0xFFFF  }
0x3aa: {  	_ =	shalt  }

// kernel: sparse-core-data-format-call.cloned.1.call-start
scs
called_computation_lowered:
.L_overlay_start_0:
0x0: {  	s2 =	sld [smem:$0x3FD9]  }
0x1: {  	s3 =	sld [smem:$0x3FFE];
	_ =	sdelay $0x1  }
0x2: {  	s1 =	srdreg.scid  }
0x3: {  	s0 =	sand.u32 $0x1, s1  }
0x4: {  	s18 =	sshll.u32 s0, $0xA;
	s2 =	sadd.s32 s3, s2  }
0x5: {  	s2 =	sadd.s32 s2, s18  }
0x6: {  	[smem:$0x3FC6] =	sst s2  }
0x7: {  	_ = 	snop  }
0x8: {  	s2 =	sld [smem:$0x3FD0];
	(tm) =	ssettm $0x1  }
0x9: {  	s19 =	sld [smem:$0x3FFB];
	_ =	sdelay $0x3  }
0xa: {  	_ =	strace s19  }
0xb: {  	s3 =	sld [smem:$0x3FFC];
	_ =	sdelay $0x3  }
0xc: {  	_ =	strace s3  }
0xd: {  	s3 =	sld [smem:$0x3FFD];
	_ =	sdelay $0x3  }
0xe: {  	_ =	strace s3  }
0xf: {  	_ =	strace $0x8FFFFFFF  }
0x10: {  	s20 =	sld [smem:$0x3FDB];
	_ =	sdelay $0x1  }
0x11: {  	s4 =	simm.s32 $_scs_section_size  }
0x12: {  	s5 =	simm.s32 $_size__tile_overlayer_lowered;
	s6 =	simm.s32 $_tile_overlayer_lowered  }
0x13: {  	s23 =	simm.s32 $0x1BFF;
	s22 =	sshll.u32 s6, $0x1;
	s3 =	sadd.s32 s4, s20  }
0x14: {  	s7 =	simm.s32 $0x0;
	s21 =	sshll.u32 s5, $0x1;
	s5 =	sadd.s32 s22, s3  }
0x15: {  	[timem:s7], [sflag:s23] =	dma.local [hbm:s5], s21  }
0x16: {  	_ =	swait.ge [sflag:s23], s21  }
0x17: {  	s4 =	ssub.s32 $0x0, s21;
	[sflag:s23] =	ssyncset.done $0x0  }
0x18: {  	[sflag:s23] =	ssyncadd.s32 s4;
	_ =	sdelay $0x1  }
0x19: {  	s24 =	simm.s32 $0x1B8B  }
0x1a: {  	_ =	swait.ge [sflag:s24], $0x1  }
0x1b: {  	[sflag:s24] =	ssyncset.done $0x0  }
0x1c: {  	s26 =	simm.s32 $0x1B8E;
	s25 =	sld [smem:$0x3FFE];
	[sflag:s24] =	ssyncadd.s32 $0xFFFFFFFF  }
0x1d: {  	s27 =	simm.s32 $execute0_lowered;
	[smem:$0x3FD2] =	sst s26  }
0x1e: {  	s5 =	sshll.u32 s27, $0x1;
	_ =	strace $0x80000049;
	[dreg:$0x1] =	wrdreg $0xFFFFFFFF  }
0x1f: {  	s28 =	simm.s32 $_size_execute0_lowered;
	s3 =	sadd.s32 s3, s5;
	[dreg:$0x0] =	wrdreg $0x0  }
0x20: {  	s5 =	sshll.u32 s28, $0x1;
	[dreg:$0x2] =	wrdreg s3  }
0x21: {  	[dreg:$0x3] =	wrdreg s5  }
0x22: {  	[dreg:$0x4] =	wrdreg $0xC0  }
0x23: {  	_ =	task [dreg:s7], $0x5FFFF  }
0x24: {  	[dreg:$0x1] =	wrdreg $0xFFFFFFFF  }
0x25: {  	[dreg:$0x0] =	wrdreg $0x60  }
0x26: {  	[dreg:$0x2] =	wrdreg s25  }
0x27: {  	[dreg:$0x3] =	wrdreg s2  }
0x28: {  	[dreg:$0x4] =	wrdreg $0x9  }
0x29: {  	_ =	task.clear_ibuf [dreg:s7], $0x5FFFF;
	_ =	strace $0x90000049  }
0x2a: {  	s29 =	simm.s32 $0x9;
	_ =	strace $0x8000004B  }
0x2b: {  	_ =	swait.ge [sflag:s29], $0x1  }
0x2c: {  	[sflag:s29] =	ssyncadd.s32 $0xFFFFFFFF  }
0x2d: {  	_ =	strace $0x9000004B  }
0x2e: {  	_ =	sfence  }
0x2f: {  	s30 =	sld [smem:$0x0];
	_ =	sdelay $0x2  }
0x30: {  	s31 =	sshll.u32 s1, $0xD;
	s1 =	sshrl.u32 s1, $0x2  }
0x31: {  	s3 =	sand.u32 $0x4000, s31;
	s1 =	sadd.s32 s1, s30  }
0x32: {  	s0 =	sor.u32 s3, s0;
	s1 =	sshll.u32 s1, $0x11  }
0x33: {  	s0 =	sor.u32 s1, s0  }
0x34: {  	s0 =	sadd.s32 $0x8F2B, s0  }
0x35: {  	[sflag:s0] =	ssyncadd.remote.s32 $0x1  }
0x36: {  	_ =	sfence.sel $0xFFFF  }
0x37: {  	[dreg:$0x0] =	wrdreg $0xFFFFFFFF;
	(pc) =	sbr.abs _section_cstart, $3  }
0x38: {  	[dreg:$0x1] =	wrdreg $0xFFFFFFFF  }
0x39: {  	_ =	task.clear_ibuf [dreg:s7], $0x2FFFF;
	_ =	strace $0x9FFFFFFF  }
0x3a: {  	(tm) =	ssettm $0x7FFFFFFF  }
0x3b: {  	_ =	shalt  }
tec
execute0_lowered:
.L_overlay_start_1:
0x0: {  	(tag) =	ssettag $0x1  }
0x1: {  	s0 =	srdreg.scid  }
0x2: {  	s1 =	sshll.u32 s0, $0x4  }
0x3: {  	s0 =	stileid.u32;
	s1 =	sand.u32 $0x10, s1  }
0x4: {  	s1 =	sor.u32 s0, s1  }
0x5: {  	s6 =	rddreg [dreg:$0x0];
	s4 =	simm.s32 $0x1;
	s2 =	sshll.u32 s1, $0x7  }
0x6: {  	s7 =	simm.s32 $0x2;
	s12 =	simm.s32 $0x0;
	s1 =	ssub.s32 $0x4000, s2  }
0x7: {  	s8 =	simm.s32 $0x20000;
	s13 =	simm.s32 $0x0;
	s3 =	sand.u32 $0xF80, s1  }
0x8: {  	s9 =	simm.s32 $0x0;
	s5 =	sshrl.u32 s1, $0xC;
	p0 =	sne.s32 s3, $0x0  }
.Ltmp0:
0x9: {  	s1 =	rddreg [dreg:$0x2];
	s4 =	simm.s32 @!p0 $0x0;
	(pc) =	sbr.rel .LBB1_1-.Ltmp0, $4  }
0xa: {  	s11 =	simm.s32 $0x0;
	s3 =	rddreg [dreg:$0x1];
	s5 =	sadd.s32 s4, s5  }
0xb: {  	_ =	strace $0x8000004A;
	s4 =	simm.s32 $0x1;
	s5 =	smul.u32 $0xC8, s5  }
0xc: {  	s6 =	sadd.s32 $0x800, s6;
	s10 =	smov.u32 s2;
	[sflag:s4] =	ssyncpa.u1 $0x0  }
0xd: {  	p0 =	por $0x0, $0x0;
	[sflag:s7] =	ssyncpa.u1 $0x0;
	s7 =	sor.u32 $0x1, s5  }
.LBB1_4:
0xe: {  	s16 =	sshll.u32 s13, $0x3;
	s17 =	sand.u32 $0x78, s13  }
0xf: {  	s30 =	sand.u32 $0x1F800, s13;
	s12 =	sshll.u32 s12, $0x11;
	s16 =	sand.u32 $0x3C00, s16  }
0x10: {  	[tilespmem:s15+$0x810 ss:$0x81] =	vst.msk $0xffff, v2;
	s31 =	sand.u32 $0x7, s13;
	s16 =	sor.u32 s17, s16;
	s17 =	sadd.s32 s3, s30  }
0x11: {  	[tilespmem:s15+$0x1020 ss:$0x81] =	vst.msk $0xffff, v0;
	s13 =	sshll.u32 s31, $0x12;
	s12 =	sadd.s32 s12, s17;
	s16 =	sshrl.u32 s16, $0x3  }
0x12: {  	[tilespmem:s15+$0x0 ss:$0x81] =	vst.msk $0xffff, v1;
	s13 =	sor.u32 $0x400, s13;
	s12 =	sadd.s32 s16, s12  }
0x13: {  	[hbm4b:s12+s13] =	stream.strided.scatter [tilespmem:s14], [sflag:$0x2], $0x2000, s8, s13, $0x20;
	[tilespmem:$0x8080] =	vst v63  }
.LBB1_5:
0x14: {  	s14 =	sadd.s32 $0x1, s9  }
0x15: {  	s12 =	sadd.s32 $0x1000, s10;
	s16 =	smov.u32 s10;
	p2 =	sgt.s32 s14, $0xC7  }
0x16: {  	s16 =	smov.u32 @p2 s12  }
0x17: {  	s14 =	simm.s32 @p2 $0x0;
	p2 =	sgt.s32 s16, $0x3FFF  }
0x18: {  	s16 =	smov.u32 @p2 s2;
	p2 =	sne.s32 s11, s7  }
.Ltmp1:
0x19: {  	p1 =	slt.u32 s11, $0x2;
	(pc) =	sbr.rel @!p2 .LBB1_6-.Ltmp1, $4  }
0x1a: {  	s15 =	simm.s32 @!p1 $0x2  }
0x1b: {  	s13 =	smov.u32 s10;
	p0 =	por !p0, !p0;
	_ =	swait.ge @!p1 [sflag:s15], $0x2000  }
0x1c: {  	s12 =	smov.u32 s9;
	[sflag:s15] =	ssyncset.done @!p1 $0x0;
	s9 =	smov.u32 s14  }
0x1d: {  	s11 =	sadd.s32 $0x1, s11;
	[sflag:s15] =	ssyncadd.s32 @!p1 $0xFFFFE000;
	s10 =	smov.u32 s16  }
.LBB1_1:
0x1e: {  	p1 =	sge.u32 s11, s5  }
0x1f: {  	s14 =	sand.u32 @!p1 $0x1FFFFFF, s9  }
0x20: {  	s15 =	smulhi.u32 @!p1 $0x147AE15, s14;
	_ =	sdelay $0x1  }
0x21: {  	s15 =	smul.u32 @!p1 $0xC8, s15  }
0x22: {  	s16 =	sxor.u32 @!p1 $0xFFFFFFFF, s11;
	s17 =	smul.u32 @!p1 $0xC80, s10  }
0x23: {  	s31 =	sadd.s32 $0xFFFFFFFF, s11;
	s16 =	sshll.u32 @!p1 s16, $0xD;
	s14 =	ssub.s32 @!p1 s14, s15  }
0x24: {  	s15 =	sand.u32 @!p1 $0x2000, s16;
	s16 =	sadd.s32 @!p1 s6, s17;
	s14 =	sshll.u32 @!p1 s14, $0x4  }
0x25: {  	s17 =	simm.s32 @!p1 $0x6400;
	s14 =	sadd.s32 @!p1 s14, s16;
	s16 =	simm.s32 @!p1 $0x40  }
0x26: {  	[tilespmem:s15], [sflag:$0x1] =	stream.strided.gather @!p1 [hbm4b:s14+s16], $0x2000, s17, s16, $0x38;
	[tilespmem:$0x8080] =	vst v63  }
0x27: {  	p1 =	sge.u32 s31, s5  }
.Ltmp2:
0x28: {  	_ = 	snop;
	(pc) =	sbr.rel @p1 .LBB1_5-.Ltmp2, $1  }
0x29: {  	_ =	sdelay $0x3  }
0x2a: {  	s14 =	simm.s32 $0x1  }
0x2b: {  	_ =	swait.ge [sflag:s4], $0x2000;
	s14 =	simm.s32 @!p0 $0x0  }
0x2c: {  	[sflag:s4] =	ssyncset.done $0x0;
	s15 =	sshll.u32 s14, $0xD  }
0x2d: {  	[sflag:s4] =	ssyncadd.s32 $0xFFFFE000;
	s18 =	sor.u32 $0x20, s15  }
0x2e: {  	s14 =	smul.u32 $0x8100, s14;
	v3 =	vld [tilespmem:s18+$0x10]  }
0x2f: {  	s30 =	sand.u32 $0x1, s11;
	v2 =	vld [tilespmem:s18+$0xFFFFFFF0]  }
0x30: {  	s15 =	smul.u32 $0x8100, s30;
	s14 =	sshrl.u32 s14, $0x2;
	v0 =	vld [tilespmem:s18+$0x0]  }
0x31: {  	v1 =	vld [tilespmem:s18+$0xFFFFFFE0];
	s16 =	sor.u32 $0x4000, s14  }
0x32: {  	s31 =	sshrl.u32 s15, $0x2;
	s15 =	sadd.s32 $0x0, s16  }
0x33: {  	s17 =	simm.s32 $0x4;
	s18 =	sadd.s32 $0x40, s18;
	s14 =	sor.u32 $0x4000, s31;
	[tilespmem:s15+$0x1830 ss:$0x81] =	vst.msk $0xffff, v3  }
.LBB1_3:
0x34: {  	v3 =	vld [tilespmem:s18+$0x10];
	p1 =	sne.s32 s17, $0x1FC;
	[tilespmem:s15+$0x810 ss:$0x81] =	vst.msk $0xffff, v2;
	s19 =	smov.u32 s17;
	s17 =	sadd.s32 $0x4, s17  }
.Ltmp3:
0x35: {  	v2 =	vld [tilespmem:s18+$0xFFFFFFF0];
	[tilespmem:s15+$0x1020 ss:$0x81] =	vst.msk $0xffff, v0;
	(pc) =	sbr.rel @p1 .LBB1_3-.Ltmp3, $4  }
0x36: {  	v0 =	vld [tilespmem:s18+$0x0];
	[tilespmem:s15+$0x0 ss:$0x81] =	vst.msk $0xffff, v1  }
0x37: {  	s15 =	sshra.s32 s19, $0x2;
	v1 =	vld [tilespmem:s18+$0xFFFFFFE0]  }
0x38: {  	s15 =	sadd.s32 s15, s16  }
0x39: {  	s18 =	sadd.s32 $0x40, s18;
	[tilespmem:s15+$0x1830 ss:$0x81] =	vst.msk $0xffff, v3  }
.Ltmp4:
0x3a: {  	_ = 	snop;
	(pc) =	sbr.rel .LBB1_4-.Ltmp4, $1  }
0x3b: {  	_ =	sdelay $0x3  }
.LBB1_6:
0x3c: {  	_ =	sfence.sel $0x180000  }
0x3d: {  	s2 =	simm.s32 $0x1;
	[bflag:$0x0] =	sbarrier.arrive $0xFFFF  }
0x3e: {  	s31 =	simm.s32 $0x2;
	[sflag:s2] =	ssyncpa.u1 $0x1  }
0x3f: {  	[sflag:s31] =	ssyncpa.u1 $0x1  }
0x40: {  	p0 =	sne.s32 s0, $0x0;
	_ =	strace $0x9000004A  }
0x41: {  	s0 =	sadd.s32 @!p0 $0x100000, s1;
	[bflag:$0x2] =	sbarrier.arrive $0xFFFF  }
0x42: {  	[sflag:s0] =	ssyncadd.tile.s32 @!p0 $0x1;
	_ =	shalt  }
.Lfunc_end1:
_tile_overlayer_lowered:
.L_overlay_start_2:
0x43: {  	(tag) =	ssettag $0x2  }
0x44: {  	s0 =	rddreg [dreg:$0x0];
	s2 =	stileid.u32  }
0x45: {  	s1 =	rddreg [dreg:$0x1];
	p0 =	sne.s32 s2, $0x0  }
0x46: {  	s3 =	rddreg [dreg:$0x2];
	[bflag:$0x3] =	sbarrier.arrive $0xFFFF;
	s2 =	simm.s32 @!p0 $0x1C01  }
0x47: {  	[timem:s3], [sflag:s2] =	dma.local @!p0 [hbm:s0], s1  }
0x48: {  	s0 =	simm.s32 @!p0 $0x1  }
0x49: {  	_ =	swait.ge @!p0 [sflag:s0], s1  }
0x4a: {  	s1 =	ssub.s32 @!p0 $0x0, s1;
	[sflag:s0] =	ssyncset.done @!p0 $0x0  }
0x4b: {  	[sflag:s0] =	ssyncadd.s32 @!p0 s1  }
0x4c: {  	[bflag:$0x3] =	sbarrier.arrive $0xFFFF  }
0x4d: {  	_ =	shalt  }

</sc_bundles>
